<compile_context>
chip_gen: v7x
topology: tpu7x:2x2x1
jax: 0.10.2.dev20260603
libtpu: 0.0.44.dev20260713+nightly
codegen_flags: <defaults>
</compile_context>

<pallas_src>
import functools

import jax
import jax.numpy as jnp
from jax import lax
from jax.experimental import pallas as pl
from jax.experimental.pallas import tpu as pltpu
from jax.experimental.pallas import tpu_sc as plsc

N = 10000
NP = 10240
E = 320000
D = 16
EBUF = 10112
NPAIR = 39

_mesh = plsc.VectorSubcoreMesh(core_axis_name="c", subcore_axis_name="s")
_f32 = jnp.float32
_params = pltpu.CompilerParams(use_tc_tiling_on_sc=False,
                               needs_layout_passes=False)


def _worker_slice(w):
    off = jnp.where(w < 4, w * EBUF, 4 * EBUF + (w - 4) * 9984)
    nch = jnp.where(w < 4, 79, 78)
    return off, nch


def _load_edges(ei, row, off, w, buf):
    @pl.when(w < 4)
    def _():
        pltpu.sync_copy(ei.at[row, pl.ds(off, EBUF)], buf)

    @pl.when(w >= 4)
    def _():
        pltpu.sync_copy(ei.at[row, pl.ds(off, 9984)], buf.at[pl.ds(0, 9984)])


@functools.partial(
    pl.kernel,
    out_type=jax.ShapeDtypeStruct((2, NP), _f32),
    mesh=_mesh,
    compiler_params=_params,
    scratch_types=[
        pltpu.VMEM((EBUF,), jnp.int32),
        pltpu.VMEM((2528,), _f32),
        pltpu.VMEM((640,), _f32),
        pltpu.VMEM_SHARED((NP,), _f32),
        pltpu.SemaphoreType.DMA,
    ],
)
def _sc_deg(ei, deg_out, idxbuf, ones, zbuf, deg_sh, sem):
    c = lax.axis_index("c")
    s = lax.axis_index("s")
    w = s * 2 + c
    off, nch = _worker_slice(w)

    zero16 = jnp.zeros((16,), _f32)
    one16 = jnp.ones((16,), _f32)

    def _fill_z(i, _):
        zbuf[pl.ds(i * 16, 16)] = zero16
        return 0

    lax.fori_loop(0, 40, _fill_z, 0)

    def _fill_o(i, _):
        ones[pl.ds(i * 16, 16)] = one16
        return 0

    lax.fori_loop(0, 158, _fill_o, 0)

    pltpu.sync_copy(zbuf, deg_sh.at[pl.ds(s * 640, 640)])
    _load_edges(ei, 1, off, w, idxbuf)
    plsc.subcore_barrier()

    def _run(cs):
        for j in range(4):
            pltpu.async_copy(ones.at[pl.ds(0, cs)],
                             deg_sh.at[idxbuf.at[pl.ds(j * cs, cs)]],
                             sem, add=True)
        for j in range(4):
            pltpu.make_async_copy(ones.at[pl.ds(0, cs)],
                                  deg_sh.at[idxbuf.at[pl.ds(j * cs, cs)]],
                                  sem).wait()

    @pl.when(w < 4)
    def _():
        _run(2528)

    @pl.when(w >= 4)
    def _():
        _run(2496)

    plsc.subcore_barrier()

    pltpu.sync_copy(deg_sh.at[pl.ds(s * 640, 640)], zbuf)
    pltpu.sync_copy(zbuf, deg_out.at[c, pl.ds(s * 640, 640)])


@functools.partial(
    pl.kernel,
    out_type=jax.ShapeDtypeStruct((2, NP, D), _f32),
    mesh=_mesh,
    compiler_params=_params,
    scratch_types=[
        pltpu.VMEM((EBUF,), jnp.int32),
        pltpu.VMEM((EBUF,), jnp.int32),
        pltpu.VMEM((1264, D), _f32),
        pltpu.VMEM((1264, D), _f32),
        pltpu.VMEM((640, D), _f32),
        pltpu.VMEM_SHARED((NP, D), _f32),
        pltpu.VMEM_SHARED((NP, D), _f32),
        pltpu.SemaphoreType.DMA,
        pltpu.SemaphoreType.DMA,
    ],
)
def _sc_agg_rows(ei, g1, p_out, srcbuf, dstbuf, rowsA, rowsB,
                 stagebuf, g1_sh, agg_sh, semA, semB):
    c = lax.axis_index("c")
    s = lax.axis_index("s")
    w = s * 2 + c
    off, nch = _worker_slice(w)

    zero16 = jnp.zeros((16,), _f32)

    def _fill_z(i, _):
        stagebuf[i, :] = zero16
        return 0

    lax.fori_loop(0, 640, _fill_z, 0)
    pltpu.sync_copy(stagebuf, agg_sh.at[pl.ds(s * 640, 640)])

    pltpu.sync_copy(g1.at[pl.ds(s * 640, 640)], stagebuf)
    pltpu.sync_copy(stagebuf, g1_sh.at[pl.ds(s * 640, 640)])

    _load_edges(ei, 0, off, w, srcbuf)
    _load_edges(ei, 1, off, w, dstbuf)
    plsc.subcore_barrier()

    def _run(cs):
        bufs = (rowsA, rowsB)
        sems = (semA, semB)

        def _g(j):
            src_idx = srcbuf.at[pl.ds(j * cs, cs)]
            return (g1_sh.at[src_idx], bufs[j % 2].at[pl.ds(0, cs)],
                    sems[j % 2])

        pltpu.async_copy(*_g(0))
        pltpu.async_copy(*_g(1))
        for j in range(8):
            pltpu.make_async_copy(*_g(j)).wait()
            pltpu.sync_copy(bufs[j % 2].at[pl.ds(0, cs)],
                            agg_sh.at[dstbuf.at[pl.ds(j * cs, cs)]],
                            add=True)
            if j + 2 < 8:
                pltpu.async_copy(*_g(j + 2))

    @pl.when(w < 4)
    def _():
        _run(1264)

    @pl.when(w >= 4)
    def _():
        _run(1248)

    plsc.subcore_barrier()

    pltpu.sync_copy(agg_sh.at[pl.ds(s * 640, 640)], stagebuf)
    pltpu.sync_copy(stagebuf, p_out.at[c, pl.ds(s * 640, 640)])


@functools.partial(
    pl.kernel,
    out_type=jax.ShapeDtypeStruct((2, NP), _f32),
    mesh=_mesh,
    compiler_params=_params,
    scratch_types=[
        pltpu.VMEM((NP,), _f32),
        pltpu.VMEM((EBUF,), jnp.int32),
        pltpu.VMEM((EBUF,), jnp.int32),
        pltpu.VMEM((2528,), _f32),
        pltpu.VMEM((640,), _f32),
        pltpu.VMEM_SHARED((NP,), _f32),
    ],
)
def _sc_agg_scalar(ei, g2, q_out, g2buf, srcbuf, dstbuf, msg, zbuf,
                   agg_sh):
    c = lax.axis_index("c")
    s = lax.axis_index("s")
    w = s * 2 + c
    off, nch = _worker_slice(w)

    zero16 = jnp.zeros((16,), _f32)

    def _fill_z(i, _):
        zbuf[pl.ds(i * 16, 16)] = zero16
        return 0

    lax.fori_loop(0, 40, _fill_z, 0)
    pltpu.sync_copy(zbuf, agg_sh.at[pl.ds(s * 640, 640)])
    pltpu.sync_copy(g2, g2buf)
    _load_edges(ei, 0, off, w, srcbuf)
    _load_edges(ei, 1, off, w, dstbuf)
    plsc.subcore_barrier()

    def _run(cs):
        for j in range(4):
            def _fill(g, _):
                idx16 = srcbuf[pl.ds(j * cs + g * 16, 16)]
                msg[pl.ds(g * 16, 16)] = plsc.load_gather(g2buf, [idx16])
                return 0

            lax.fori_loop(0, cs // 16, _fill, 0)
            pltpu.sync_copy(msg.at[pl.ds(0, cs)],
                            agg_sh.at[dstbuf.at[pl.ds(j * cs, cs)]],
                            add=True)

    @pl.when(w < 4)
    def _():
        _run(2528)

    @pl.when(w >= 4)
    def _():
        _run(2496)

    plsc.subcore_barrier()

    pltpu.sync_copy(agg_sh.at[pl.ds(s * 640, 640)], zbuf)
    pltpu.sync_copy(zbuf, q_out.at[c, pl.ds(s * 640, 640)])


def _tc_prescale(x, deg2, W1):
    def body(x_ref, deg_ref, w_ref, o_ref):
        dis = lax.rsqrt(deg_ref[0] + deg_ref[1] + 1.0)
        disc = lax.broadcast_in_dim(dis[0:N], (N, D), (0,))
        h = jnp.dot(x_ref[...], w_ref[...], preferred_element_type=_f32)
        o_ref[0:N, :] = h * disc
        o_ref[N:NP, :] = jnp.zeros((NP - N, D), _f32)

    return pl.pallas_call(
        body, out_shape=jax.ShapeDtypeStruct((NP, D), _f32))(x, deg2, W1)


def _tc_mid(p, g1, deg2, b1r, w2r):
    def body(p_ref, g1_ref, deg_ref, b1_ref, w2_ref, o_ref):
        dis = lax.rsqrt(deg_ref[0] + deg_ref[1] + 1.0)
        disc = lax.broadcast_in_dim(dis, (NP, D), (0,))
        z = jnp.maximum(disc * (p_ref[0] + p_ref[1] + g1_ref[...])
                        + b1_ref[...], 0.0)
        h2 = jnp.sum(z * w2_ref[...], axis=1)
        o_ref[...] = dis * h2

    return pl.pallas_call(
        body, out_shape=jax.ShapeDtypeStruct((NP,), _f32))(
            p, g1, deg2, b1r, w2r)


def _tc_final(q, g2, deg2, b2):
    def body(q_ref, g2_ref, deg_ref, b2_ref, o_ref):
        dis = lax.rsqrt(deg_ref[0] + deg_ref[1] + 1.0)
        o_ref[...] = jax.nn.sigmoid(
            dis * (q_ref[0] + q_ref[1] + g2_ref[...]) + b2_ref[...])

    return pl.pallas_call(
        body, out_shape=jax.ShapeDtypeStruct((NP,), _f32))(q, g2, deg2, b2)


def kernel(x, edge_index, W1, b1, W2, b2):
    ei = edge_index.astype(jnp.int32)

    deg2 = _sc_deg(ei)
    g1 = _tc_prescale(x, deg2, W1)
    p = _sc_agg_rows(ei, g1)
    g2 = _tc_mid(p, g1, deg2, b1.reshape(1, D), W2.reshape(1, D))
    q = _sc_agg_scalar(ei, g2)
    out = _tc_final(q, g2, deg2, b2)
    return out[:N].reshape(N, 1)

# --- scband reference (transcript-rebuilt; emitter-appended) ---
"""Pipeline reference for scband-gnnfraud-detector-54339926229323 (READ-ONLY COPY).

The authoritative reference and input builder live on the scoring server;
editing this copy changes nothing except your own understanding.
"""

import jax, jax.numpy as jnp
import numpy as np

N = 10000
E = 320000
D_IN = 128
D_HID = 16
D_OUT = 1


def setup_inputs(seed: int = 0) -> dict:
    key = jax.random.key(seed)
    k1, k2, k3, k4, k5, k6 = jax.random.split(key, 6)
    x = jax.random.normal(k1, (N, D_IN), dtype=jnp.float32)
    edge_index = jax.random.randint(k2, (2, E), 0, N)
    # GCNConv layer 1 params (PyG lin weight is [out,in]; we store transposed [in,out])
    W1 = jax.random.normal(k3, (D_IN, D_HID), dtype=jnp.float32) * (1.0 / np.sqrt(D_IN))
    b1 = jnp.zeros((D_HID,), dtype=jnp.float32)
    # GCNConv layer 2 params
    W2 = jax.random.normal(k4, (D_HID, D_OUT), dtype=jnp.float32) * (1.0 / np.sqrt(D_HID))
    b2 = jnp.zeros((D_OUT,), dtype=jnp.float32)
    return {"x": x, "edge_index": edge_index, "W1": W1, "b1": b1, "W2": W2, "b2": b2}


def _gcn_conv(x, src, dst, W, b, num_nodes):
    # Faithful to torch_geometric GCNConv (add_self_loops=True, normalize=True):
    # 1) x' = x @ W   2) symmetric gcn_norm with self-loops   3) scatter-add aggregate   4) + bias
    h = x @ W
    deg = jnp.zeros((num_nodes,), dtype=x.dtype).at[dst].add(1.0)
    deg_inv_sqrt = jnp.where(deg > 0, jax.lax.rsqrt(jnp.maximum(deg, 1e-12)), 0.0)
    norm = deg_inv_sqrt[src] * deg_inv_sqrt[dst]
    msg = h[src] * norm[:, None]
    out = jnp.zeros((num_nodes, h.shape[1]), dtype=h.dtype).at[dst].add(msg)
    return out + b


def reference(x, edge_index, W1, b1, W2, b2):
    num_nodes = x.shape[0]
    loop = jnp.arange(num_nodes, dtype=edge_index.dtype)
    src = jnp.concatenate([edge_index[0], loop])
    dst = jnp.concatenate([edge_index[1], loop])
    h = _gcn_conv(x, src, dst, W1, b1, num_nodes)
    h = jax.nn.relu(h)
    h = _gcn_conv(h, src, dst, W2, b2, num_nodes)
    return jax.nn.sigmoid(h)

if __name__ == "__main__":
    import jax
    _d = setup_inputs()
    print(jax.jit(kernel)(*tuple(_d.values())))

</pallas_src>

<mosaic_0001>
#map = affine_map<(d0, d1) -> (0, 0)>
module attributes {stable_mosaic.version = 14 : i64} {
  func.func @_sc_deg(%arg0: i32, %arg1: i32, %arg2: memref<2x320000xi32, #tpu.memory_space<hbm>>, %arg3: memref<2x10240xf32, #tpu.memory_space<hbm>>, %arg4: memref<10112xi32, #tpu.memory_space<vmem>>, %arg5: memref<2528xf32, #tpu.memory_space<vmem>>, %arg6: memref<640xf32, #tpu.memory_space<vmem>>, %arg7: memref<10240xf32, #tpu.memory_space<vmem_shared>>, %arg8: memref<!tpu.dma_semaphore, #tpu.memory_space<semaphore_mem>>) attributes {dimension_semantics = [#tpu.dimension_semantics<core_parallel>, #tpu.dimension_semantics<subcore_parallel>], iteration_bounds = array<i64: 2, 16>, scalar_prefetch = 0 : i64, scratch_operands = 5 : i64, tpu.core_type = #tpu.core_type<sc_vector_subcore>, window_params = [{transform_indices = #map}, {transform_indices = #map}]} {
    %mul3A = arith.constant 2 : i32
    %mul3A_0 = arith.muli %arg1, %mul3A : i32
    %add3A = arith.addi %mul3A_0, %arg0 : i32
    %lt3A = arith.constant 4 : i32
    %lt3A_1 = arith.cmpi slt, %add3A, %lt3A : i32
    %mul3A_2 = arith.constant 10112 : i32
    %mul3A_3 = arith.muli %add3A, %mul3A_2 : i32
    %sub3A = arith.constant 4 : i32
    %sub3A_4 = arith.subi %add3A, %sub3A : i32
    %mul3A_5 = arith.constant 9984 : i32
    %mul3A_6 = arith.muli %sub3A_4, %mul3A_5 : i32
    %add3A_7 = arith.constant 40448 : i32
    %add3A_8 = arith.addi %add3A_7, %mul3A_6 : i32
    %select_n3A = arith.select %lt3A_1, %mul3A_3, %add3A_8 : i32
    %lt3A_9 = arith.constant 4 : i32
    %lt3A_10 = arith.cmpi slt, %add3A, %lt3A_9 : i32
    %jit3A = arith.constant 79 : i32
    %jit3A_11 = arith.constant 78 : i32
    %select_n3A_12 = arith.select %lt3A_10, %jit3A, %jit3A_11 : i32
    %broadcast_in_dim3A = arith.constant 0.000000e+00 : f32
    %broadcast_in_dim3A_13 = vector.broadcast %broadcast_in_dim3A : f32 to vector<16xf32>
    %broadcast_in_dim3A_14 = arith.constant 1.000000e+00 : f32
    %broadcast_in_dim3A_15 = vector.broadcast %broadcast_in_dim3A_14 : f32 to vector<16xf32>
    %scan3A = arith.constant 0 : i32
    %scan3A_16 = arith.constant 0 : i32
    %scan3A_17 = arith.constant 40 : i32
    %scan3A_18 = arith.addi %scan3A_16, %scan3A_17 : i32
    %scan3A_19 = arith.constant 1 : i32
    %scan3A_20 = scf.for %scan3A_53 = %scan3A_16 to %scan3A_18 step %scan3A_19 iter_args(%scan3A_54 = %scan3A) -> (i32)  : i32 {
      %mul3A_55 = arith.constant 16 : i32
      %mul3A_56 = arith.muli %scan3A_53, %mul3A_55 : i32
      %swap3A = arith.index_cast %mul3A_56 : i32 to index
      %swap3A_57 = tpu.vector_load %arg6[%swap3A] {strides = array<i32>} : memref<640xf32, #tpu.memory_space<vmem>>, vector<16xf32>,
      tpu.vector_store %arg6[%swap3A], %broadcast_in_dim3A_13 {strides = array<i32>} : memref<640xf32, #tpu.memory_space<vmem>>, vector<16xf32>,
      %scan3A_58 = arith.constant 0 : i32
      scf.yield %scan3A_58 : i32
    }
    %scan3A_21 = arith.constant 40 : i32
    %scan3A_22 = arith.constant 0 : i32
    %scan3A_23 = arith.constant 0 : i32
    %scan3A_24 = arith.constant 158 : i32
    %scan3A_25 = arith.addi %scan3A_23, %scan3A_24 : i32
    %scan3A_26 = arith.constant 1 : i32
    %scan3A_27 = scf.for %scan3A_53 = %scan3A_23 to %scan3A_25 step %scan3A_26 iter_args(%scan3A_54 = %scan3A_22) -> (i32)  : i32 {
      %mul3A_55 = arith.constant 16 : i32
      %mul3A_56 = arith.muli %scan3A_53, %mul3A_55 : i32
      %swap3A = arith.index_cast %mul3A_56 : i32 to index
      %swap3A_57 = tpu.vector_load %arg5[%swap3A] {strides = array<i32>} : memref<2528xf32, #tpu.memory_space<vmem>>, vector<16xf32>,
      tpu.vector_store %arg5[%swap3A], %broadcast_in_dim3A_15 {strides = array<i32>} : memref<2528xf32, #tpu.memory_space<vmem>>, vector<16xf32>,
      %scan3A_58 = arith.constant 0 : i32
      scf.yield %scan3A_58 : i32
    }
    %scan3A_28 = arith.constant 158 : i32
    %mul3A_29 = arith.constant 640 : i32
    %mul3A_30 = arith.muli %arg1, %mul3A_29 : i32
    "tpu.region"() ({
      %run_scoped3A = tpu.sem_alloc : memref<!tpu.dma_semaphore, #tpu.memory_space<semaphore_mem>>
      %dma_start3A = tpu.memref_slice %arg7[%mul3A_30] : memref<10240xf32, #tpu.memory_space<vmem_shared>> -> memref<640xf32, #tpu.memory_space<vmem_shared>>
      %dma_start3A_53 = tpu.memref_slice %arg7[%mul3A_30] : memref<10240xf32, #tpu.memory_space<vmem_shared>> -> memref<640xf32, #tpu.memory_space<vmem_shared>>
      tpu.enqueue_dma source(%arg6 : memref<640xf32, #tpu.memory_space<vmem>>) target(%dma_start3A_53 : memref<640xf32, #tpu.memory_space<vmem_shared>>) target_semaphore(%run_scoped3A : memref<!tpu.dma_semaphore, #tpu.memory_space<semaphore_mem>>)
      %dma_wait3A = tpu.memref_slice %arg7[%mul3A_30] : memref<10240xf32, #tpu.memory_space<vmem_shared>> -> memref<640xf32, #tpu.memory_space<vmem_shared>>
      %dma_wait3A_54 = tpu.memref_slice %arg7[%mul3A_30] : memref<10240xf32, #tpu.memory_space<vmem_shared>> -> memref<640xf32, #tpu.memory_space<vmem_shared>>
      tpu.wait_dma2 semaphore(%run_scoped3A : memref<!tpu.dma_semaphore, #tpu.memory_space<semaphore_mem>>) src(%arg6 : memref<640xf32, #tpu.memory_space<vmem>>) dst(%dma_wait3A_54 : memref<640xf32, #tpu.memory_space<vmem_shared>>)
      tpu.yield
    }) : () -> ()
    %lt3A_31 = arith.constant 4 : i32
    %lt3A_32 = arith.cmpi slt, %add3A, %lt3A_31 : i32
    %convert_element_type3A = arith.extui %lt3A_32 : i1 to i32
    %cond3A = arith.constant 0 : i32
    %cond3A_33 = arith.cmpi ne, %convert_element_type3A, %cond3A : i32
    scf.if %cond3A_33 {
      %run_scoped3A = arith.constant 1 : i32
      "tpu.region"() ({
        %run_scoped3A_53 = tpu.sem_alloc : memref<!tpu.dma_semaphore, #tpu.memory_space<semaphore_mem>>
        %dma_start3A = tpu.memref_slice %arg2[%run_scoped3A, %select_n3A] : memref<2x320000xi32, #tpu.memory_space<hbm>> -> memref<1x10112xi32, #tpu.memory_space<hbm>>
        %dma_start3A_54 = tpu.memref_squeeze %dma_start3A : memref<1x10112xi32, #tpu.memory_space<hbm>> -> memref<10112xi32, #tpu.memory_space<hbm>>
        %dma_start3A_55 = tpu.memref_slice %arg2[%run_scoped3A, %select_n3A] : memref<2x320000xi32, #tpu.memory_space<hbm>> -> memref<1x10112xi32, #tpu.memory_space<hbm>>
        %dma_start3A_56 = tpu.memref_squeeze %dma_start3A_55 : memref<1x10112xi32, #tpu.memory_space<hbm>> -> memref<10112xi32, #tpu.memory_space<hbm>>
        tpu.enqueue_dma source(%dma_start3A_56 : memref<10112xi32, #tpu.memory_space<hbm>>) target(%arg4 : memref<10112xi32, #tpu.memory_space<vmem>>) target_semaphore(%run_scoped3A_53 : memref<!tpu.dma_semaphore, #tpu.memory_space<semaphore_mem>>)
        %dma_wait3A = tpu.memref_slice %arg2[%run_scoped3A, %select_n3A] : memref<2x320000xi32, #tpu.memory_space<hbm>> -> memref<1x10112xi32, #tpu.memory_space<hbm>>
        %dma_wait3A_57 = tpu.memref_squeeze %dma_wait3A : memref<1x10112xi32, #tpu.memory_space<hbm>> -> memref<10112xi32, #tpu.memory_space<hbm>>
        %dma_wait3A_58 = tpu.memref_slice %arg2[%run_scoped3A, %select_n3A] : memref<2x320000xi32, #tpu.memory_space<hbm>> -> memref<1x10112xi32, #tpu.memory_space<hbm>>
        %dma_wait3A_59 = tpu.memref_squeeze %dma_wait3A_58 : memref<1x10112xi32, #tpu.memory_space<hbm>> -> memref<10112xi32, #tpu.memory_space<hbm>>
        tpu.wait_dma2 semaphore(%run_scoped3A_53 : memref<!tpu.dma_semaphore, #tpu.memory_space<semaphore_mem>>) src(%dma_wait3A_59 : memref<10112xi32, #tpu.memory_space<hbm>>) dst(%arg4 : memref<10112xi32, #tpu.memory_space<vmem>>)
        tpu.yield
      }) : () -> ()
    } else {
    }
    %ge3A = arith.constant 4 : i32
    %ge3A_34 = arith.cmpi sge, %add3A, %ge3A : i32
    %convert_element_type3A_35 = arith.extui %ge3A_34 : i1 to i32
    %cond3A_36 = arith.constant 0 : i32
    %cond3A_37 = arith.cmpi ne, %convert_element_type3A_35, %cond3A_36 : i32
    scf.if %cond3A_37 {
      %run_scoped3A = arith.constant 1 : i32
      "tpu.region"() ({
        %run_scoped3A_53 = tpu.sem_alloc : memref<!tpu.dma_semaphore, #tpu.memory_space<semaphore_mem>>
        %dma_start3A = arith.constant 0 : i32
        %dma_start3A_54 = tpu.memref_slice %arg4[%dma_start3A] : memref<10112xi32, #tpu.memory_space<vmem>> -> memref<9984xi32, #tpu.memory_space<vmem>>
        %dma_start3A_55 = tpu.memref_slice %arg2[%run_scoped3A, %select_n3A] : memref<2x320000xi32, #tpu.memory_space<hbm>> -> memref<1x9984xi32, #tpu.memory_space<hbm>>
        %dma_start3A_56 = tpu.memref_squeeze %dma_start3A_55 : memref<1x9984xi32, #tpu.memory_space<hbm>> -> memref<9984xi32, #tpu.memory_space<hbm>>
        %dma_start3A_57 = arith.constant 0 : i32
        %dma_start3A_58 = tpu.memref_slice %arg4[%dma_start3A_57] : memref<10112xi32, #tpu.memory_space<vmem>> -> memref<9984xi32, #tpu.memory_space<vmem>>
        %dma_start3A_59 = tpu.memref_slice %arg2[%run_scoped3A, %select_n3A] : memref<2x320000xi32, #tpu.memory_space<hbm>> -> memref<1x9984xi32, #tpu.memory_space<hbm>>
        %dma_start3A_60 = tpu.memref_squeeze %dma_start3A_59 : memref<1x9984xi32, #tpu.memory_space<hbm>> -> memref<9984xi32, #tpu.memory_space<hbm>>
        tpu.enqueue_dma source(%dma_start3A_60 : memref<9984xi32, #tpu.memory_space<hbm>>) target(%dma_start3A_58 : memref<9984xi32, #tpu.memory_space<vmem>>) target_semaphore(%run_scoped3A_53 : memref<!tpu.dma_semaphore, #tpu.memory_space<semaphore_mem>>)
        %dma_wait3A = arith.constant 0 : i32
        %dma_wait3A_61 = tpu.memref_slice %arg4[%dma_wait3A] : memref<10112xi32, #tpu.memory_space<vmem>> -> memref<9984xi32, #tpu.memory_space<vmem>>
        %dma_wait3A_62 = tpu.memref_slice %arg2[%run_scoped3A, %select_n3A] : memref<2x320000xi32, #tpu.memory_space<hbm>> -> memref<1x9984xi32, #tpu.memory_space<hbm>>
        %dma_wait3A_63 = tpu.memref_squeeze %dma_wait3A_62 : memref<1x9984xi32, #tpu.memory_space<hbm>> -> memref<9984xi32, #tpu.memory_space<hbm>>
        %dma_wait3A_64 = arith.constant 0 : i32
        %dma_wait3A_65 = tpu.memref_slice %arg4[%dma_wait3A_64] : memref<10112xi32, #tpu.memory_space<vmem>> -> memref<9984xi32, #tpu.memory_space<vmem>>
        %dma_wait3A_66 = tpu.memref_slice %arg2[%run_scoped3A, %select_n3A] : memref<2x320000xi32, #tpu.memory_space<hbm>> -> memref<1x9984xi32, #tpu.memory_space<hbm>>
        %dma_wait3A_67 = tpu.memref_squeeze %dma_wait3A_66 : memref<1x9984xi32, #tpu.memory_space<hbm>> -> memref<9984xi32, #tpu.memory_space<hbm>>
        tpu.wait_dma2 semaphore(%run_scoped3A_53 : memref<!tpu.dma_semaphore, #tpu.memory_space<semaphore_mem>>) src(%dma_wait3A_67 : memref<9984xi32, #tpu.memory_space<hbm>>) dst(%dma_wait3A_65 : memref<9984xi32, #tpu.memory_space<vmem>>)
        tpu.yield
      }) : () -> ()
    } else {
    }
    %barrier3A = arith.constant 0 : index
    tpu.barrier barrier_id(%barrier3A)
    %lt3A_38 = arith.constant 4 : i32
    %lt3A_39 = arith.cmpi slt, %add3A, %lt3A_38 : i32
    %convert_element_type3A_40 = arith.extui %lt3A_39 : i1 to i32
    %cond3A_41 = arith.constant 0 : i32
    %cond3A_42 = arith.cmpi ne, %convert_element_type3A_40, %cond3A_41 : i32
    scf.if %cond3A_42 {
      %dma_start3A = arith.constant 0 : i32
      %dma_start3A_53 = tpu.memref_slice %arg5[%dma_start3A] : memref<2528xf32, #tpu.memory_space<vmem>> -> memref<2528xf32, #tpu.memory_space<vmem>>
      %dma_start3A_54 = arith.constant 0 : i32
      %dma_start3A_55 = tpu.memref_slice %arg4[%dma_start3A_54] : memref<10112xi32, #tpu.memory_space<vmem>> -> memref<2528xi32, #tpu.memory_space<vmem>>
      %dma_start3A_56 = arith.constant 0 : i32
      %dma_start3A_57 = tpu.memref_slice %arg7[%dma_start3A_56] : memref<10240xf32, #tpu.memory_space<vmem_shared>> -> memref<10240xf32, #tpu.memory_space<vmem_shared>>
      tpu.enqueue_indirect_dma source(%dma_start3A_53 : memref<2528xf32, #tpu.memory_space<vmem>>) target(%dma_start3A_57 : memref<10240xf32, #tpu.memory_space<vmem_shared>>) offsets(%dma_start3A_55 : memref<2528xi32, #tpu.memory_space<vmem>>) semaphore(%arg8 : memref<!tpu.dma_semaphore, #tpu.memory_space<semaphore_mem>>) {add = true}
      %dma_start3A_58 = arith.constant 0 : i32
      %dma_start3A_59 = tpu.memref_slice %arg5[%dma_start3A_58] : memref<2528xf32, #tpu.memory_space<vmem>> -> memref<2528xf32, #tpu.memory_space<vmem>>
      %dma_start3A_60 = arith.constant 2528 : i32
      %dma_start3A_61 = tpu.memref_slice %arg4[%dma_start3A_60] : memref<10112xi32, #tpu.memory_space<vmem>> -> memref<2528xi32, #tpu.memory_space<vmem>>
      %dma_start3A_62 = arith.constant 0 : i32
      %dma_start3A_63 = tpu.memref_slice %arg7[%dma_start3A_62] : memref<10240xf32, #tpu.memory_space<vmem_shared>> -> memref<10240xf32, #tpu.memory_space<vmem_shared>>
      tpu.enqueue_indirect_dma source(%dma_start3A_59 : memref<2528xf32, #tpu.memory_space<vmem>>) target(%dma_start3A_63 : memref<10240xf32, #tpu.memory_space<vmem_shared>>) offsets(%dma_start3A_61 : memref<2528xi32, #tpu.memory_space<vmem>>) semaphore(%arg8 : memref<!tpu.dma_semaphore, #tpu.memory_space<semaphore_mem>>) {add = true}
      %dma_start3A_64 = arith.constant 0 : i32
      %dma_start3A_65 = tpu.memref_slice %arg5[%dma_start3A_64] : memref<2528xf32, #tpu.memory_space<vmem>> -> memref<2528xf32, #tpu.memory_space<vmem>>
      %dma_start3A_66 = arith.constant 5056 : i32
      %dma_start3A_67 = tpu.memref_slice %arg4[%dma_start3A_66] : memref<10112xi32, #tpu.memory_space<vmem>> -> memref<2528xi32, #tpu.memory_space<vmem>>
      %dma_start3A_68 = arith.constant 0 : i32
      %dma_start3A_69 = tpu.memref_slice %arg7[%dma_start3A_68] : memref<10240xf32, #tpu.memory_space<vmem_shared>> -> memref<10240xf32, #tpu.memory_space<vmem_shared>>
      tpu.enqueue_indirect_dma source(%dma_start3A_65 : memref<2528xf32, #tpu.memory_space<vmem>>) target(%dma_start3A_69 : memref<10240xf32, #tpu.memory_space<vmem_shared>>) offsets(%dma_start3A_67 : memref<2528xi32, #tpu.memory_space<vmem>>) semaphore(%arg8 : memref<!tpu.dma_semaphore, #tpu.memory_space<semaphore_mem>>) {add = true}
      %dma_start3A_70 = arith.constant 0 : i32
      %dma_start3A_71 = tpu.memref_slice %arg5[%dma_start3A_70] : memref<2528xf32, #tpu.memory_space<vmem>> -> memref<2528xf32, #tpu.memory_space<vmem>>
      %dma_start3A_72 = arith.constant 7584 : i32
      %dma_start3A_73 = tpu.memref_slice %arg4[%dma_start3A_72] : memref<10112xi32, #tpu.memory_space<vmem>> -> memref<2528xi32, #tpu.memory_space<vmem>>
      %dma_start3A_74 = arith.constant 0 : i32
      %dma_start3A_75 = tpu.memref_slice %arg7[%dma_start3A_74] : memref<10240xf32, #tpu.memory_space<vmem_shared>> -> memref<10240xf32, #tpu.memory_space<vmem_shared>>
      tpu.enqueue_indirect_dma source(%dma_start3A_71 : memref<2528xf32, #tpu.memory_space<vmem>>) target(%dma_start3A_75 : memref<10240xf32, #tpu.memory_space<vmem_shared>>) offsets(%dma_start3A_73 : memref<2528xi32, #tpu.memory_space<vmem>>) semaphore(%arg8 : memref<!tpu.dma_semaphore, #tpu.memory_space<semaphore_mem>>) {add = true}
      %dma_wait3A = arith.constant 0 : i32
      %dma_wait3A_76 = tpu.memref_slice %arg5[%dma_wait3A] : memref<2528xf32, #tpu.memory_space<vmem>> -> memref<2528xf32, #tpu.memory_space<vmem>>
      %dma_wait3A_77 = arith.constant 0 : i32
      %dma_wait3A_78 = tpu.memref_slice %arg4[%dma_wait3A_77] : memref<10112xi32, #tpu.memory_space<vmem>> -> memref<2528xi32, #tpu.memory_space<vmem>>
      %dma_wait3A_79 = arith.constant 0 : i32
      %dma_wait3A_80 = tpu.memref_slice %arg7[%dma_wait3A_79] : memref<10240xf32, #tpu.memory_space<vmem_shared>> -> memref<10240xf32, #tpu.memory_space<vmem_shared>>
      tpu.wait_indirect_dma semaphore(%arg8 : memref<!tpu.dma_semaphore, #tpu.memory_space<semaphore_mem>>) src(%dma_wait3A_76 : memref<2528xf32, #tpu.memory_space<vmem>>) dst(%dma_wait3A_80 : memref<10240xf32, #tpu.memory_space<vmem_shared>>)
      %dma_wait3A_81 = arith.constant 0 : i32
      %dma_wait3A_82 = tpu.memref_slice %arg5[%dma_wait3A_81] : memref<2528xf32, #tpu.memory_space<vmem>> -> memref<2528xf32, #tpu.memory_space<vmem>>
      %dma_wait3A_83 = arith.constant 2528 : i32
      %dma_wait3A_84 = tpu.memref_slice %arg4[%dma_wait3A_83] : memref<10112xi32, #tpu.memory_space<vmem>> -> memref<2528xi32, #tpu.memory_space<vmem>>
      %dma_wait3A_85 = arith.constant 0 : i32
      %dma_wait3A_86 = tpu.memref_slice %arg7[%dma_wait3A_85] : memref<10240xf32, #tpu.memory_space<vmem_shared>> -> memref<10240xf32, #tpu.memory_space<vmem_shared>>
      tpu.wait_indirect_dma semaphore(%arg8 : memref<!tpu.dma_semaphore, #tpu.memory_space<semaphore_mem>>) src(%dma_wait3A_82 : memref<2528xf32, #tpu.memory_space<vmem>>) dst(%dma_wait3A_86 : memref<10240xf32, #tpu.memory_space<vmem_shared>>)
      %dma_wait3A_87 = arith.constant 0 : i32
      %dma_wait3A_88 = tpu.memref_slice %arg5[%dma_wait3A_87] : memref<2528xf32, #tpu.memory_space<vmem>> -> memref<2528xf32, #tpu.memory_space<vmem>>
      %dma_wait3A_89 = arith.constant 5056 : i32
      %dma_wait3A_90 = tpu.memref_slice %arg4[%dma_wait3A_89] : memref<10112xi32, #tpu.memory_space<vmem>> -> memref<2528xi32, #tpu.memory_space<vmem>>
      %dma_wait3A_91 = arith.constant 0 : i32
      %dma_wait3A_92 = tpu.memref_slice %arg7[%dma_wait3A_91] : memref<10240xf32, #tpu.memory_space<vmem_shared>> -> memref<10240xf32, #tpu.memory_space<vmem_shared>>
      tpu.wait_indirect_dma semaphore(%arg8 : memref<!tpu.dma_semaphore, #tpu.memory_space<semaphore_mem>>) src(%dma_wait3A_88 : memref<2528xf32, #tpu.memory_space<vmem>>) dst(%dma_wait3A_92 : memref<10240xf32, #tpu.memory_space<vmem_shared>>)
      %dma_wait3A_93 = arith.constant 0 : i32
      %dma_wait3A_94 = tpu.memref_slice %arg5[%dma_wait3A_93] : memref<2528xf32, #tpu.memory_space<vmem>> -> memref<2528xf32, #tpu.memory_space<vmem>>
      %dma_wait3A_95 = arith.constant 7584 : i32
      %dma_wait3A_96 = tpu.memref_slice %arg4[%dma_wait3A_95] : memref<10112xi32, #tpu.memory_space<vmem>> -> memref<2528xi32, #tpu.memory_space<vmem>>
      %dma_wait3A_97 = arith.constant 0 : i32
      %dma_wait3A_98 = tpu.memref_slice %arg7[%dma_wait3A_97] : memref<10240xf32, #tpu.memory_space<vmem_shared>> -> memref<10240xf32, #tpu.memory_space<vmem_shared>>
      tpu.wait_indirect_dma semaphore(%arg8 : memref<!tpu.dma_semaphore, #tpu.memory_space<semaphore_mem>>) src(%dma_wait3A_94 : memref<2528xf32, #tpu.memory_space<vmem>>) dst(%dma_wait3A_98 : memref<10240xf32, #tpu.memory_space<vmem_shared>>)
    } else {
    }
    %ge3A_43 = arith.constant 4 : i32
    %ge3A_44 = arith.cmpi sge, %add3A, %ge3A_43 : i32
    %convert_element_type3A_45 = arith.extui %ge3A_44 : i1 to i32
    %cond3A_46 = arith.constant 0 : i32
    %cond3A_47 = arith.cmpi ne, %convert_element_type3A_45, %cond3A_46 : i32
    scf.if %cond3A_47 {
      %dma_start3A = arith.constant 0 : i32
      %dma_start3A_53 = tpu.memref_slice %arg5[%dma_start3A] : memref<2528xf32, #tpu.memory_space<vmem>> -> memref<2496xf32, #tpu.memory_space<vmem>>
      %dma_start3A_54 = arith.constant 0 : i32
      %dma_start3A_55 = tpu.memref_slice %arg4[%dma_start3A_54] : memref<10112xi32, #tpu.memory_space<vmem>> -> memref<2496xi32, #tpu.memory_space<vmem>>
      %dma_start3A_56 = arith.constant 0 : i32
      %dma_start3A_57 = tpu.memref_slice %arg7[%dma_start3A_56] : memref<10240xf32, #tpu.memory_space<vmem_shared>> -> memref<10240xf32, #tpu.memory_space<vmem_shared>>
      tpu.enqueue_indirect_dma source(%dma_start3A_53 : memref<2496xf32, #tpu.memory_space<vmem>>) target(%dma_start3A_57 : memref<10240xf32, #tpu.memory_space<vmem_shared>>) offsets(%dma_start3A_55 : memref<2496xi32, #tpu.memory_space<vmem>>) semaphore(%arg8 : memref<!tpu.dma_semaphore, #tpu.memory_space<semaphore_mem>>) {add = true}
      %dma_start3A_58 = arith.constant 0 : i32
      %dma_start3A_59 = tpu.memref_slice %arg5[%dma_start3A_58] : memref<2528xf32, #tpu.memory_space<vmem>> -> memref<2496xf32, #tpu.memory_space<vmem>>
      %dma_start3A_60 = arith.constant 2496 : i32
      %dma_start3A_61 = tpu.memref_slice %arg4[%dma_start3A_60] : memref<10112xi32, #tpu.memory_space<vmem>> -> memref<2496xi32, #tpu.memory_space<vmem>>
      %dma_start3A_62 = arith.constant 0 : i32
      %dma_start3A_63 = tpu.memref_slice %arg7[%dma_start3A_62] : memref<10240xf32, #tpu.memory_space<vmem_shared>> -> memref<10240xf32, #tpu.memory_space<vmem_shared>>
      tpu.enqueue_indirect_dma source(%dma_start3A_59 : memref<2496xf32, #tpu.memory_space<vmem>>) target(%dma_start3A_63 : memref<10240xf32, #tpu.memory_space<vmem_shared>>) offsets(%dma_start3A_61 : memref<2496xi32, #tpu.memory_space<vmem>>) semaphore(%arg8 : memref<!tpu.dma_semaphore, #tpu.memory_space<semaphore_mem>>) {add = true}
      %dma_start3A_64 = arith.constant 0 : i32
      %dma_start3A_65 = tpu.memref_slice %arg5[%dma_start3A_64] : memref<2528xf32, #tpu.memory_space<vmem>> -> memref<2496xf32, #tpu.memory_space<vmem>>
      %dma_start3A_66 = arith.constant 4992 : i32
      %dma_start3A_67 = tpu.memref_slice %arg4[%dma_start3A_66] : memref<10112xi32, #tpu.memory_space<vmem>> -> memref<2496xi32, #tpu.memory_space<vmem>>
      %dma_start3A_68 = arith.constant 0 : i32
      %dma_start3A_69 = tpu.memref_slice %arg7[%dma_start3A_68] : memref<10240xf32, #tpu.memory_space<vmem_shared>> -> memref<10240xf32, #tpu.memory_space<vmem_shared>>
      tpu.enqueue_indirect_dma source(%dma_start3A_65 : memref<2496xf32, #tpu.memory_space<vmem>>) target(%dma_start3A_69 : memref<10240xf32, #tpu.memory_space<vmem_shared>>) offsets(%dma_start3A_67 : memref<2496xi32, #tpu.memory_space<vmem>>) semaphore(%arg8 : memref<!tpu.dma_semaphore, #tpu.memory_space<semaphore_mem>>) {add = true}
      %dma_start3A_70 = arith.constant 0 : i32
      %dma_start3A_71 = tpu.memref_slice %arg5[%dma_start3A_70] : memref<2528xf32, #tpu.memory_space<vmem>> -> memref<2496xf32, #tpu.memory_space<vmem>>
      %dma_start3A_72 = arith.constant 7488 : i32
      %dma_start3A_73 = tpu.memref_slice %arg4[%dma_start3A_72] : memref<10112xi32, #tpu.memory_space<vmem>> -> memref<2496xi32, #tpu.memory_space<vmem>>
      %dma_start3A_74 = arith.constant 0 : i32
      %dma_start3A_75 = tpu.memref_slice %arg7[%dma_start3A_74] : memref<10240xf32, #tpu.memory_space<vmem_shared>> -> memref<10240xf32, #tpu.memory_space<vmem_shared>>
      tpu.enqueue_indirect_dma source(%dma_start3A_71 : memref<2496xf32, #tpu.memory_space<vmem>>) target(%dma_start3A_75 : memref<10240xf32, #tpu.memory_space<vmem_shared>>) offsets(%dma_start3A_73 : memref<2496xi32, #tpu.memory_space<vmem>>) semaphore(%arg8 : memref<!tpu.dma_semaphore, #tpu.memory_space<semaphore_mem>>) {add = true}
      %dma_wait3A = arith.constant 0 : i32
      %dma_wait3A_76 = tpu.memref_slice %arg5[%dma_wait3A] : memref<2528xf32, #tpu.memory_space<vmem>> -> memref<2496xf32, #tpu.memory_space<vmem>>
      %dma_wait3A_77 = arith.constant 0 : i32
      %dma_wait3A_78 = tpu.memref_slice %arg4[%dma_wait3A_77] : memref<10112xi32, #tpu.memory_space<vmem>> -> memref<2496xi32, #tpu.memory_space<vmem>>
      %dma_wait3A_79 = arith.constant 0 : i32
      %dma_wait3A_80 = tpu.memref_slice %arg7[%dma_wait3A_79] : memref<10240xf32, #tpu.memory_space<vmem_shared>> -> memref<10240xf32, #tpu.memory_space<vmem_shared>>
      tpu.wait_indirect_dma semaphore(%arg8 : memref<!tpu.dma_semaphore, #tpu.memory_space<semaphore_mem>>) src(%dma_wait3A_76 : memref<2496xf32, #tpu.memory_space<vmem>>) dst(%dma_wait3A_80 : memref<10240xf32, #tpu.memory_space<vmem_shared>>)
      %dma_wait3A_81 = arith.constant 0 : i32
      %dma_wait3A_82 = tpu.memref_slice %arg5[%dma_wait3A_81] : memref<2528xf32, #tpu.memory_space<vmem>> -> memref<2496xf32, #tpu.memory_space<vmem>>
      %dma_wait3A_83 = arith.constant 2496 : i32
      %dma_wait3A_84 = tpu.memref_slice %arg4[%dma_wait3A_83] : memref<10112xi32, #tpu.memory_space<vmem>> -> memref<2496xi32, #tpu.memory_space<vmem>>
      %dma_wait3A_85 = arith.constant 0 : i32
      %dma_wait3A_86 = tpu.memref_slice %arg7[%dma_wait3A_85] : memref<10240xf32, #tpu.memory_space<vmem_shared>> -> memref<10240xf32, #tpu.memory_space<vmem_shared>>
      tpu.wait_indirect_dma semaphore(%arg8 : memref<!tpu.dma_semaphore, #tpu.memory_space<semaphore_mem>>) src(%dma_wait3A_82 : memref<2496xf32, #tpu.memory_space<vmem>>) dst(%dma_wait3A_86 : memref<10240xf32, #tpu.memory_space<vmem_shared>>)
      %dma_wait3A_87 = arith.constant 0 : i32
      %dma_wait3A_88 = tpu.memref_slice %arg5[%dma_wait3A_87] : memref<2528xf32, #tpu.memory_space<vmem>> -> memref<2496xf32, #tpu.memory_space<vmem>>
      %dma_wait3A_89 = arith.constant 4992 : i32
      %dma_wait3A_90 = tpu.memref_slice %arg4[%dma_wait3A_89] : memref<10112xi32, #tpu.memory_space<vmem>> -> memref<2496xi32, #tpu.memory_space<vmem>>
      %dma_wait3A_91 = arith.constant 0 : i32
      %dma_wait3A_92 = tpu.memref_slice %arg7[%dma_wait3A_91] : memref<10240xf32, #tpu.memory_space<vmem_shared>> -> memref<10240xf32, #tpu.memory_space<vmem_shared>>
      tpu.wait_indirect_dma semaphore(%arg8 : memref<!tpu.dma_semaphore, #tpu.memory_space<semaphore_mem>>) src(%dma_wait3A_88 : memref<2496xf32, #tpu.memory_space<vmem>>) dst(%dma_wait3A_92 : memref<10240xf32, #tpu.memory_space<vmem_shared>>)
      %dma_wait3A_93 = arith.constant 0 : i32
      %dma_wait3A_94 = tpu.memref_slice %arg5[%dma_wait3A_93] : memref<2528xf32, #tpu.memory_space<vmem>> -> memref<2496xf32, #tpu.memory_space<vmem>>
      %dma_wait3A_95 = arith.constant 7488 : i32
      %dma_wait3A_96 = tpu.memref_slice %arg4[%dma_wait3A_95] : memref<10112xi32, #tpu.memory_space<vmem>> -> memref<2496xi32, #tpu.memory_space<vmem>>
      %dma_wait3A_97 = arith.constant 0 : i32
      %dma_wait3A_98 = tpu.memref_slice %arg7[%dma_wait3A_97] : memref<10240xf32, #tpu.memory_space<vmem_shared>> -> memref<10240xf32, #tpu.memory_space<vmem_shared>>
      tpu.wait_indirect_dma semaphore(%arg8 : memref<!tpu.dma_semaphore, #tpu.memory_space<semaphore_mem>>) src(%dma_wait3A_94 : memref<2496xf32, #tpu.memory_space<vmem>>) dst(%dma_wait3A_98 : memref<10240xf32, #tpu.memory_space<vmem_shared>>)
    } else {
    }
    %barrier3A_48 = arith.constant 0 : index
    tpu.barrier barrier_id(%barrier3A_48)
    %mul3A_49 = arith.constant 640 : i32
    %mul3A_50 = arith.muli %arg1, %mul3A_49 : i32
    "tpu.region"() ({
      %run_scoped3A = tpu.sem_alloc : memref<!tpu.dma_semaphore, #tpu.memory_space<semaphore_mem>>
      %dma_start3A = tpu.memref_slice %arg7[%mul3A_50] : memref<10240xf32, #tpu.memory_space<vmem_shared>> -> memref<640xf32, #tpu.memory_space<vmem_shared>>
      %dma_start3A_53 = tpu.memref_slice %arg7[%mul3A_50] : memref<10240xf32, #tpu.memory_space<vmem_shared>> -> memref<640xf32, #tpu.memory_space<vmem_shared>>
      tpu.enqueue_dma source(%dma_start3A_53 : memref<640xf32, #tpu.memory_space<vmem_shared>>) target(%arg6 : memref<640xf32, #tpu.memory_space<vmem>>) target_semaphore(%run_scoped3A : memref<!tpu.dma_semaphore, #tpu.memory_space<semaphore_mem>>)
      %dma_wait3A = tpu.memref_slice %arg7[%mul3A_50] : memref<10240xf32, #tpu.memory_space<vmem_shared>> -> memref<640xf32, #tpu.memory_space<vmem_shared>>
      %dma_wait3A_54 = tpu.memref_slice %arg7[%mul3A_50] : memref<10240xf32, #tpu.memory_space<vmem_shared>> -> memref<640xf32, #tpu.memory_space<vmem_shared>>
      tpu.wait_dma2 semaphore(%run_scoped3A : memref<!tpu.dma_semaphore, #tpu.memory_space<semaphore_mem>>) src(%dma_wait3A_54 : memref<640xf32, #tpu.memory_space<vmem_shared>>) dst(%arg6 : memref<640xf32, #tpu.memory_space<vmem>>)
      tpu.yield
    }) : () -> ()
    %mul3A_51 = arith.constant 640 : i32
    %mul3A_52 = arith.muli %arg1, %mul3A_51 : i32
    "tpu.region"() ({
      %run_scoped3A = tpu.sem_alloc : memref<!tpu.dma_semaphore, #tpu.memory_space<semaphore_mem>>
      %dma_start3A = tpu.memref_slice %arg3[%arg0, %mul3A_52] : memref<2x10240xf32, #tpu.memory_space<hbm>> -> memref<1x640xf32, #tpu.memory_space<hbm>>
      %dma_start3A_53 = tpu.memref_squeeze %dma_start3A : memref<1x640xf32, #tpu.memory_space<hbm>> -> memref<640xf32, #tpu.memory_space<hbm>>
      %dma_start3A_54 = tpu.memref_slice %arg3[%arg0, %mul3A_52] : memref<2x10240xf32, #tpu.memory_space<hbm>> -> memref<1x640xf32, #tpu.memory_space<hbm>>
      %dma_start3A_55 = tpu.memref_squeeze %dma_start3A_54 : memref<1x640xf32, #tpu.memory_space<hbm>> -> memref<640xf32, #tpu.memory_space<hbm>>
      tpu.enqueue_dma source(%arg6 : memref<640xf32, #tpu.memory_space<vmem>>) target(%dma_start3A_55 : memref<640xf32, #tpu.memory_space<hbm>>) target_semaphore(%run_scoped3A : memref<!tpu.dma_semaphore, #tpu.memory_space<semaphore_mem>>)
      %dma_wait3A = tpu.memref_slice %arg3[%arg0, %mul3A_52] : memref<2x10240xf32, #tpu.memory_space<hbm>> -> memref<1x640xf32, #tpu.memory_space<hbm>>
      %dma_wait3A_56 = tpu.memref_squeeze %dma_wait3A : memref<1x640xf32, #tpu.memory_space<hbm>> -> memref<640xf32, #tpu.memory_space<hbm>>
      %dma_wait3A_57 = tpu.memref_slice %arg3[%arg0, %mul3A_52] : memref<2x10240xf32, #tpu.memory_space<hbm>> -> memref<1x640xf32, #tpu.memory_space<hbm>>
      %dma_wait3A_58 = tpu.memref_squeeze %dma_wait3A_57 : memref<1x640xf32, #tpu.memory_space<hbm>> -> memref<640xf32, #tpu.memory_space<hbm>>
      tpu.wait_dma2 semaphore(%run_scoped3A : memref<!tpu.dma_semaphore, #tpu.memory_space<semaphore_mem>>) src(%arg6 : memref<640xf32, #tpu.memory_space<vmem>>) dst(%dma_wait3A_58 : memref<640xf32, #tpu.memory_space<hbm>>)
      tpu.yield
    }) : () -> ()
    return
  }
}

#map = affine_map<(d0, d1) -> (0, 0)>
#map1 = affine_map<(d0, d1) -> (0, 0, 0)>
module attributes {stable_mosaic.version = 14 : i64} {
  func.func @_sc_agg_rows(%arg0: i32, %arg1: i32, %arg2: memref<2x320000xi32, #tpu.memory_space<hbm>>, %arg3: memref<10240x16xf32, #tpu.memory_space<hbm>>, %arg4: memref<2x10240x16xf32, #tpu.memory_space<hbm>>, %arg5: memref<10112xi32, #tpu.memory_space<vmem>>, %arg6: memref<10112xi32, #tpu.memory_space<vmem>>, %arg7: memref<1264x16xf32, #tpu.memory_space<vmem>>, %arg8: memref<1264x16xf32, #tpu.memory_space<vmem>>, %arg9: memref<640x16xf32, #tpu.memory_space<vmem>>, %arg10: memref<10240x16xf32, #tpu.memory_space<vmem_shared>>, %arg11: memref<10240x16xf32, #tpu.memory_space<vmem_shared>>, %arg12: memref<!tpu.dma_semaphore, #tpu.memory_space<semaphore_mem>>, %arg13: memref<!tpu.dma_semaphore, #tpu.memory_space<semaphore_mem>>) attributes {dimension_semantics = [#tpu.dimension_semantics<core_parallel>, #tpu.dimension_semantics<subcore_parallel>], iteration_bounds = array<i64: 2, 16>, scalar_prefetch = 0 : i64, scratch_operands = 9 : i64, tpu.core_type = #tpu.core_type<sc_vector_subcore>, window_params = [{transform_indices = #map}, {transform_indices = #map}, {transform_indices = #map1}]} {
    %mul3A = arith.constant 2 : i32
    %mul3A_0 = arith.muli %arg1, %mul3A : i32
    %add3A = arith.addi %mul3A_0, %arg0 : i32
    %lt3A = arith.constant 4 : i32
    %lt3A_1 = arith.cmpi slt, %add3A, %lt3A : i32
    %mul3A_2 = arith.constant 10112 : i32
    %mul3A_3 = arith.muli %add3A, %mul3A_2 : i32
    %sub3A = arith.constant 4 : i32
    %sub3A_4 = arith.subi %add3A, %sub3A : i32
    %mul3A_5 = arith.constant 9984 : i32
    %mul3A_6 = arith.muli %sub3A_4, %mul3A_5 : i32
    %add3A_7 = arith.constant 40448 : i32
    %add3A_8 = arith.addi %add3A_7, %mul3A_6 : i32
    %select_n3A = arith.select %lt3A_1, %mul3A_3, %add3A_8 : i32
    %lt3A_9 = arith.constant 4 : i32
    %lt3A_10 = arith.cmpi slt, %add3A, %lt3A_9 : i32
    %jit3A = arith.constant 79 : i32
    %jit3A_11 = arith.constant 78 : i32
    %select_n3A_12 = arith.select %lt3A_10, %jit3A, %jit3A_11 : i32
    %broadcast_in_dim3A = arith.constant 0.000000e+00 : f32
    %broadcast_in_dim3A_13 = vector.broadcast %broadcast_in_dim3A : f32 to vector<16xf32>
    %scan3A = arith.constant 0 : i32
    %scan3A_14 = arith.constant 0 : i32
    %scan3A_15 = arith.constant 640 : i32
    %scan3A_16 = arith.addi %scan3A_14, %scan3A_15 : i32
    %scan3A_17 = arith.constant 1 : i32
    %scan3A_18 = scf.for %scan3A_58 = %scan3A_14 to %scan3A_16 step %scan3A_17 iter_args(%scan3A_59 = %scan3A) -> (i32)  : i32 {
      %swap3A = arith.index_cast %scan3A_58 : i32 to index
      %swap3A_60 = arith.constant 0 : index
      %swap3A_61 = tpu.vector_load %arg9[%swap3A, %swap3A_60] {strides = array<i32>} : memref<640x16xf32, #tpu.memory_space<vmem>>, vector<16xf32>,
      tpu.vector_store %arg9[%swap3A, %swap3A_60], %broadcast_in_dim3A_13 {strides = array<i32>} : memref<640x16xf32, #tpu.memory_space<vmem>>, vector<16xf32>,
      %scan3A_62 = arith.constant 0 : i32
      scf.yield %scan3A_62 : i32
    }
    %scan3A_19 = arith.constant 640 : i32
    %mul3A_20 = arith.constant 640 : i32
    %mul3A_21 = arith.muli %arg1, %mul3A_20 : i32
    "tpu.region"() ({
      %run_scoped3A = tpu.sem_alloc : memref<!tpu.dma_semaphore, #tpu.memory_space<semaphore_mem>>
      %dma_start3A = arith.constant 0 : i32
      %dma_start3A_58 = tpu.memref_slice %arg11[%mul3A_21, %dma_start3A] : memref<10240x16xf32, #tpu.memory_space<vmem_shared>> -> memref<640x16xf32, #tpu.memory_space<vmem_shared>>
      %dma_start3A_59 = arith.constant 0 : i32
      %dma_start3A_60 = tpu.memref_slice %arg11[%mul3A_21, %dma_start3A_59] : memref<10240x16xf32, #tpu.memory_space<vmem_shared>> -> memref<640x16xf32, #tpu.memory_space<vmem_shared>>
      tpu.enqueue_dma source(%arg9 : memref<640x16xf32, #tpu.memory_space<vmem>>) target(%dma_start3A_60 : memref<640x16xf32, #tpu.memory_space<vmem_shared>>) target_semaphore(%run_scoped3A : memref<!tpu.dma_semaphore, #tpu.memory_space<semaphore_mem>>)
      %dma_wait3A = arith.constant 0 : i32
      %dma_wait3A_61 = tpu.memref_slice %arg11[%mul3A_21, %dma_wait3A] : memref<10240x16xf32, #tpu.memory_space<vmem_shared>> -> memref<640x16xf32, #tpu.memory_space<vmem_shared>>
      %dma_wait3A_62 = arith.constant 0 : i32
      %dma_wait3A_63 = tpu.memref_slice %arg11[%mul3A_21, %dma_wait3A_62] : memref<10240x16xf32, #tpu.memory_space<vmem_shared>> -> memref<640x16xf32, #tpu.memory_space<vmem_shared>>
      tpu.wait_dma2 semaphore(%run_scoped3A : memref<!tpu.dma_semaphore, #tpu.memory_space<semaphore_mem>>) src(%arg9 : memref<640x16xf32, #tpu.memory_space<vmem>>) dst(%dma_wait3A_63 : memref<640x16xf32, #tpu.memory_space<vmem_shared>>)
      tpu.yield
    }) : () -> ()
    %mul3A_22 = arith.constant 640 : i32
    %mul3A_23 = arith.muli %arg1, %mul3A_22 : i32
    "tpu.region"() ({
      %run_scoped3A = tpu.sem_alloc : memref<!tpu.dma_semaphore, #tpu.memory_space<semaphore_mem>>
      %dma_start3A = arith.constant 0 : i32
      %dma_start3A_58 = tpu.memref_slice %arg3[%mul3A_23, %dma_start3A] : memref<10240x16xf32, #tpu.memory_space<hbm>> -> memref<640x16xf32, #tpu.memory_space<hbm>>
      %dma_start3A_59 = arith.constant 0 : i32
      %dma_start3A_60 = tpu.memref_slice %arg3[%mul3A_23, %dma_start3A_59] : memref<10240x16xf32, #tpu.memory_space<hbm>> -> memref<640x16xf32, #tpu.memory_space<hbm>>
      tpu.enqueue_dma source(%dma_start3A_60 : memref<640x16xf32, #tpu.memory_space<hbm>>) target(%arg9 : memref<640x16xf32, #tpu.memory_space<vmem>>) target_semaphore(%run_scoped3A : memref<!tpu.dma_semaphore, #tpu.memory_space<semaphore_mem>>)
      %dma_wait3A = arith.constant 0 : i32
      %dma_wait3A_61 = tpu.memref_slice %arg3[%mul3A_23, %dma_wait3A] : memref<10240x16xf32, #tpu.memory_space<hbm>> -> memref<640x16xf32, #tpu.memory_space<hbm>>
      %dma_wait3A_62 = arith.constant 0 : i32
      %dma_wait3A_63 = tpu.memref_slice %arg3[%mul3A_23, %dma_wait3A_62] : memref<10240x16xf32, #tpu.memory_space<hbm>> -> memref<640x16xf32, #tpu.memory_space<hbm>>
      tpu.wait_dma2 semaphore(%run_scoped3A : memref<!tpu.dma_semaphore, #tpu.memory_space<semaphore_mem>>) src(%dma_wait3A_63 : memref<640x16xf32, #tpu.memory_space<hbm>>) dst(%arg9 : memref<640x16xf32, #tpu.memory_space<vmem>>)
      tpu.yield
    }) : () -> ()
    %mul3A_24 = arith.constant 640 : i32
    %mul3A_25 = arith.muli %arg1, %mul3A_24 : i32
    "tpu.region"() ({
      %run_scoped3A = tpu.sem_alloc : memref<!tpu.dma_semaphore, #tpu.memory_space<semaphore_mem>>
      %dma_start3A = arith.constant 0 : i32
      %dma_start3A_58 = tpu.memref_slice %arg10[%mul3A_25, %dma_start3A] : memref<10240x16xf32, #tpu.memory_space<vmem_shared>> -> memref<640x16xf32, #tpu.memory_space<vmem_shared>>
      %dma_start3A_59 = arith.constant 0 : i32
      %dma_start3A_60 = tpu.memref_slice %arg10[%mul3A_25, %dma_start3A_59] : memref<10240x16xf32, #tpu.memory_space<vmem_shared>> -> memref<640x16xf32, #tpu.memory_space<vmem_shared>>
      tpu.enqueue_dma source(%arg9 : memref<640x16xf32, #tpu.memory_space<vmem>>) target(%dma_start3A_60 : memref<640x16xf32, #tpu.memory_space<vmem_shared>>) target_semaphore(%run_scoped3A : memref<!tpu.dma_semaphore, #tpu.memory_space<semaphore_mem>>)
      %dma_wait3A = arith.constant 0 : i32
      %dma_wait3A_61 = tpu.memref_slice %arg10[%mul3A_25, %dma_wait3A] : memref<10240x16xf32, #tpu.memory_space<vmem_shared>> -> memref<640x16xf32, #tpu.memory_space<vmem_shared>>
      %dma_wait3A_62 = arith.constant 0 : i32
      %dma_wait3A_63 = tpu.memref_slice %arg10[%mul3A_25, %dma_wait3A_62] : memref<10240x16xf32, #tpu.memory_space<vmem_shared>> -> memref<640x16xf32, #tpu.memory_space<vmem_shared>>
      tpu.wait_dma2 semaphore(%run_scoped3A : memref<!tpu.dma_semaphore, #tpu.memory_space<semaphore_mem>>) src(%arg9 : memref<640x16xf32, #tpu.memory_space<vmem>>) dst(%dma_wait3A_63 : memref<640x16xf32, #tpu.memory_space<vmem_shared>>)
      tpu.yield
    }) : () -> ()
    %lt3A_26 = arith.constant 4 : i32
    %lt3A_27 = arith.cmpi slt, %add3A, %lt3A_26 : i32
    %convert_element_type3A = arith.extui %lt3A_27 : i1 to i32
    %cond3A = arith.constant 0 : i32
    %cond3A_28 = arith.cmpi ne, %convert_element_type3A, %cond3A : i32
    scf.if %cond3A_28 {
      %run_scoped3A = arith.constant 0 : i32
      "tpu.region"() ({
        %run_scoped3A_58 = tpu.sem_alloc : memref<!tpu.dma_semaphore, #tpu.memory_space<semaphore_mem>>
        %dma_start3A = tpu.memref_slice %arg2[%run_scoped3A, %select_n3A] : memref<2x320000xi32, #tpu.memory_space<hbm>> -> memref<1x10112xi32, #tpu.memory_space<hbm>>
        %dma_start3A_59 = tpu.memref_squeeze %dma_start3A : memref<1x10112xi32, #tpu.memory_space<hbm>> -> memref<10112xi32, #tpu.memory_space<hbm>>
        %dma_start3A_60 = tpu.memref_slice %arg2[%run_scoped3A, %select_n3A] : memref<2x320000xi32, #tpu.memory_space<hbm>> -> memref<1x10112xi32, #tpu.memory_space<hbm>>
        %dma_start3A_61 = tpu.memref_squeeze %dma_start3A_60 : memref<1x10112xi32, #tpu.memory_space<hbm>> -> memref<10112xi32, #tpu.memory_space<hbm>>
        tpu.enqueue_dma source(%dma_start3A_61 : memref<10112xi32, #tpu.memory_space<hbm>>) target(%arg5 : memref<10112xi32, #tpu.memory_space<vmem>>) target_semaphore(%run_scoped3A_58 : memref<!tpu.dma_semaphore, #tpu.memory_space<semaphore_mem>>)
        %dma_wait3A = tpu.memref_slice %arg2[%run_scoped3A, %select_n3A] : memref<2x320000xi32, #tpu.memory_space<hbm>> -> memref<1x10112xi32, #tpu.memory_space<hbm>>
        %dma_wait3A_62 = tpu.memref_squeeze %dma_wait3A : memref<1x10112xi32, #tpu.memory_space<hbm>> -> memref<10112xi32, #tpu.memory_space<hbm>>
        %dma_wait3A_63 = tpu.memref_slice %arg2[%run_scoped3A, %select_n3A] : memref<2x320000xi32, #tpu.memory_space<hbm>> -> memref<1x10112xi32, #tpu.memory_space<hbm>>
        %dma_wait3A_64 = tpu.memref_squeeze %dma_wait3A_63 : memref<1x10112xi32, #tpu.memory_space<hbm>> -> memref<10112xi32, #tpu.memory_space<hbm>>
        tpu.wait_dma2 semaphore(%run_scoped3A_58 : memref<!tpu.dma_semaphore, #tpu.memory_space<semaphore_mem>>) src(%dma_wait3A_64 : memref<10112xi32, #tpu.memory_space<hbm>>) dst(%arg5 : memref<10112xi32, #tpu.memory_space<vmem>>)
        tpu.yield
      }) : () -> ()
    } else {
    }
    %ge3A = arith.constant 4 : i32
    %ge3A_29 = arith.cmpi sge, %add3A, %ge3A : i32
    %convert_element_type3A_30 = arith.extui %ge3A_29 : i1 to i32
    %cond3A_31 = arith.constant 0 : i32
    %cond3A_32 = arith.cmpi ne, %convert_element_type3A_30, %cond3A_31 : i32
    scf.if %cond3A_32 {
      %run_scoped3A = arith.constant 0 : i32
      "tpu.region"() ({
        %run_scoped3A_58 = tpu.sem_alloc : memref<!tpu.dma_semaphore, #tpu.memory_space<semaphore_mem>>
        %dma_start3A = arith.constant 0 : i32
        %dma_start3A_59 = tpu.memref_slice %arg5[%dma_start3A] : memref<10112xi32, #tpu.memory_space<vmem>> -> memref<9984xi32, #tpu.memory_space<vmem>>
        %dma_start3A_60 = tpu.memref_slice %arg2[%run_scoped3A, %select_n3A] : memref<2x320000xi32, #tpu.memory_space<hbm>> -> memref<1x9984xi32, #tpu.memory_space<hbm>>
        %dma_start3A_61 = tpu.memref_squeeze %dma_start3A_60 : memref<1x9984xi32, #tpu.memory_space<hbm>> -> memref<9984xi32, #tpu.memory_space<hbm>>
        %dma_start3A_62 = arith.constant 0 : i32
        %dma_start3A_63 = tpu.memref_slice %arg5[%dma_start3A_62] : memref<10112xi32, #tpu.memory_space<vmem>> -> memref<9984xi32, #tpu.memory_space<vmem>>
        %dma_start3A_64 = tpu.memref_slice %arg2[%run_scoped3A, %select_n3A] : memref<2x320000xi32, #tpu.memory_space<hbm>> -> memref<1x9984xi32, #tpu.memory_space<hbm>>
        %dma_start3A_65 = tpu.memref_squeeze %dma_start3A_64 : memref<1x9984xi32, #tpu.memory_space<hbm>> -> memref<9984xi32, #tpu.memory_space<hbm>>
        tpu.enqueue_dma source(%dma_start3A_65 : memref<9984xi32, #tpu.memory_space<hbm>>) target(%dma_start3A_63 : memref<9984xi32, #tpu.memory_space<vmem>>) target_semaphore(%run_scoped3A_58 : memref<!tpu.dma_semaphore, #tpu.memory_space<semaphore_mem>>)
        %dma_wait3A = arith.constant 0 : i32
        %dma_wait3A_66 = tpu.memref_slice %arg5[%dma_wait3A] : memref<10112xi32, #tpu.memory_space<vmem>> -> memref<9984xi32, #tpu.memory_space<vmem>>
        %dma_wait3A_67 = tpu.memref_slice %arg2[%run_scoped3A, %select_n3A] : memref<2x320000xi32, #tpu.memory_space<hbm>> -> memref<1x9984xi32, #tpu.memory_space<hbm>>
        %dma_wait3A_68 = tpu.memref_squeeze %dma_wait3A_67 : memref<1x9984xi32, #tpu.memory_space<hbm>> -> memref<9984xi32, #tpu.memory_space<hbm>>
        %dma_wait3A_69 = arith.constant 0 : i32
        %dma_wait3A_70 = tpu.memref_slice %arg5[%dma_wait3A_69] : memref<10112xi32, #tpu.memory_space<vmem>> -> memref<9984xi32, #tpu.memory_space<vmem>>
        %dma_wait3A_71 = tpu.memref_slice %arg2[%run_scoped3A, %select_n3A] : memref<2x320000xi32, #tpu.memory_space<hbm>> -> memref<1x9984xi32, #tpu.memory_space<hbm>>
        %dma_wait3A_72 = tpu.memref_squeeze %dma_wait3A_71 : memref<1x9984xi32, #tpu.memory_space<hbm>> -> memref<9984xi32, #tpu.memory_space<hbm>>
        tpu.wait_dma2 semaphore(%run_scoped3A_58 : memref<!tpu.dma_semaphore, #tpu.memory_space<semaphore_mem>>) src(%dma_wait3A_72 : memref<9984xi32, #tpu.memory_space<hbm>>) dst(%dma_wait3A_70 : memref<9984xi32, #tpu.memory_space<vmem>>)
        tpu.yield
      }) : () -> ()
    } else {
    }
    %lt3A_33 = arith.constant 4 : i32
    %lt3A_34 = arith.cmpi slt, %add3A, %lt3A_33 : i32
    %convert_element_type3A_35 = arith.extui %lt3A_34 : i1 to i32
    %cond3A_36 = arith.constant 0 : i32
    %cond3A_37 = arith.cmpi ne, %convert_element_type3A_35, %cond3A_36 : i32
    scf.if %cond3A_37 {
      %run_scoped3A = arith.constant 1 : i32
      "tpu.region"() ({
        %run_scoped3A_58 = tpu.sem_alloc : memref<!tpu.dma_semaphore, #tpu.memory_space<semaphore_mem>>
        %dma_start3A = tpu.memref_slice %arg2[%run_scoped3A, %select_n3A] : memref<2x320000xi32, #tpu.memory_space<hbm>> -> memref<1x10112xi32, #tpu.memory_space<hbm>>
        %dma_start3A_59 = tpu.memref_squeeze %dma_start3A : memref<1x10112xi32, #tpu.memory_space<hbm>> -> memref<10112xi32, #tpu.memory_space<hbm>>
        %dma_start3A_60 = tpu.memref_slice %arg2[%run_scoped3A, %select_n3A] : memref<2x320000xi32, #tpu.memory_space<hbm>> -> memref<1x10112xi32, #tpu.memory_space<hbm>>
        %dma_start3A_61 = tpu.memref_squeeze %dma_start3A_60 : memref<1x10112xi32, #tpu.memory_space<hbm>> -> memref<10112xi32, #tpu.memory_space<hbm>>
        tpu.enqueue_dma source(%dma_start3A_61 : memref<10112xi32, #tpu.memory_space<hbm>>) target(%arg6 : memref<10112xi32, #tpu.memory_space<vmem>>) target_semaphore(%run_scoped3A_58 : memref<!tpu.dma_semaphore, #tpu.memory_space<semaphore_mem>>)
        %dma_wait3A = tpu.memref_slice %arg2[%run_scoped3A, %select_n3A] : memref<2x320000xi32, #tpu.memory_space<hbm>> -> memref<1x10112xi32, #tpu.memory_space<hbm>>
        %dma_wait3A_62 = tpu.memref_squeeze %dma_wait3A : memref<1x10112xi32, #tpu.memory_space<hbm>> -> memref<10112xi32, #tpu.memory_space<hbm>>
        %dma_wait3A_63 = tpu.memref_slice %arg2[%run_scoped3A, %select_n3A] : memref<2x320000xi32, #tpu.memory_space<hbm>> -> memref<1x10112xi32, #tpu.memory_space<hbm>>
        %dma_wait3A_64 = tpu.memref_squeeze %dma_wait3A_63 : memref<1x10112xi32, #tpu.memory_space<hbm>> -> memref<10112xi32, #tpu.memory_space<hbm>>
        tpu.wait_dma2 semaphore(%run_scoped3A_58 : memref<!tpu.dma_semaphore, #tpu.memory_space<semaphore_mem>>) src(%dma_wait3A_64 : memref<10112xi32, #tpu.memory_space<hbm>>) dst(%arg6 : memref<10112xi32, #tpu.memory_space<vmem>>)
        tpu.yield
      }) : () -> ()
    } else {
    }
    %ge3A_38 = arith.constant 4 : i32
    %ge3A_39 = arith.cmpi sge, %add3A, %ge3A_38 : i32
    %convert_element_type3A_40 = arith.extui %ge3A_39 : i1 to i32
    %cond3A_41 = arith.constant 0 : i32
    %cond3A_42 = arith.cmpi ne, %convert_element_type3A_40, %cond3A_41 : i32
    scf.if %cond3A_42 {
      %run_scoped3A = arith.constant 1 : i32
      "tpu.region"() ({
        %run_scoped3A_58 = tpu.sem_alloc : memref<!tpu.dma_semaphore, #tpu.memory_space<semaphore_mem>>
        %dma_start3A = arith.constant 0 : i32
        %dma_start3A_59 = tpu.memref_slice %arg6[%dma_start3A] : memref<10112xi32, #tpu.memory_space<vmem>> -> memref<9984xi32, #tpu.memory_space<vmem>>
        %dma_start3A_60 = tpu.memref_slice %arg2[%run_scoped3A, %select_n3A] : memref<2x320000xi32, #tpu.memory_space<hbm>> -> memref<1x9984xi32, #tpu.memory_space<hbm>>
        %dma_start3A_61 = tpu.memref_squeeze %dma_start3A_60 : memref<1x9984xi32, #tpu.memory_space<hbm>> -> memref<9984xi32, #tpu.memory_space<hbm>>
        %dma_start3A_62 = arith.constant 0 : i32
        %dma_start3A_63 = tpu.memref_slice %arg6[%dma_start3A_62] : memref<10112xi32, #tpu.memory_space<vmem>> -> memref<9984xi32, #tpu.memory_space<vmem>>
        %dma_start3A_64 = tpu.memref_slice %arg2[%run_scoped3A, %select_n3A] : memref<2x320000xi32, #tpu.memory_space<hbm>> -> memref<1x9984xi32, #tpu.memory_space<hbm>>
        %dma_start3A_65 = tpu.memref_squeeze %dma_start3A_64 : memref<1x9984xi32, #tpu.memory_space<hbm>> -> memref<9984xi32, #tpu.memory_space<hbm>>
        tpu.enqueue_dma source(%dma_start3A_65 : memref<9984xi32, #tpu.memory_space<hbm>>) target(%dma_start3A_63 : memref<9984xi32, #tpu.memory_space<vmem>>) target_semaphore(%run_scoped3A_58 : memref<!tpu.dma_semaphore, #tpu.memory_space<semaphore_mem>>)
        %dma_wait3A = arith.constant 0 : i32
        %dma_wait3A_66 = tpu.memref_slice %arg6[%dma_wait3A] : memref<10112xi32, #tpu.memory_space<vmem>> -> memref<9984xi32, #tpu.memory_space<vmem>>
        %dma_wait3A_67 = tpu.memref_slice %arg2[%run_scoped3A, %select_n3A] : memref<2x320000xi32, #tpu.memory_space<hbm>> -> memref<1x9984xi32, #tpu.memory_space<hbm>>
        %dma_wait3A_68 = tpu.memref_squeeze %dma_wait3A_67 : memref<1x9984xi32, #tpu.memory_space<hbm>> -> memref<9984xi32, #tpu.memory_space<hbm>>
        %dma_wait3A_69 = arith.constant 0 : i32
        %dma_wait3A_70 = tpu.memref_slice %arg6[%dma_wait3A_69] : memref<10112xi32, #tpu.memory_space<vmem>> -> memref<9984xi32, #tpu.memory_space<vmem>>
        %dma_wait3A_71 = tpu.memref_slice %arg2[%run_scoped3A, %select_n3A] : memref<2x320000xi32, #tpu.memory_space<hbm>> -> memref<1x9984xi32, #tpu.memory_space<hbm>>
        %dma_wait3A_72 = tpu.memref_squeeze %dma_wait3A_71 : memref<1x9984xi32, #tpu.memory_space<hbm>> -> memref<9984xi32, #tpu.memory_space<hbm>>
        tpu.wait_dma2 semaphore(%run_scoped3A_58 : memref<!tpu.dma_semaphore, #tpu.memory_space<semaphore_mem>>) src(%dma_wait3A_72 : memref<9984xi32, #tpu.memory_space<hbm>>) dst(%dma_wait3A_70 : memref<9984xi32, #tpu.memory_space<vmem>>)
        tpu.yield
      }) : () -> ()
    } else {
    }
    %barrier3A = arith.constant 0 : index
    tpu.barrier barrier_id(%barrier3A)
    %lt3A_43 = arith.constant 4 : i32
    %lt3A_44 = arith.cmpi slt, %add3A, %lt3A_43 : i32
    %convert_element_type3A_45 = arith.extui %lt3A_44 : i1 to i32
    %cond3A_46 = arith.constant 0 : i32
    %cond3A_47 = arith.cmpi ne, %convert_element_type3A_45, %cond3A_46 : i32
    scf.if %cond3A_47 {
      %dma_start3A = arith.constant 0 : i32
      %dma_start3A_58 = arith.constant 0 : i32
      %dma_start3A_59 = tpu.memref_slice %arg7[%dma_start3A, %dma_start3A_58] : memref<1264x16xf32, #tpu.memory_space<vmem>> -> memref<1264x16xf32, #tpu.memory_space<vmem>>
      %dma_start3A_60 = arith.constant 0 : i32
      %dma_start3A_61 = tpu.memref_slice %arg5[%dma_start3A_60] : memref<10112xi32, #tpu.memory_space<vmem>> -> memref<1264xi32, #tpu.memory_space<vmem>>
      %dma_start3A_62 = arith.constant 0 : i32
      %dma_start3A_63 = arith.constant 0 : i32
      %dma_start3A_64 = tpu.memref_slice %arg10[%dma_start3A_62, %dma_start3A_63] : memref<10240x16xf32, #tpu.memory_space<vmem_shared>> -> memref<10240x16xf32, #tpu.memory_space<vmem_shared>>
      tpu.enqueue_indirect_dma source(%dma_start3A_64 : memref<10240x16xf32, #tpu.memory_space<vmem_shared>>) target(%dma_start3A_59 : memref<1264x16xf32, #tpu.memory_space<vmem>>) offsets(%dma_start3A_61 : memref<1264xi32, #tpu.memory_space<vmem>>) semaphore(%arg12 : memref<!tpu.dma_semaphore, #tpu.memory_space<semaphore_mem>>)
      %dma_start3A_65 = arith.constant 0 : i32
      %dma_start3A_66 = arith.constant 0 : i32
      %dma_start3A_67 = tpu.memref_slice %arg8[%dma_start3A_65, %dma_start3A_66] : memref<1264x16xf32, #tpu.memory_space<vmem>> -> memref<1264x16xf32, #tpu.memory_space<vmem>>
      %dma_start3A_68 = arith.constant 1264 : i32
      %dma_start3A_69 = tpu.memref_slice %arg5[%dma_start3A_68] : memref<10112xi32, #tpu.memory_space<vmem>> -> memref<1264xi32, #tpu.memory_space<vmem>>
      %dma_start3A_70 = arith.constant 0 : i32
      %dma_start3A_71 = arith.constant 0 : i32
      %dma_start3A_72 = tpu.memref_slice %arg10[%dma_start3A_70, %dma_start3A_71] : memref<10240x16xf32, #tpu.memory_space<vmem_shared>> -> memref<10240x16xf32, #tpu.memory_space<vmem_shared>>
      tpu.enqueue_indirect_dma source(%dma_start3A_72 : memref<10240x16xf32, #tpu.memory_space<vmem_shared>>) target(%dma_start3A_67 : memref<1264x16xf32, #tpu.memory_space<vmem>>) offsets(%dma_start3A_69 : memref<1264xi32, #tpu.memory_space<vmem>>) semaphore(%arg13 : memref<!tpu.dma_semaphore, #tpu.memory_space<semaphore_mem>>)
      %dma_wait3A = arith.constant 0 : i32
      %dma_wait3A_73 = arith.constant 0 : i32
      %dma_wait3A_74 = tpu.memref_slice %arg7[%dma_wait3A, %dma_wait3A_73] : memref<1264x16xf32, #tpu.memory_space<vmem>> -> memref<1264x16xf32, #tpu.memory_space<vmem>>
      %dma_wait3A_75 = arith.constant 0 : i32
      %dma_wait3A_76 = tpu.memref_slice %arg5[%dma_wait3A_75] : memref<10112xi32, #tpu.memory_space<vmem>> -> memref<1264xi32, #tpu.memory_space<vmem>>
      %dma_wait3A_77 = arith.constant 0 : i32
      %dma_wait3A_78 = arith.constant 0 : i32
      %dma_wait3A_79 = tpu.memref_slice %arg10[%dma_wait3A_77, %dma_wait3A_78] : memref<10240x16xf32, #tpu.memory_space<vmem_shared>> -> memref<10240x16xf32, #tpu.memory_space<vmem_shared>>
      tpu.wait_indirect_dma semaphore(%arg12 : memref<!tpu.dma_semaphore, #tpu.memory_space<semaphore_mem>>) src(%dma_wait3A_79 : memref<10240x16xf32, #tpu.memory_space<vmem_shared>>) dst(%dma_wait3A_74 : memref<1264x16xf32, #tpu.memory_space<vmem>>)
      "tpu.region"() ({
        %run_scoped3A = tpu.sem_alloc : memref<!tpu.dma_semaphore, #tpu.memory_space<semaphore_mem>>
        %dma_start3A_184 = arith.constant 0 : i32
        %dma_start3A_185 = arith.constant 0 : i32
        %dma_start3A_186 = tpu.memref_slice %arg7[%dma_start3A_184, %dma_start3A_185] : memref<1264x16xf32, #tpu.memory_space<vmem>> -> memref<1264x16xf32, #tpu.memory_space<vmem>>
        %dma_start3A_187 = arith.constant 0 : i32
        %dma_start3A_188 = tpu.memref_slice %arg6[%dma_start3A_187] : memref<10112xi32, #tpu.memory_space<vmem>> -> memref<1264xi32, #tpu.memory_space<vmem>>
        %dma_start3A_189 = arith.constant 0 : i32
        %dma_start3A_190 = arith.constant 0 : i32
        %dma_start3A_191 = tpu.memref_slice %arg11[%dma_start3A_189, %dma_start3A_190] : memref<10240x16xf32, #tpu.memory_space<vmem_shared>> -> memref<10240x16xf32, #tpu.memory_space<vmem_shared>>
        tpu.enqueue_indirect_dma source(%dma_start3A_186 : memref<1264x16xf32, #tpu.memory_space<vmem>>) target(%dma_start3A_191 : memref<10240x16xf32, #tpu.memory_space<vmem_shared>>) offsets(%dma_start3A_188 : memref<1264xi32, #tpu.memory_space<vmem>>) semaphore(%run_scoped3A : memref<!tpu.dma_semaphore, #tpu.memory_space<semaphore_mem>>) {add = true}
        %dma_wait3A_192 = arith.constant 0 : i32
        %dma_wait3A_193 = arith.constant 0 : i32
        %dma_wait3A_194 = tpu.memref_slice %arg7[%dma_wait3A_192, %dma_wait3A_193] : memref<1264x16xf32, #tpu.memory_space<vmem>> -> memref<1264x16xf32, #tpu.memory_space<vmem>>
        %dma_wait3A_195 = arith.constant 0 : i32
        %dma_wait3A_196 = tpu.memref_slice %arg6[%dma_wait3A_195] : memref<10112xi32, #tpu.memory_space<vmem>> -> memref<1264xi32, #tpu.memory_space<vmem>>
        %dma_wait3A_197 = arith.constant 0 : i32
        %dma_wait3A_198 = arith.constant 0 : i32
        %dma_wait3A_199 = tpu.memref_slice %arg11[%dma_wait3A_197, %dma_wait3A_198] : memref<10240x16xf32, #tpu.memory_space<vmem_shared>> -> memref<10240x16xf32, #tpu.memory_space<vmem_shared>>
        tpu.wait_indirect_dma semaphore(%run_scoped3A : memref<!tpu.dma_semaphore, #tpu.memory_space<semaphore_mem>>) src(%dma_wait3A_194 : memref<1264x16xf32, #tpu.memory_space<vmem>>) dst(%dma_wait3A_199 : memref<10240x16xf32, #tpu.memory_space<vmem_shared>>)
        tpu.yield
      }) : () -> ()
      %dma_start3A_80 = arith.constant 0 : i32
      %dma_start3A_81 = arith.constant 0 : i32
      %dma_start3A_82 = tpu.memref_slice %arg7[%dma_start3A_80, %dma_start3A_81] : memref<1264x16xf32, #tpu.memory_space<vmem>> -> memref<1264x16xf32, #tpu.memory_space<vmem>>
      %dma_start3A_83 = arith.constant 2528 : i32
      %dma_start3A_84 = tpu.memref_slice %arg5[%dma_start3A_83] : memref<10112xi32, #tpu.memory_space<vmem>> -> memref<1264xi32, #tpu.memory_space<vmem>>
      %dma_start3A_85 = arith.constant 0 : i32
      %dma_start3A_86 = arith.constant 0 : i32
      %dma_start3A_87 = tpu.memref_slice %arg10[%dma_start3A_85, %dma_start3A_86] : memref<10240x16xf32, #tpu.memory_space<vmem_shared>> -> memref<10240x16xf32, #tpu.memory_space<vmem_shared>>
      tpu.enqueue_indirect_dma source(%dma_start3A_87 : memref<10240x16xf32, #tpu.memory_space<vmem_shared>>) target(%dma_start3A_82 : memref<1264x16xf32, #tpu.memory_space<vmem>>) offsets(%dma_start3A_84 : memref<1264xi32, #tpu.memory_space<vmem>>) semaphore(%arg12 : memref<!tpu.dma_semaphore, #tpu.memory_space<semaphore_mem>>)
      %dma_wait3A_88 = arith.constant 0 : i32
      %dma_wait3A_89 = arith.constant 0 : i32
      %dma_wait3A_90 = tpu.memref_slice %arg8[%dma_wait3A_88, %dma_wait3A_89] : memref<1264x16xf32, #tpu.memory_space<vmem>> -> memref<1264x16xf32, #tpu.memory_space<vmem>>
      %dma_wait3A_91 = arith.constant 1264 : i32
      %dma_wait3A_92 = tpu.memref_slice %arg5[%dma_wait3A_91] : memref<10112xi32, #tpu.memory_space<vmem>> -> memref<1264xi32, #tpu.memory_space<vmem>>
      %dma_wait3A_93 = arith.constant 0 : i32
      %dma_wait3A_94 = arith.constant 0 : i32
      %dma_wait3A_95 = tpu.memref_slice %arg10[%dma_wait3A_93, %dma_wait3A_94] : memref<10240x16xf32, #tpu.memory_space<vmem_shared>> -> memref<10240x16xf32, #tpu.memory_space<vmem_shared>>
      tpu.wait_indirect_dma semaphore(%arg13 : memref<!tpu.dma_semaphore, #tpu.memory_space<semaphore_mem>>) src(%dma_wait3A_95 : memref<10240x16xf32, #tpu.memory_space<vmem_shared>>) dst(%dma_wait3A_90 : memref<1264x16xf32, #tpu.memory_space<vmem>>)
      "tpu.region"() ({
        %run_scoped3A = tpu.sem_alloc : memref<!tpu.dma_semaphore, #tpu.memory_space<semaphore_mem>>
        %dma_start3A_184 = arith.constant 0 : i32
        %dma_start3A_185 = arith.constant 0 : i32
        %dma_start3A_186 = tpu.memref_slice %arg8[%dma_start3A_184, %dma_start3A_185] : memref<1264x16xf32, #tpu.memory_space<vmem>> -> memref<1264x16xf32, #tpu.memory_space<vmem>>
        %dma_start3A_187 = arith.constant 1264 : i32
        %dma_start3A_188 = tpu.memref_slice %arg6[%dma_start3A_187] : memref<10112xi32, #tpu.memory_space<vmem>> -> memref<1264xi32, #tpu.memory_space<vmem>>
        %dma_start3A_189 = arith.constant 0 : i32
        %dma_start3A_190 = arith.constant 0 : i32
        %dma_start3A_191 = tpu.memref_slice %arg11[%dma_start3A_189, %dma_start3A_190] : memref<10240x16xf32, #tpu.memory_space<vmem_shared>> -> memref<10240x16xf32, #tpu.memory_space<vmem_shared>>
        tpu.enqueue_indirect_dma source(%dma_start3A_186 : memref<1264x16xf32, #tpu.memory_space<vmem>>) target(%dma_start3A_191 : memref<10240x16xf32, #tpu.memory_space<vmem_shared>>) offsets(%dma_start3A_188 : memref<1264xi32, #tpu.memory_space<vmem>>) semaphore(%run_scoped3A : memref<!tpu.dma_semaphore, #tpu.memory_space<semaphore_mem>>) {add = true}
        %dma_wait3A_192 = arith.constant 0 : i32
        %dma_wait3A_193 = arith.constant 0 : i32
        %dma_wait3A_194 = tpu.memref_slice %arg8[%dma_wait3A_192, %dma_wait3A_193] : memref<1264x16xf32, #tpu.memory_space<vmem>> -> memref<1264x16xf32, #tpu.memory_space<vmem>>
        %dma_wait3A_195 = arith.constant 1264 : i32
        %dma_wait3A_196 = tpu.memref_slice %arg6[%dma_wait3A_195] : memref<10112xi32, #tpu.memory_space<vmem>> -> memref<1264xi32, #tpu.memory_space<vmem>>
        %dma_wait3A_197 = arith.constant 0 : i32
        %dma_wait3A_198 = arith.constant 0 : i32
        %dma_wait3A_199 = tpu.memref_slice %arg11[%dma_wait3A_197, %dma_wait3A_198] : memref<10240x16xf32, #tpu.memory_space<vmem_shared>> -> memref<10240x16xf32, #tpu.memory_space<vmem_shared>>
        tpu.wait_indirect_dma semaphore(%run_scoped3A : memref<!tpu.dma_semaphore, #tpu.memory_space<semaphore_mem>>) src(%dma_wait3A_194 : memref<1264x16xf32, #tpu.memory_space<vmem>>) dst(%dma_wait3A_199 : memref<10240x16xf32, #tpu.memory_space<vmem_shared>>)
        tpu.yield
      }) : () -> ()
      %dma_start3A_96 = arith.constant 0 : i32
      %dma_start3A_97 = arith.constant 0 : i32
      %dma_start3A_98 = tpu.memref_slice %arg8[%dma_start3A_96, %dma_start3A_97] : memref<1264x16xf32, #tpu.memory_space<vmem>> -> memref<1264x16xf32, #tpu.memory_space<vmem>>
      %dma_start3A_99 = arith.constant 3792 : i32
      %dma_start3A_100 = tpu.memref_slice %arg5[%dma_start3A_99] : memref<10112xi32, #tpu.memory_space<vmem>> -> memref<1264xi32, #tpu.memory_space<vmem>>
      %dma_start3A_101 = arith.constant 0 : i32
      %dma_start3A_102 = arith.constant 0 : i32
      %dma_start3A_103 = tpu.memref_slice %arg10[%dma_start3A_101, %dma_start3A_102] : memref<10240x16xf32, #tpu.memory_space<vmem_shared>> -> memref<10240x16xf32, #tpu.memory_space<vmem_shared>>
      tpu.enqueue_indirect_dma source(%dma_start3A_103 : memref<10240x16xf32, #tpu.memory_space<vmem_shared>>) target(%dma_start3A_98 : memref<1264x16xf32, #tpu.memory_space<vmem>>) offsets(%dma_start3A_100 : memref<1264xi32, #tpu.memory_space<vmem>>) semaphore(%arg13 : memref<!tpu.dma_semaphore, #tpu.memory_space<semaphore_mem>>)
      %dma_wait3A_104 = arith.constant 0 : i32
      %dma_wait3A_105 = arith.constant 0 : i32
      %dma_wait3A_106 = tpu.memref_slice %arg7[%dma_wait3A_104, %dma_wait3A_105] : memref<1264x16xf32, #tpu.memory_space<vmem>> -> memref<1264x16xf32, #tpu.memory_space<vmem>>
      %dma_wait3A_107 = arith.constant 2528 : i32
      %dma_wait3A_108 = tpu.memref_slice %arg5[%dma_wait3A_107] : memref<10112xi32, #tpu.memory_space<vmem>> -> memref<1264xi32, #tpu.memory_space<vmem>>
      %dma_wait3A_109 = arith.constant 0 : i32
      %dma_wait3A_110 = arith.constant 0 : i32
      %dma_wait3A_111 = tpu.memref_slice %arg10[%dma_wait3A_109, %dma_wait3A_110] : memref<10240x16xf32, #tpu.memory_space<vmem_shared>> -> memref<10240x16xf32, #tpu.memory_space<vmem_shared>>
      tpu.wait_indirect_dma semaphore(%arg12 : memref<!tpu.dma_semaphore, #tpu.memory_space<semaphore_mem>>) src(%dma_wait3A_111 : memref<10240x16xf32, #tpu.memory_space<vmem_shared>>) dst(%dma_wait3A_106 : memref<1264x16xf32, #tpu.memory_space<vmem>>)
      "tpu.region"() ({
        %run_scoped3A = tpu.sem_alloc : memref<!tpu.dma_semaphore, #tpu.memory_space<semaphore_mem>>
        %dma_start3A_184 = arith.constant 0 : i32
        %dma_start3A_185 = arith.constant 0 : i32
        %dma_start3A_186 = tpu.memref_slice %arg7[%dma_start3A_184, %dma_start3A_185] : memref<1264x16xf32, #tpu.memory_space<vmem>> -> memref<1264x16xf32, #tpu.memory_space<vmem>>
        %dma_start3A_187 = arith.constant 2528 : i32
        %dma_start3A_188 = tpu.memref_slice %arg6[%dma_start3A_187] : memref<10112xi32, #tpu.memory_space<vmem>> -> memref<1264xi32, #tpu.memory_space<vmem>>
        %dma_start3A_189 = arith.constant 0 : i32
        %dma_start3A_190 = arith.constant 0 : i32
        %dma_start3A_191 = tpu.memref_slice %arg11[%dma_start3A_189, %dma_start3A_190] : memref<10240x16xf32, #tpu.memory_space<vmem_shared>> -> memref<10240x16xf32, #tpu.memory_space<vmem_shared>>
        tpu.enqueue_indirect_dma source(%dma_start3A_186 : memref<1264x16xf32, #tpu.memory_space<vmem>>) target(%dma_start3A_191 : memref<10240x16xf32, #tpu.memory_space<vmem_shared>>) offsets(%dma_start3A_188 : memref<1264xi32, #tpu.memory_space<vmem>>) semaphore(%run_scoped3A : memref<!tpu.dma_semaphore, #tpu.memory_space<semaphore_mem>>) {add = true}
        %dma_wait3A_192 = arith.constant 0 : i32
        %dma_wait3A_193 = arith.constant 0 : i32
        %dma_wait3A_194 = tpu.memref_slice %arg7[%dma_wait3A_192, %dma_wait3A_193] : memref<1264x16xf32, #tpu.memory_space<vmem>> -> memref<1264x16xf32, #tpu.memory_space<vmem>>
        %dma_wait3A_195 = arith.constant 2528 : i32
        %dma_wait3A_196 = tpu.memref_slice %arg6[%dma_wait3A_195] : memref<10112xi32, #tpu.memory_space<vmem>> -> memref<1264xi32, #tpu.memory_space<vmem>>
        %dma_wait3A_197 = arith.constant 0 : i32
        %dma_wait3A_198 = arith.constant 0 : i32
        %dma_wait3A_199 = tpu.memref_slice %arg11[%dma_wait3A_197, %dma_wait3A_198] : memref<10240x16xf32, #tpu.memory_space<vmem_shared>> -> memref<10240x16xf32, #tpu.memory_space<vmem_shared>>
        tpu.wait_indirect_dma semaphore(%run_scoped3A : memref<!tpu.dma_semaphore, #tpu.memory_space<semaphore_mem>>) src(%dma_wait3A_194 : memref<1264x16xf32, #tpu.memory_space<vmem>>) dst(%dma_wait3A_199 : memref<10240x16xf32, #tpu.memory_space<vmem_shared>>)
        tpu.yield
      }) : () -> ()
      %dma_start3A_112 = arith.constant 0 : i32
      %dma_start3A_113 = arith.constant 0 : i32
      %dma_start3A_114 = tpu.memref_slice %arg7[%dma_start3A_112, %dma_start3A_113] : memref<1264x16xf32, #tpu.memory_space<vmem>> -> memref<1264x16xf32, #tpu.memory_space<vmem>>
      %dma_start3A_115 = arith.constant 5056 : i32
      %dma_start3A_116 = tpu.memref_slice %arg5[%dma_start3A_115] : memref<10112xi32, #tpu.memory_space<vmem>> -> memref<1264xi32, #tpu.memory_space<vmem>>
      %dma_start3A_117 = arith.constant 0 : i32
      %dma_start3A_118 = arith.constant 0 : i32
      %dma_start3A_119 = tpu.memref_slice %arg10[%dma_start3A_117, %dma_start3A_118] : memref<10240x16xf32, #tpu.memory_space<vmem_shared>> -> memref<10240x16xf32, #tpu.memory_space<vmem_shared>>
      tpu.enqueue_indirect_dma source(%dma_start3A_119 : memref<10240x16xf32, #tpu.memory_space<vmem_shared>>) target(%dma_start3A_114 : memref<1264x16xf32, #tpu.memory_space<vmem>>) offsets(%dma_start3A_116 : memref<1264xi32, #tpu.memory_space<vmem>>) semaphore(%arg12 : memref<!tpu.dma_semaphore, #tpu.memory_space<semaphore_mem>>)
      %dma_wait3A_120 = arith.constant 0 : i32
      %dma_wait3A_121 = arith.constant 0 : i32
      %dma_wait3A_122 = tpu.memref_slice %arg8[%dma_wait3A_120, %dma_wait3A_121] : memref<1264x16xf32, #tpu.memory_space<vmem>> -> memref<1264x16xf32, #tpu.memory_space<vmem>>
      %dma_wait3A_123 = arith.constant 3792 : i32
      %dma_wait3A_124 = tpu.memref_slice %arg5[%dma_wait3A_123] : memref<10112xi32, #tpu.memory_space<vmem>> -> memref<1264xi32, #tpu.memory_space<vmem>>
      %dma_wait3A_125 = arith.constant 0 : i32
      %dma_wait3A_126 = arith.constant 0 : i32
      %dma_wait3A_127 = tpu.memref_slice %arg10[%dma_wait3A_125, %dma_wait3A_126] : memref<10240x16xf32, #tpu.memory_space<vmem_shared>> -> memref<10240x16xf32, #tpu.memory_space<vmem_shared>>
      tpu.wait_indirect_dma semaphore(%arg13 : memref<!tpu.dma_semaphore, #tpu.memory_space<semaphore_mem>>) src(%dma_wait3A_127 : memref<10240x16xf32, #tpu.memory_space<vmem_shared>>) dst(%dma_wait3A_122 : memref<1264x16xf32, #tpu.memory_space<vmem>>)
      "tpu.region"() ({
        %run_scoped3A = tpu.sem_alloc : memref<!tpu.dma_semaphore, #tpu.memory_space<semaphore_mem>>
        %dma_start3A_184 = arith.constant 0 : i32
        %dma_start3A_185 = arith.constant 0 : i32
        %dma_start3A_186 = tpu.memref_slice %arg8[%dma_start3A_184, %dma_start3A_185] : memref<1264x16xf32, #tpu.memory_space<vmem>> -> memref<1264x16xf32, #tpu.memory_space<vmem>>
        %dma_start3A_187 = arith.constant 3792 : i32
        %dma_start3A_188 = tpu.memref_slice %arg6[%dma_start3A_187] : memref<10112xi32, #tpu.memory_space<vmem>> -> memref<1264xi32, #tpu.memory_space<vmem>>
        %dma_start3A_189 = arith.constant 0 : i32
        %dma_start3A_190 = arith.constant 0 : i32
        %dma_start3A_191 = tpu.memref_slice %arg11[%dma_start3A_189, %dma_start3A_190] : memref<10240x16xf32, #tpu.memory_space<vmem_shared>> -> memref<10240x16xf32, #tpu.memory_space<vmem_shared>>
        tpu.enqueue_indirect_dma source(%dma_start3A_186 : memref<1264x16xf32, #tpu.memory_space<vmem>>) target(%dma_start3A_191 : memref<10240x16xf32, #tpu.memory_space<vmem_shared>>) offsets(%dma_start3A_188 : memref<1264xi32, #tpu.memory_space<vmem>>) semaphore(%run_scoped3A : memref<!tpu.dma_semaphore, #tpu.memory_space<semaphore_mem>>) {add = true}
        %dma_wait3A_192 = arith.constant 0 : i32
        %dma_wait3A_193 = arith.constant 0 : i32
        %dma_wait3A_194 = tpu.memref_slice %arg8[%dma_wait3A_192, %dma_wait3A_193] : memref<1264x16xf32, #tpu.memory_space<vmem>> -> memref<1264x16xf32, #tpu.memory_space<vmem>>
        %dma_wait3A_195 = arith.constant 3792 : i32
        %dma_wait3A_196 = tpu.memref_slice %arg6[%dma_wait3A_195] : memref<10112xi32, #tpu.memory_space<vmem>> -> memref<1264xi32, #tpu.memory_space<vmem>>
        %dma_wait3A_197 = arith.constant 0 : i32
        %dma_wait3A_198 = arith.constant 0 : i32
        %dma_wait3A_199 = tpu.memref_slice %arg11[%dma_wait3A_197, %dma_wait3A_198] : memref<10240x16xf32, #tpu.memory_space<vmem_shared>> -> memref<10240x16xf32, #tpu.memory_space<vmem_shared>>
        tpu.wait_indirect_dma semaphore(%run_scoped3A : memref<!tpu.dma_semaphore, #tpu.memory_space<semaphore_mem>>) src(%dma_wait3A_194 : memref<1264x16xf32, #tpu.memory_space<vmem>>) dst(%dma_wait3A_199 : memref<10240x16xf32, #tpu.memory_space<vmem_shared>>)
        tpu.yield
      }) : () -> ()
      %dma_start3A_128 = arith.constant 0 : i32
      %dma_start3A_129 = arith.constant 0 : i32
      %dma_start3A_130 = tpu.memref_slice %arg8[%dma_start3A_128, %dma_start3A_129] : memref<1264x16xf32, #tpu.memory_space<vmem>> -> memref<1264x16xf32, #tpu.memory_space<vmem>>
      %dma_start3A_131 = arith.constant 6320 : i32
      %dma_start3A_132 = tpu.memref_slice %arg5[%dma_start3A_131] : memref<10112xi32, #tpu.memory_space<vmem>> -> memref<1264xi32, #tpu.memory_space<vmem>>
      %dma_start3A_133 = arith.constant 0 : i32
      %dma_start3A_134 = arith.constant 0 : i32
      %dma_start3A_135 = tpu.memref_slice %arg10[%dma_start3A_133, %dma_start3A_134] : memref<10240x16xf32, #tpu.memory_space<vmem_shared>> -> memref<10240x16xf32, #tpu.memory_space<vmem_shared>>
      tpu.enqueue_indirect_dma source(%dma_start3A_135 : memref<10240x16xf32, #tpu.memory_space<vmem_shared>>) target(%dma_start3A_130 : memref<1264x16xf32, #tpu.memory_space<vmem>>) offsets(%dma_start3A_132 : memref<1264xi32, #tpu.memory_space<vmem>>) semaphore(%arg13 : memref<!tpu.dma_semaphore, #tpu.memory_space<semaphore_mem>>)
      %dma_wait3A_136 = arith.constant 0 : i32
      %dma_wait3A_137 = arith.constant 0 : i32
      %dma_wait3A_138 = tpu.memref_slice %arg7[%dma_wait3A_136, %dma_wait3A_137] : memref<1264x16xf32, #tpu.memory_space<vmem>> -> memref<1264x16xf32, #tpu.memory_space<vmem>>
      %dma_wait3A_139 = arith.constant 5056 : i32
      %dma_wait3A_140 = tpu.memref_slice %arg5[%dma_wait3A_139] : memref<10112xi32, #tpu.memory_space<vmem>> -> memref<1264xi32, #tpu.memory_space<vmem>>
      %dma_wait3A_141 = arith.constant 0 : i32
      %dma_wait3A_142 = arith.constant 0 : i32
      %dma_wait3A_143 = tpu.memref_slice %arg10[%dma_wait3A_141, %dma_wait3A_142] : memref<10240x16xf32, #tpu.memory_space<vmem_shared>> -> memref<10240x16xf32, #tpu.memory_space<vmem_shared>>
      tpu.wait_indirect_dma semaphore(%arg12 : memref<!tpu.dma_semaphore, #tpu.memory_space<semaphore_mem>>) src(%dma_wait3A_143 : memref<10240x16xf32, #tpu.memory_space<vmem_shared>>) dst(%dma_wait3A_138 : memref<1264x16xf32, #tpu.memory_space<vmem>>)
      "tpu.region"() ({
        %run_scoped3A = tpu.sem_alloc : memref<!tpu.dma_semaphore, #tpu.memory_space<semaphore_mem>>
        %dma_start3A_184 = arith.constant 0 : i32
        %dma_start3A_185 = arith.constant 0 : i32
        %dma_start3A_186 = tpu.memref_slice %arg7[%dma_start3A_184, %dma_start3A_185] : memref<1264x16xf32, #tpu.memory_space<vmem>> -> memref<1264x16xf32, #tpu.memory_space<vmem>>
        %dma_start3A_187 = arith.constant 5056 : i32
        %dma_start3A_188 = tpu.memref_slice %arg6[%dma_start3A_187] : memref<10112xi32, #tpu.memory_space<vmem>> -> memref<1264xi32, #tpu.memory_space<vmem>>
        %dma_start3A_189 = arith.constant 0 : i32
        %dma_start3A_190 = arith.constant 0 : i32
        %dma_start3A_191 = tpu.memref_slice %arg11[%dma_start3A_189, %dma_start3A_190] : memref<10240x16xf32, #tpu.memory_space<vmem_shared>> -> memref<10240x16xf32, #tpu.memory_space<vmem_shared>>
        tpu.enqueue_indirect_dma source(%dma_start3A_186 : memref<1264x16xf32, #tpu.memory_space<vmem>>) target(%dma_start3A_191 : memref<10240x16xf32, #tpu.memory_space<vmem_shared>>) offsets(%dma_start3A_188 : memref<1264xi32, #tpu.memory_space<vmem>>) semaphore(%run_scoped3A : memref<!tpu.dma_semaphore, #tpu.memory_space<semaphore_mem>>) {add = true}
        %dma_wait3A_192 = arith.constant 0 : i32
        %dma_wait3A_193 = arith.constant 0 : i32
        %dma_wait3A_194 = tpu.memref_slice %arg7[%dma_wait3A_192, %dma_wait3A_193] : memref<1264x16xf32, #tpu.memory_space<vmem>> -> memref<1264x16xf32, #tpu.memory_space<vmem>>
        %dma_wait3A_195 = arith.constant 5056 : i32
        %dma_wait3A_196 = tpu.memref_slice %arg6[%dma_wait3A_195] : memref<10112xi32, #tpu.memory_space<vmem>> -> memref<1264xi32, #tpu.memory_space<vmem>>
        %dma_wait3A_197 = arith.constant 0 : i32
        %dma_wait3A_198 = arith.constant 0 : i32
        %dma_wait3A_199 = tpu.memref_slice %arg11[%dma_wait3A_197, %dma_wait3A_198] : memref<10240x16xf32, #tpu.memory_space<vmem_shared>> -> memref<10240x16xf32, #tpu.memory_space<vmem_shared>>
        tpu.wait_indirect_dma semaphore(%run_scoped3A : memref<!tpu.dma_semaphore, #tpu.memory_space<semaphore_mem>>) src(%dma_wait3A_194 : memref<1264x16xf32, #tpu.memory_space<vmem>>) dst(%dma_wait3A_199 : memref<10240x16xf32, #tpu.memory_space<vmem_shared>>)
        tpu.yield
      }) : () -> ()
      %dma_start3A_144 = arith.constant 0 : i32
      %dma_start3A_145 = arith.constant 0 : i32
      %dma_start3A_146 = tpu.memref_slice %arg7[%dma_start3A_144, %dma_start3A_145] : memref<1264x16xf32, #tpu.memory_space<vmem>> -> memref<1264x16xf32, #tpu.memory_space<vmem>>
      %dma_start3A_147 = arith.constant 7584 : i32
      %dma_start3A_148 = tpu.memref_slice %arg5[%dma_start3A_147] : memref<10112xi32, #tpu.memory_space<vmem>> -> memref<1264xi32, #tpu.memory_space<vmem>>
      %dma_start3A_149 = arith.constant 0 : i32
      %dma_start3A_150 = arith.constant 0 : i32
      %dma_start3A_151 = tpu.memref_slice %arg10[%dma_start3A_149, %dma_start3A_150] : memref<10240x16xf32, #tpu.memory_space<vmem_shared>> -> memref<10240x16xf32, #tpu.memory_space<vmem_shared>>
      tpu.enqueue_indirect_dma source(%dma_start3A_151 : memref<10240x16xf32, #tpu.memory_space<vmem_shared>>) target(%dma_start3A_146 : memref<1264x16xf32, #tpu.memory_space<vmem>>) offsets(%dma_start3A_148 : memref<1264xi32, #tpu.memory_space<vmem>>) semaphore(%arg12 : memref<!tpu.dma_semaphore, #tpu.memory_space<semaphore_mem>>)
      %dma_wait3A_152 = arith.constant 0 : i32
      %dma_wait3A_153 = arith.constant 0 : i32
      %dma_wait3A_154 = tpu.memref_slice %arg8[%dma_wait3A_152, %dma_wait3A_153] : memref<1264x16xf32, #tpu.memory_space<vmem>> -> memref<1264x16xf32, #tpu.memory_space<vmem>>
      %dma_wait3A_155 = arith.constant 6320 : i32
      %dma_wait3A_156 = tpu.memref_slice %arg5[%dma_wait3A_155] : memref<10112xi32, #tpu.memory_space<vmem>> -> memref<1264xi32, #tpu.memory_space<vmem>>
      %dma_wait3A_157 = arith.constant 0 : i32
      %dma_wait3A_158 = arith.constant 0 : i32
      %dma_wait3A_159 = tpu.memref_slice %arg10[%dma_wait3A_157, %dma_wait3A_158] : memref<10240x16xf32, #tpu.memory_space<vmem_shared>> -> memref<10240x16xf32, #tpu.memory_space<vmem_shared>>
      tpu.wait_indirect_dma semaphore(%arg13 : memref<!tpu.dma_semaphore, #tpu.memory_space<semaphore_mem>>) src(%dma_wait3A_159 : memref<10240x16xf32, #tpu.memory_space<vmem_shared>>) dst(%dma_wait3A_154 : memref<1264x16xf32, #tpu.memory_space<vmem>>)
      "tpu.region"() ({
        %run_scoped3A = tpu.sem_alloc : memref<!tpu.dma_semaphore, #tpu.memory_space<semaphore_mem>>
        %dma_start3A_184 = arith.constant 0 : i32
        %dma_start3A_185 = arith.constant 0 : i32
        %dma_start3A_186 = tpu.memref_slice %arg8[%dma_start3A_184, %dma_start3A_185] : memref<1264x16xf32, #tpu.memory_space<vmem>> -> memref<1264x16xf32, #tpu.memory_space<vmem>>
        %dma_start3A_187 = arith.constant 6320 : i32
        %dma_start3A_188 = tpu.memref_slice %arg6[%dma_start3A_187] : memref<10112xi32, #tpu.memory_space<vmem>> -> memref<1264xi32, #tpu.memory_space<vmem>>
        %dma_start3A_189 = arith.constant 0 : i32
        %dma_start3A_190 = arith.constant 0 : i32
        %dma_start3A_191 = tpu.memref_slice %arg11[%dma_start3A_189, %dma_start3A_190] : memref<10240x16xf32, #tpu.memory_space<vmem_shared>> -> memref<10240x16xf32, #tpu.memory_space<vmem_shared>>
        tpu.enqueue_indirect_dma source(%dma_start3A_186 : memref<1264x16xf32, #tpu.memory_space<vmem>>) target(%dma_start3A_191 : memref<10240x16xf32, #tpu.memory_space<vmem_shared>>) offsets(%dma_start3A_188 : memref<1264xi32, #tpu.memory_space<vmem>>) semaphore(%run_scoped3A : memref<!tpu.dma_semaphore, #tpu.memory_space<semaphore_mem>>) {add = true}
        %dma_wait3A_192 = arith.constant 0 : i32
        %dma_wait3A_193 = arith.constant 0 : i32
        %dma_wait3A_194 = tpu.memref_slice %arg8[%dma_wait3A_192, %dma_wait3A_193] : memref<1264x16xf32, #tpu.memory_space<vmem>> -> memref<1264x16xf32, #tpu.memory_space<vmem>>
        %dma_wait3A_195 = arith.constant 6320 : i32
        %dma_wait3A_196 = tpu.memref_slice %arg6[%dma_wait3A_195] : memref<10112xi32, #tpu.memory_space<vmem>> -> memref<1264xi32, #tpu.memory_space<vmem>>
        %dma_wait3A_197 = arith.constant 0 : i32
        %dma_wait3A_198 = arith.constant 0 : i32
        %dma_wait3A_199 = tpu.memref_slice %arg11[%dma_wait3A_197, %dma_wait3A_198] : memref<10240x16xf32, #tpu.memory_space<vmem_shared>> -> memref<10240x16xf32, #tpu.memory_space<vmem_shared>>
        tpu.wait_indirect_dma semaphore(%run_scoped3A : memref<!tpu.dma_semaphore, #tpu.memory_space<semaphore_mem>>) src(%dma_wait3A_194 : memref<1264x16xf32, #tpu.memory_space<vmem>>) dst(%dma_wait3A_199 : memref<10240x16xf32, #tpu.memory_space<vmem_shared>>)
        tpu.yield
      }) : () -> ()
      %dma_start3A_160 = arith.constant 0 : i32
      %dma_start3A_161 = arith.constant 0 : i32
      %dma_start3A_162 = tpu.memref_slice %arg8[%dma_start3A_160, %dma_start3A_161] : memref<1264x16xf32, #tpu.memory_space<vmem>> -> memref<1264x16xf32, #tpu.memory_space<vmem>>
      %dma_start3A_163 = arith.constant 8848 : i32
      %dma_start3A_164 = tpu.memref_slice %arg5[%dma_start3A_163] : memref<10112xi32, #tpu.memory_space<vmem>> -> memref<1264xi32, #tpu.memory_space<vmem>>
      %dma_start3A_165 = arith.constant 0 : i32
      %dma_start3A_166 = arith.constant 0 : i32
      %dma_start3A_167 = tpu.memref_slice %arg10[%dma_start3A_165, %dma_start3A_166] : memref<10240x16xf32, #tpu.memory_space<vmem_shared>> -> memref<10240x16xf32, #tpu.memory_space<vmem_shared>>
      tpu.enqueue_indirect_dma source(%dma_start3A_167 : memref<10240x16xf32, #tpu.memory_space<vmem_shared>>) target(%dma_start3A_162 : memref<1264x16xf32, #tpu.memory_space<vmem>>) offsets(%dma_start3A_164 : memref<1264xi32, #tpu.memory_space<vmem>>) semaphore(%arg13 : memref<!tpu.dma_semaphore, #tpu.memory_space<semaphore_mem>>)
      %dma_wait3A_168 = arith.constant 0 : i32
      %dma_wait3A_169 = arith.constant 0 : i32
      %dma_wait3A_170 = tpu.memref_slice %arg7[%dma_wait3A_168, %dma_wait3A_169] : memref<1264x16xf32, #tpu.memory_space<vmem>> -> memref<1264x16xf32, #tpu.memory_space<vmem>>
      %dma_wait3A_171 = arith.constant 7584 : i32
      %dma_wait3A_172 = tpu.memref_slice %arg5[%dma_wait3A_171] : memref<10112xi32, #tpu.memory_space<vmem>> -> memref<1264xi32, #tpu.memory_space<vmem>>
      %dma_wait3A_173 = arith.constant 0 : i32
      %dma_wait3A_174 = arith.constant 0 : i32
      %dma_wait3A_175 = tpu.memref_slice %arg10[%dma_wait3A_173, %dma_wait3A_174] : memref<10240x16xf32, #tpu.memory_space<vmem_shared>> -> memref<10240x16xf32, #tpu.memory_space<vmem_shared>>
      tpu.wait_indirect_dma semaphore(%arg12 : memref<!tpu.dma_semaphore, #tpu.memory_space<semaphore_mem>>) src(%dma_wait3A_175 : memref<10240x16xf32, #tpu.memory_space<vmem_shared>>) dst(%dma_wait3A_170 : memref<1264x16xf32, #tpu.memory_space<vmem>>)
      "tpu.region"() ({
        %run_scoped3A = tpu.sem_alloc : memref<!tpu.dma_semaphore, #tpu.memory_space<semaphore_mem>>
        %dma_start3A_184 = arith.constant 0 : i32
        %dma_start3A_185 = arith.constant 0 : i32
        %dma_start3A_186 = tpu.memref_slice %arg7[%dma_start3A_184, %dma_start3A_185] : memref<1264x16xf32, #tpu.memory_space<vmem>> -> memref<1264x16xf32, #tpu.memory_space<vmem>>
        %dma_start3A_187 = arith.constant 7584 : i32
        %dma_start3A_188 = tpu.memref_slice %arg6[%dma_start3A_187] : memref<10112xi32, #tpu.memory_space<vmem>> -> memref<1264xi32, #tpu.memory_space<vmem>>
        %dma_start3A_189 = arith.constant 0 : i32
        %dma_start3A_190 = arith.constant 0 : i32
        %dma_start3A_191 = tpu.memref_slice %arg11[%dma_start3A_189, %dma_start3A_190] : memref<10240x16xf32, #tpu.memory_space<vmem_shared>> -> memref<10240x16xf32, #tpu.memory_space<vmem_shared>>
        tpu.enqueue_indirect_dma source(%dma_start3A_186 : memref<1264x16xf32, #tpu.memory_space<vmem>>) target(%dma_start3A_191 : memref<10240x16xf32, #tpu.memory_space<vmem_shared>>) offsets(%dma_start3A_188 : memref<1264xi32, #tpu.memory_space<vmem>>) semaphore(%run_scoped3A : memref<!tpu.dma_semaphore, #tpu.memory_space<semaphore_mem>>) {add = true}
        %dma_wait3A_192 = arith.constant 0 : i32
        %dma_wait3A_193 = arith.constant 0 : i32
        %dma_wait3A_194 = tpu.memref_slice %arg7[%dma_wait3A_192, %dma_wait3A_193] : memref<1264x16xf32, #tpu.memory_space<vmem>> -> memref<1264x16xf32, #tpu.memory_space<vmem>>
        %dma_wait3A_195 = arith.constant 7584 : i32
        %dma_wait3A_196 = tpu.memref_slice %arg6[%dma_wait3A_195] : memref<10112xi32, #tpu.memory_space<vmem>> -> memref<1264xi32, #tpu.memory_space<vmem>>
        %dma_wait3A_197 = arith.constant 0 : i32
        %dma_wait3A_198 = arith.constant 0 : i32
        %dma_wait3A_199 = tpu.memref_slice %arg11[%dma_wait3A_197, %dma_wait3A_198] : memref<10240x16xf32, #tpu.memory_space<vmem_shared>> -> memref<10240x16xf32, #tpu.memory_space<vmem_shared>>
        tpu.wait_indirect_dma semaphore(%run_scoped3A : memref<!tpu.dma_semaphore, #tpu.memory_space<semaphore_mem>>) src(%dma_wait3A_194 : memref<1264x16xf32, #tpu.memory_space<vmem>>) dst(%dma_wait3A_199 : memref<10240x16xf32, #tpu.memory_space<vmem_shared>>)
        tpu.yield
      }) : () -> ()
      %dma_wait3A_176 = arith.constant 0 : i32
      %dma_wait3A_177 = arith.constant 0 : i32
      %dma_wait3A_178 = tpu.memref_slice %arg8[%dma_wait3A_176, %dma_wait3A_177] : memref<1264x16xf32, #tpu.memory_space<vmem>> -> memref<1264x16xf32, #tpu.memory_space<vmem>>
      %dma_wait3A_179 = arith.constant 8848 : i32
      %dma_wait3A_180 = tpu.memref_slice %arg5[%dma_wait3A_179] : memref<10112xi32, #tpu.memory_space<vmem>> -> memref<1264xi32, #tpu.memory_space<vmem>>
      %dma_wait3A_181 = arith.constant 0 : i32
      %dma_wait3A_182 = arith.constant 0 : i32
      %dma_wait3A_183 = tpu.memref_slice %arg10[%dma_wait3A_181, %dma_wait3A_182] : memref<10240x16xf32, #tpu.memory_space<vmem_shared>> -> memref<10240x16xf32, #tpu.memory_space<vmem_shared>>
      tpu.wait_indirect_dma semaphore(%arg13 : memref<!tpu.dma_semaphore, #tpu.memory_space<semaphore_mem>>) src(%dma_wait3A_183 : memref<10240x16xf32, #tpu.memory_space<vmem_shared>>) dst(%dma_wait3A_178 : memref<1264x16xf32, #tpu.memory_space<vmem>>)
      "tpu.region"() ({
        %run_scoped3A = tpu.sem_alloc : memref<!tpu.dma_semaphore, #tpu.memory_space<semaphore_mem>>
        %dma_start3A_184 = arith.constant 0 : i32
        %dma_start3A_185 = arith.constant 0 : i32
        %dma_start3A_186 = tpu.memref_slice %arg8[%dma_start3A_184, %dma_start3A_185] : memref<1264x16xf32, #tpu.memory_space<vmem>> -> memref<1264x16xf32, #tpu.memory_space<vmem>>
        %dma_start3A_187 = arith.constant 8848 : i32
        %dma_start3A_188 = tpu.memref_slice %arg6[%dma_start3A_187] : memref<10112xi32, #tpu.memory_space<vmem>> -> memref<1264xi32, #tpu.memory_space<vmem>>
        %dma_start3A_189 = arith.constant 0 : i32
        %dma_start3A_190 = arith.constant 0 : i32
        %dma_start3A_191 = tpu.memref_slice %arg11[%dma_start3A_189, %dma_start3A_190] : memref<10240x16xf32, #tpu.memory_space<vmem_shared>> -> memref<10240x16xf32, #tpu.memory_space<vmem_shared>>
        tpu.enqueue_indirect_dma source(%dma_start3A_186 : memref<1264x16xf32, #tpu.memory_space<vmem>>) target(%dma_start3A_191 : memref<10240x16xf32, #tpu.memory_space<vmem_shared>>) offsets(%dma_start3A_188 : memref<1264xi32, #tpu.memory_space<vmem>>) semaphore(%run_scoped3A : memref<!tpu.dma_semaphore, #tpu.memory_space<semaphore_mem>>) {add = true}
        %dma_wait3A_192 = arith.constant 0 : i32
        %dma_wait3A_193 = arith.constant 0 : i32
        %dma_wait3A_194 = tpu.memref_slice %arg8[%dma_wait3A_192, %dma_wait3A_193] : memref<1264x16xf32, #tpu.memory_space<vmem>> -> memref<1264x16xf32, #tpu.memory_space<vmem>>
        %dma_wait3A_195 = arith.constant 8848 : i32
        %dma_wait3A_196 = tpu.memref_slice %arg6[%dma_wait3A_195] : memref<10112xi32, #tpu.memory_space<vmem>> -> memref<1264xi32, #tpu.memory_space<vmem>>
        %dma_wait3A_197 = arith.constant 0 : i32
        %dma_wait3A_198 = arith.constant 0 : i32
        %dma_wait3A_199 = tpu.memref_slice %arg11[%dma_wait3A_197, %dma_wait3A_198] : memref<10240x16xf32, #tpu.memory_space<vmem_shared>> -> memref<10240x16xf32, #tpu.memory_space<vmem_shared>>
        tpu.wait_indirect_dma semaphore(%run_scoped3A : memref<!tpu.dma_semaphore, #tpu.memory_space<semaphore_mem>>) src(%dma_wait3A_194 : memref<1264x16xf32, #tpu.memory_space<vmem>>) dst(%dma_wait3A_199 : memref<10240x16xf32, #tpu.memory_space<vmem_shared>>)
        tpu.yield
      }) : () -> ()
    } else {
    }
    %ge3A_48 = arith.constant 4 : i32
    %ge3A_49 = arith.cmpi sge, %add3A, %ge3A_48 : i32
    %convert_element_type3A_50 = arith.extui %ge3A_49 : i1 to i32
    %cond3A_51 = arith.constant 0 : i32
    %cond3A_52 = arith.cmpi ne, %convert_element_type3A_50, %cond3A_51 : i32
    scf.if %cond3A_52 {
      %dma_start3A = arith.constant 0 : i32
      %dma_start3A_58 = arith.constant 0 : i32
      %dma_start3A_59 = tpu.memref_slice %arg7[%dma_start3A, %dma_start3A_58] : memref<1264x16xf32, #tpu.memory_space<vmem>> -> memref<1248x16xf32, #tpu.memory_space<vmem>>
      %dma_start3A_60 = arith.constant 0 : i32
      %dma_start3A_61 = tpu.memref_slice %arg5[%dma_start3A_60] : memref<10112xi32, #tpu.memory_space<vmem>> -> memref<1248xi32, #tpu.memory_space<vmem>>
      %dma_start3A_62 = arith.constant 0 : i32
      %dma_start3A_63 = arith.constant 0 : i32
      %dma_start3A_64 = tpu.memref_slice %arg10[%dma_start3A_62, %dma_start3A_63] : memref<10240x16xf32, #tpu.memory_space<vmem_shared>> -> memref<10240x16xf32, #tpu.memory_space<vmem_shared>>
      tpu.enqueue_indirect_dma source(%dma_start3A_64 : memref<10240x16xf32, #tpu.memory_space<vmem_shared>>) target(%dma_start3A_59 : memref<1248x16xf32, #tpu.memory_space<vmem>>) offsets(%dma_start3A_61 : memref<1248xi32, #tpu.memory_space<vmem>>) semaphore(%arg12 : memref<!tpu.dma_semaphore, #tpu.memory_space<semaphore_mem>>)
      %dma_start3A_65 = arith.constant 0 : i32
      %dma_start3A_66 = arith.constant 0 : i32
      %dma_start3A_67 = tpu.memref_slice %arg8[%dma_start3A_65, %dma_start3A_66] : memref<1264x16xf32, #tpu.memory_space<vmem>> -> memref<1248x16xf32, #tpu.memory_space<vmem>>
      %dma_start3A_68 = arith.constant 1248 : i32
      %dma_start3A_69 = tpu.memref_slice %arg5[%dma_start3A_68] : memref<10112xi32, #tpu.memory_space<vmem>> -> memref<1248xi32, #tpu.memory_space<vmem>>
      %dma_start3A_70 = arith.constant 0 : i32
      %dma_start3A_71 = arith.constant 0 : i32
      %dma_start3A_72 = tpu.memref_slice %arg10[%dma_start3A_70, %dma_start3A_71] : memref<10240x16xf32, #tpu.memory_space<vmem_shared>> -> memref<10240x16xf32, #tpu.memory_space<vmem_shared>>
      tpu.enqueue_indirect_dma source(%dma_start3A_72 : memref<10240x16xf32, #tpu.memory_space<vmem_shared>>) target(%dma_start3A_67 : memref<1248x16xf32, #tpu.memory_space<vmem>>) offsets(%dma_start3A_69 : memref<1248xi32, #tpu.memory_space<vmem>>) semaphore(%arg13 : memref<!tpu.dma_semaphore, #tpu.memory_space<semaphore_mem>>)
      %dma_wait3A = arith.constant 0 : i32
      %dma_wait3A_73 = arith.constant 0 : i32
      %dma_wait3A_74 = tpu.memref_slice %arg7[%dma_wait3A, %dma_wait3A_73] : memref<1264x16xf32, #tpu.memory_space<vmem>> -> memref<1248x16xf32, #tpu.memory_space<vmem>>
      %dma_wait3A_75 = arith.constant 0 : i32
      %dma_wait3A_76 = tpu.memref_slice %arg5[%dma_wait3A_75] : memref<10112xi32, #tpu.memory_space<vmem>> -> memref<1248xi32, #tpu.memory_space<vmem>>
      %dma_wait3A_77 = arith.constant 0 : i32
      %dma_wait3A_78 = arith.constant 0 : i32
      %dma_wait3A_79 = tpu.memref_slice %arg10[%dma_wait3A_77, %dma_wait3A_78] : memref<10240x16xf32, #tpu.memory_space<vmem_shared>> -> memref<10240x16xf32, #tpu.memory_space<vmem_shared>>
      tpu.wait_indirect_dma semaphore(%arg12 : memref<!tpu.dma_semaphore, #tpu.memory_space<semaphore_mem>>) src(%dma_wait3A_79 : memref<10240x16xf32, #tpu.memory_space<vmem_shared>>) dst(%dma_wait3A_74 : memref<1248x16xf32, #tpu.memory_space<vmem>>)
      "tpu.region"() ({
        %run_scoped3A = tpu.sem_alloc : memref<!tpu.dma_semaphore, #tpu.memory_space<semaphore_mem>>
        %dma_start3A_184 = arith.constant 0 : i32
        %dma_start3A_185 = arith.constant 0 : i32
        %dma_start3A_186 = tpu.memref_slice %arg7[%dma_start3A_184, %dma_start3A_185] : memref<1264x16xf32, #tpu.memory_space<vmem>> -> memref<1248x16xf32, #tpu.memory_space<vmem>>
        %dma_start3A_187 = arith.constant 0 : i32
        %dma_start3A_188 = tpu.memref_slice %arg6[%dma_start3A_187] : memref<10112xi32, #tpu.memory_space<vmem>> -> memref<1248xi32, #tpu.memory_space<vmem>>
        %dma_start3A_189 = arith.constant 0 : i32
        %dma_start3A_190 = arith.constant 0 : i32
        %dma_start3A_191 = tpu.memref_slice %arg11[%dma_start3A_189, %dma_start3A_190] : memref<10240x16xf32, #tpu.memory_space<vmem_shared>> -> memref<10240x16xf32, #tpu.memory_space<vmem_shared>>
        tpu.enqueue_indirect_dma source(%dma_start3A_186 : memref<1248x16xf32, #tpu.memory_space<vmem>>) target(%dma_start3A_191 : memref<10240x16xf32, #tpu.memory_space<vmem_shared>>) offsets(%dma_start3A_188 : memref<1248xi32, #tpu.memory_space<vmem>>) semaphore(%run_scoped3A : memref<!tpu.dma_semaphore, #tpu.memory_space<semaphore_mem>>) {add = true}
        %dma_wait3A_192 = arith.constant 0 : i32
        %dma_wait3A_193 = arith.constant 0 : i32
        %dma_wait3A_194 = tpu.memref_slice %arg7[%dma_wait3A_192, %dma_wait3A_193] : memref<1264x16xf32, #tpu.memory_space<vmem>> -> memref<1248x16xf32, #tpu.memory_space<vmem>>
        %dma_wait3A_195 = arith.constant 0 : i32
        %dma_wait3A_196 = tpu.memref_slice %arg6[%dma_wait3A_195] : memref<10112xi32, #tpu.memory_space<vmem>> -> memref<1248xi32, #tpu.memory_space<vmem>>
        %dma_wait3A_197 = arith.constant 0 : i32
        %dma_wait3A_198 = arith.constant 0 : i32
        %dma_wait3A_199 = tpu.memref_slice %arg11[%dma_wait3A_197, %dma_wait3A_198] : memref<10240x16xf32, #tpu.memory_space<vmem_shared>> -> memref<10240x16xf32, #tpu.memory_space<vmem_shared>>
        tpu.wait_indirect_dma semaphore(%run_scoped3A : memref<!tpu.dma_semaphore, #tpu.memory_space<semaphore_mem>>) src(%dma_wait3A_194 : memref<1248x16xf32, #tpu.memory_space<vmem>>) dst(%dma_wait3A_199 : memref<10240x16xf32, #tpu.memory_space<vmem_shared>>)
        tpu.yield
      }) : () -> ()
      %dma_start3A_80 = arith.constant 0 : i32
      %dma_start3A_81 = arith.constant 0 : i32
      %dma_start3A_82 = tpu.memref_slice %arg7[%dma_start3A_80, %dma_start3A_81] : memref<1264x16xf32, #tpu.memory_space<vmem>> -> memref<1248x16xf32, #tpu.memory_space<vmem>>
      %dma_start3A_83 = arith.constant 2496 : i32
      %dma_start3A_84 = tpu.memref_slice %arg5[%dma_start3A_83] : memref<10112xi32, #tpu.memory_space<vmem>> -> memref<1248xi32, #tpu.memory_space<vmem>>
      %dma_start3A_85 = arith.constant 0 : i32
      %dma_start3A_86 = arith.constant 0 : i32
      %dma_start3A_87 = tpu.memref_slice %arg10[%dma_start3A_85, %dma_start3A_86] : memref<10240x16xf32, #tpu.memory_space<vmem_shared>> -> memref<10240x16xf32, #tpu.memory_space<vmem_shared>>
      tpu.enqueue_indirect_dma source(%dma_start3A_87 : memref<10240x16xf32, #tpu.memory_space<vmem_shared>>) target(%dma_start3A_82 : memref<1248x16xf32, #tpu.memory_space<vmem>>) offsets(%dma_start3A_84 : memref<1248xi32, #tpu.memory_space<vmem>>) semaphore(%arg12 : memref<!tpu.dma_semaphore, #tpu.memory_space<semaphore_mem>>)
      %dma_wait3A_88 = arith.constant 0 : i32
      %dma_wait3A_89 = arith.constant 0 : i32
      %dma_wait3A_90 = tpu.memref_slice %arg8[%dma_wait3A_88, %dma_wait3A_89] : memref<1264x16xf32, #tpu.memory_space<vmem>> -> memref<1248x16xf32, #tpu.memory_space<vmem>>
      %dma_wait3A_91 = arith.constant 1248 : i32
      %dma_wait3A_92 = tpu.memref_slice %arg5[%dma_wait3A_91] : memref<10112xi32, #tpu.memory_space<vmem>> -> memref<1248xi32, #tpu.memory_space<vmem>>
      %dma_wait3A_93 = arith.constant 0 : i32
      %dma_wait3A_94 = arith.constant 0 : i32
      %dma_wait3A_95 = tpu.memref_slice %arg10[%dma_wait3A_93, %dma_wait3A_94] : memref<10240x16xf32, #tpu.memory_space<vmem_shared>> -> memref<10240x16xf32, #tpu.memory_space<vmem_shared>>
      tpu.wait_indirect_dma semaphore(%arg13 : memref<!tpu.dma_semaphore, #tpu.memory_space<semaphore_mem>>) src(%dma_wait3A_95 : memref<10240x16xf32, #tpu.memory_space<vmem_shared>>) dst(%dma_wait3A_90 : memref<1248x16xf32, #tpu.memory_space<vmem>>)
      "tpu.region"() ({
        %run_scoped3A = tpu.sem_alloc : memref<!tpu.dma_semaphore, #tpu.memory_space<semaphore_mem>>
        %dma_start3A_184 = arith.constant 0 : i32
        %dma_start3A_185 = arith.constant 0 : i32
        %dma_start3A_186 = tpu.memref_slice %arg8[%dma_start3A_184, %dma_start3A_185] : memref<1264x16xf32, #tpu.memory_space<vmem>> -> memref<1248x16xf32, #tpu.memory_space<vmem>>
        %dma_start3A_187 = arith.constant 1248 : i32
        %dma_start3A_188 = tpu.memref_slice %arg6[%dma_start3A_187] : memref<10112xi32, #tpu.memory_space<vmem>> -> memref<1248xi32, #tpu.memory_space<vmem>>
        %dma_start3A_189 = arith.constant 0 : i32
        %dma_start3A_190 = arith.constant 0 : i32
        %dma_start3A_191 = tpu.memref_slice %arg11[%dma_start3A_189, %dma_start3A_190] : memref<10240x16xf32, #tpu.memory_space<vmem_shared>> -> memref<10240x16xf32, #tpu.memory_space<vmem_shared>>
        tpu.enqueue_indirect_dma source(%dma_start3A_186 : memref<1248x16xf32, #tpu.memory_space<vmem>>) target(%dma_start3A_191 : memref<10240x16xf32, #tpu.memory_space<vmem_shared>>) offsets(%dma_start3A_188 : memref<1248xi32, #tpu.memory_space<vmem>>) semaphore(%run_scoped3A : memref<!tpu.dma_semaphore, #tpu.memory_space<semaphore_mem>>) {add = true}
        %dma_wait3A_192 = arith.constant 0 : i32
        %dma_wait3A_193 = arith.constant 0 : i32
        %dma_wait3A_194 = tpu.memref_slice %arg8[%dma_wait3A_192, %dma_wait3A_193] : memref<1264x16xf32, #tpu.memory_space<vmem>> -> memref<1248x16xf32, #tpu.memory_space<vmem>>
        %dma_wait3A_195 = arith.constant 1248 : i32
        %dma_wait3A_196 = tpu.memref_slice %arg6[%dma_wait3A_195] : memref<10112xi32, #tpu.memory_space<vmem>> -> memref<1248xi32, #tpu.memory_space<vmem>>
        %dma_wait3A_197 = arith.constant 0 : i32
        %dma_wait3A_198 = arith.constant 0 : i32
        %dma_wait3A_199 = tpu.memref_slice %arg11[%dma_wait3A_197, %dma_wait3A_198] : memref<10240x16xf32, #tpu.memory_space<vmem_shared>> -> memref<10240x16xf32, #tpu.memory_space<vmem_shared>>
        tpu.wait_indirect_dma semaphore(%run_scoped3A : memref<!tpu.dma_semaphore, #tpu.memory_space<semaphore_mem>>) src(%dma_wait3A_194 : memref<1248x16xf32, #tpu.memory_space<vmem>>) dst(%dma_wait3A_199 : memref<10240x16xf32, #tpu.memory_space<vmem_shared>>)
        tpu.yield
      }) : () -> ()
      %dma_start3A_96 = arith.constant 0 : i32
      %dma_start3A_97 = arith.constant 0 : i32
      %dma_start3A_98 = tpu.memref_slice %arg8[%dma_start3A_96, %dma_start3A_97] : memref<1264x16xf32, #tpu.memory_space<vmem>> -> memref<1248x16xf32, #tpu.memory_space<vmem>>
      %dma_start3A_99 = arith.constant 3744 : i32
      %dma_start3A_100 = tpu.memref_slice %arg5[%dma_start3A_99] : memref<10112xi32, #tpu.memory_space<vmem>> -> memref<1248xi32, #tpu.memory_space<vmem>>
      %dma_start3A_101 = arith.constant 0 : i32
      %dma_start3A_102 = arith.constant 0 : i32
      %dma_start3A_103 = tpu.memref_slice %arg10[%dma_start3A_101, %dma_start3A_102] : memref<10240x16xf32, #tpu.memory_space<vmem_shared>> -> memref<10240x16xf32, #tpu.memory_space<vmem_shared>>
      tpu.enqueue_indirect_dma source(%dma_start3A_103 : memref<10240x16xf32, #tpu.memory_space<vmem_shared>>) target(%dma_start3A_98 : memref<1248x16xf32, #tpu.memory_space<vmem>>) offsets(%dma_start3A_100 : memref<1248xi32, #tpu.memory_space<vmem>>) semaphore(%arg13 : memref<!tpu.dma_semaphore, #tpu.memory_space<semaphore_mem>>)
      %dma_wait3A_104 = arith.constant 0 : i32
      %dma_wait3A_105 = arith.constant 0 : i32
      %dma_wait3A_106 = tpu.memref_slice %arg7[%dma_wait3A_104, %dma_wait3A_105] : memref<1264x16xf32, #tpu.memory_space<vmem>> -> memref<1248x16xf32, #tpu.memory_space<vmem>>
      %dma_wait3A_107 = arith.constant 2496 : i32
      %dma_wait3A_108 = tpu.memref_slice %arg5[%dma_wait3A_107] : memref<10112xi32, #tpu.memory_space<vmem>> -> memref<1248xi32, #tpu.memory_space<vmem>>
      %dma_wait3A_109 = arith.constant 0 : i32
      %dma_wait3A_110 = arith.constant 0 : i32
      %dma_wait3A_111 = tpu.memref_slice %arg10[%dma_wait3A_109, %dma_wait3A_110] : memref<10240x16xf32, #tpu.memory_space<vmem_shared>> -> memref<10240x16xf32, #tpu.memory_space<vmem_shared>>
      tpu.wait_indirect_dma semaphore(%arg12 : memref<!tpu.dma_semaphore, #tpu.memory_space<semaphore_mem>>) src(%dma_wait3A_111 : memref<10240x16xf32, #tpu.memory_space<vmem_shared>>) dst(%dma_wait3A_106 : memref<1248x16xf32, #tpu.memory_space<vmem>>)
      "tpu.region"() ({
        %run_scoped3A = tpu.sem_alloc : memref<!tpu.dma_semaphore, #tpu.memory_space<semaphore_mem>>
        %dma_start3A_184 = arith.constant 0 : i32
        %dma_start3A_185 = arith.constant 0 : i32
        %dma_start3A_186 = tpu.memref_slice %arg7[%dma_start3A_184, %dma_start3A_185] : memref<1264x16xf32, #tpu.memory_space<vmem>> -> memref<1248x16xf32, #tpu.memory_space<vmem>>
        %dma_start3A_187 = arith.constant 2496 : i32
        %dma_start3A_188 = tpu.memref_slice %arg6[%dma_start3A_187] : memref<10112xi32, #tpu.memory_space<vmem>> -> memref<1248xi32, #tpu.memory_space<vmem>>
        %dma_start3A_189 = arith.constant 0 : i32
        %dma_start3A_190 = arith.constant 0 : i32
        %dma_start3A_191 = tpu.memref_slice %arg11[%dma_start3A_189, %dma_start3A_190] : memref<10240x16xf32, #tpu.memory_space<vmem_shared>> -> memref<10240x16xf32, #tpu.memory_space<vmem_shared>>
        tpu.enqueue_indirect_dma source(%dma_start3A_186 : memref<1248x16xf32, #tpu.memory_space<vmem>>) target(%dma_start3A_191 : memref<10240x16xf32, #tpu.memory_space<vmem_shared>>) offsets(%dma_start3A_188 : memref<1248xi32, #tpu.memory_space<vmem>>) semaphore(%run_scoped3A : memref<!tpu.dma_semaphore, #tpu.memory_space<semaphore_mem>>) {add = true}
        %dma_wait3A_192 = arith.constant 0 : i32
        %dma_wait3A_193 = arith.constant 0 : i32
        %dma_wait3A_194 = tpu.memref_slice %arg7[%dma_wait3A_192, %dma_wait3A_193] : memref<1264x16xf32, #tpu.memory_space<vmem>> -> memref<1248x16xf32, #tpu.memory_space<vmem>>
        %dma_wait3A_195 = arith.constant 2496 : i32
        %dma_wait3A_196 = tpu.memref_slice %arg6[%dma_wait3A_195] : memref<10112xi32, #tpu.memory_space<vmem>> -> memref<1248xi32, #tpu.memory_space<vmem>>
        %dma_wait3A_197 = arith.constant 0 : i32
        %dma_wait3A_198 = arith.constant 0 : i32
        %dma_wait3A_199 = tpu.memref_slice %arg11[%dma_wait3A_197, %dma_wait3A_198] : memref<10240x16xf32, #tpu.memory_space<vmem_shared>> -> memref<10240x16xf32, #tpu.memory_space<vmem_shared>>
        tpu.wait_indirect_dma semaphore(%run_scoped3A : memref<!tpu.dma_semaphore, #tpu.memory_space<semaphore_mem>>) src(%dma_wait3A_194 : memref<1248x16xf32, #tpu.memory_space<vmem>>) dst(%dma_wait3A_199 : memref<10240x16xf32, #tpu.memory_space<vmem_shared>>)
        tpu.yield
      }) : () -> ()
      %dma_start3A_112 = arith.constant 0 : i32
      %dma_start3A_113 = arith.constant 0 : i32
      %dma_start3A_114 = tpu.memref_slice %arg7[%dma_start3A_112, %dma_start3A_113] : memref<1264x16xf32, #tpu.memory_space<vmem>> -> memref<1248x16xf32, #tpu.memory_space<vmem>>
      %dma_start3A_115 = arith.constant 4992 : i32
      %dma_start3A_116 = tpu.memref_slice %arg5[%dma_start3A_115] : memref<10112xi32, #tpu.memory_space<vmem>> -> memref<1248xi32, #tpu.memory_space<vmem>>
      %dma_start3A_117 = arith.constant 0 : i32
      %dma_start3A_118 = arith.constant 0 : i32
      %dma_start3A_119 = tpu.memref_slice %arg10[%dma_start3A_117, %dma_start3A_118] : memref<10240x16xf32, #tpu.memory_space<vmem_shared>> -> memref<10240x16xf32, #tpu.memory_space<vmem_shared>>
      tpu.enqueue_indirect_dma source(%dma_start3A_119 : memref<10240x16xf32, #tpu.memory_space<vmem_shared>>) target(%dma_start3A_114 : memref<1248x16xf32, #tpu.memory_space<vmem>>) offsets(%dma_start3A_116 : memref<1248xi32, #tpu.memory_space<vmem>>) semaphore(%arg12 : memref<!tpu.dma_semaphore, #tpu.memory_space<semaphore_mem>>)
      %dma_wait3A_120 = arith.constant 0 : i32
      %dma_wait3A_121 = arith.constant 0 : i32
      %dma_wait3A_122 = tpu.memref_slice %arg8[%dma_wait3A_120, %dma_wait3A_121] : memref<1264x16xf32, #tpu.memory_space<vmem>> -> memref<1248x16xf32, #tpu.memory_space<vmem>>
      %dma_wait3A_123 = arith.constant 3744 : i32
      %dma_wait3A_124 = tpu.memref_slice %arg5[%dma_wait3A_123] : memref<10112xi32, #tpu.memory_space<vmem>> -> memref<1248xi32, #tpu.memory_space<vmem>>
      %dma_wait3A_125 = arith.constant 0 : i32
      %dma_wait3A_126 = arith.constant 0 : i32
      %dma_wait3A_127 = tpu.memref_slice %arg10[%dma_wait3A_125, %dma_wait3A_126] : memref<10240x16xf32, #tpu.memory_space<vmem_shared>> -> memref<10240x16xf32, #tpu.memory_space<vmem_shared>>
      tpu.wait_indirect_dma semaphore(%arg13 : memref<!tpu.dma_semaphore, #tpu.memory_space<semaphore_mem>>) src(%dma_wait3A_127 : memref<10240x16xf32, #tpu.memory_space<vmem_shared>>) dst(%dma_wait3A_122 : memref<1248x16xf32, #tpu.memory_space<vmem>>)
      "tpu.region"() ({
        %run_scoped3A = tpu.sem_alloc : memref<!tpu.dma_semaphore, #tpu.memory_space<semaphore_mem>>
        %dma_start3A_184 = arith.constant 0 : i32
        %dma_start3A_185 = arith.constant 0 : i32
        %dma_start3A_186 = tpu.memref_slice %arg8[%dma_start3A_184, %dma_start3A_185] : memref<1264x16xf32, #tpu.memory_space<vmem>> -> memref<1248x16xf32, #tpu.memory_space<vmem>>
        %dma_start3A_187 = arith.constant 3744 : i32
        %dma_start3A_188 = tpu.memref_slice %arg6[%dma_start3A_187] : memref<10112xi32, #tpu.memory_space<vmem>> -> memref<1248xi32, #tpu.memory_space<vmem>>
        %dma_start3A_189 = arith.constant 0 : i32
        %dma_start3A_190 = arith.constant 0 : i32
        %dma_start3A_191 = tpu.memref_slice %arg11[%dma_start3A_189, %dma_start3A_190] : memref<10240x16xf32, #tpu.memory_space<vmem_shared>> -> memref<10240x16xf32, #tpu.memory_space<vmem_shared>>
        tpu.enqueue_indirect_dma source(%dma_start3A_186 : memref<1248x16xf32, #tpu.memory_space<vmem>>) target(%dma_start3A_191 : memref<10240x16xf32, #tpu.memory_space<vmem_shared>>) offsets(%dma_start3A_188 : memref<1248xi32, #tpu.memory_space<vmem>>) semaphore(%run_scoped3A : memref<!tpu.dma_semaphore, #tpu.memory_space<semaphore_mem>>) {add = true}
        %dma_wait3A_192 = arith.constant 0 : i32
        %dma_wait3A_193 = arith.constant 0 : i32
        %dma_wait3A_194 = tpu.memref_slice %arg8[%dma_wait3A_192, %dma_wait3A_193] : memref<1264x16xf32, #tpu.memory_space<vmem>> -> memref<1248x16xf32, #tpu.memory_space<vmem>>
        %dma_wait3A_195 = arith.constant 3744 : i32
        %dma_wait3A_196 = tpu.memref_slice %arg6[%dma_wait3A_195] : memref<10112xi32, #tpu.memory_space<vmem>> -> memref<1248xi32, #tpu.memory_space<vmem>>
        %dma_wait3A_197 = arith.constant 0 : i32
        %dma_wait3A_198 = arith.constant 0 : i32
        %dma_wait3A_199 = tpu.memref_slice %arg11[%dma_wait3A_197, %dma_wait3A_198] : memref<10240x16xf32, #tpu.memory_space<vmem_shared>> -> memref<10240x16xf32, #tpu.memory_space<vmem_shared>>
        tpu.wait_indirect_dma semaphore(%run_scoped3A : memref<!tpu.dma_semaphore, #tpu.memory_space<semaphore_mem>>) src(%dma_wait3A_194 : memref<1248x16xf32, #tpu.memory_space<vmem>>) dst(%dma_wait3A_199 : memref<10240x16xf32, #tpu.memory_space<vmem_shared>>)
        tpu.yield
      }) : () -> ()
      %dma_start3A_128 = arith.constant 0 : i32
      %dma_start3A_129 = arith.constant 0 : i32
      %dma_start3A_130 = tpu.memref_slice %arg8[%dma_start3A_128, %dma_start3A_129] : memref<1264x16xf32, #tpu.memory_space<vmem>> -> memref<1248x16xf32, #tpu.memory_space<vmem>>
      %dma_start3A_131 = arith.constant 6240 : i32
      %dma_start3A_132 = tpu.memref_slice %arg5[%dma_start3A_131] : memref<10112xi32, #tpu.memory_space<vmem>> -> memref<1248xi32, #tpu.memory_space<vmem>>
      %dma_start3A_133 = arith.constant 0 : i32
      %dma_start3A_134 = arith.constant 0 : i32
      %dma_start3A_135 = tpu.memref_slice %arg10[%dma_start3A_133, %dma_start3A_134] : memref<10240x16xf32, #tpu.memory_space<vmem_shared>> -> memref<10240x16xf32, #tpu.memory_space<vmem_shared>>
      tpu.enqueue_indirect_dma source(%dma_start3A_135 : memref<10240x16xf32, #tpu.memory_space<vmem_shared>>) target(%dma_start3A_130 : memref<1248x16xf32, #tpu.memory_space<vmem>>) offsets(%dma_start3A_132 : memref<1248xi32, #tpu.memory_space<vmem>>) semaphore(%arg13 : memref<!tpu.dma_semaphore, #tpu.memory_space<semaphore_mem>>)
      %dma_wait3A_136 = arith.constant 0 : i32
      %dma_wait3A_137 = arith.constant 0 : i32
      %dma_wait3A_138 = tpu.memref_slice %arg7[%dma_wait3A_136, %dma_wait3A_137] : memref<1264x16xf32, #tpu.memory_space<vmem>> -> memref<1248x16xf32, #tpu.memory_space<vmem>>
      %dma_wait3A_139 = arith.constant 4992 : i32
      %dma_wait3A_140 = tpu.memref_slice %arg5[%dma_wait3A_139] : memref<10112xi32, #tpu.memory_space<vmem>> -> memref<1248xi32, #tpu.memory_space<vmem>>
      %dma_wait3A_141 = arith.constant 0 : i32
      %dma_wait3A_142 = arith.constant 0 : i32
      %dma_wait3A_143 = tpu.memref_slice %arg10[%dma_wait3A_141, %dma_wait3A_142] : memref<10240x16xf32, #tpu.memory_space<vmem_shared>> -> memref<10240x16xf32, #tpu.memory_space<vmem_shared>>
      tpu.wait_indirect_dma semaphore(%arg12 : memref<!tpu.dma_semaphore, #tpu.memory_space<semaphore_mem>>) src(%dma_wait3A_143 : memref<10240x16xf32, #tpu.memory_space<vmem_shared>>) dst(%dma_wait3A_138 : memref<1248x16xf32, #tpu.memory_space<vmem>>)
      "tpu.region"() ({
        %run_scoped3A = tpu.sem_alloc : memref<!tpu.dma_semaphore, #tpu.memory_space<semaphore_mem>>
        %dma_start3A_184 = arith.constant 0 : i32
        %dma_start3A_185 = arith.constant 0 : i32
        %dma_start3A_186 = tpu.memref_slice %arg7[%dma_start3A_184, %dma_start3A_185] : memref<1264x16xf32, #tpu.memory_space<vmem>> -> memref<1248x16xf32, #tpu.memory_space<vmem>>
        %dma_start3A_187 = arith.constant 4992 : i32
        %dma_start3A_188 = tpu.memref_slice %arg6[%dma_start3A_187] : memref<10112xi32, #tpu.memory_space<vmem>> -> memref<1248xi32, #tpu.memory_space<vmem>>
        %dma_start3A_189 = arith.constant 0 : i32
        %dma_start3A_190 = arith.constant 0 : i32
        %dma_start3A_191 = tpu.memref_slice %arg11[%dma_start3A_189, %dma_start3A_190] : memref<10240x16xf32, #tpu.memory_space<vmem_shared>> -> memref<10240x16xf32, #tpu.memory_space<vmem_shared>>
        tpu.enqueue_indirect_dma source(%dma_start3A_186 : memref<1248x16xf32, #tpu.memory_space<vmem>>) target(%dma_start3A_191 : memref<10240x16xf32, #tpu.memory_space<vmem_shared>>) offsets(%dma_start3A_188 : memref<1248xi32, #tpu.memory_space<vmem>>) semaphore(%run_scoped3A : memref<!tpu.dma_semaphore, #tpu.memory_space<semaphore_mem>>) {add = true}
        %dma_wait3A_192 = arith.constant 0 : i32
        %dma_wait3A_193 = arith.constant 0 : i32
        %dma_wait3A_194 = tpu.memref_slice %arg7[%dma_wait3A_192, %dma_wait3A_193] : memref<1264x16xf32, #tpu.memory_space<vmem>> -> memref<1248x16xf32, #tpu.memory_space<vmem>>
        %dma_wait3A_195 = arith.constant 4992 : i32
        %dma_wait3A_196 = tpu.memref_slice %arg6[%dma_wait3A_195] : memref<10112xi32, #tpu.memory_space<vmem>> -> memref<1248xi32, #tpu.memory_space<vmem>>
        %dma_wait3A_197 = arith.constant 0 : i32
        %dma_wait3A_198 = arith.constant 0 : i32
        %dma_wait3A_199 = tpu.memref_slice %arg11[%dma_wait3A_197, %dma_wait3A_198] : memref<10240x16xf32, #tpu.memory_space<vmem_shared>> -> memref<10240x16xf32, #tpu.memory_space<vmem_shared>>
        tpu.wait_indirect_dma semaphore(%run_scoped3A : memref<!tpu.dma_semaphore, #tpu.memory_space<semaphore_mem>>) src(%dma_wait3A_194 : memref<1248x16xf32, #tpu.memory_space<vmem>>) dst(%dma_wait3A_199 : memref<10240x16xf32, #tpu.memory_space<vmem_shared>>)
        tpu.yield
      }) : () -> ()
      %dma_start3A_144 = arith.constant 0 : i32
      %dma_start3A_145 = arith.constant 0 : i32
      %dma_start3A_146 = tpu.memref_slice %arg7[%dma_start3A_144, %dma_start3A_145] : memref<1264x16xf32, #tpu.memory_space<vmem>> -> memref<1248x16xf32, #tpu.memory_space<vmem>>
      %dma_start3A_147 = arith.constant 7488 : i32
      %dma_start3A_148 = tpu.memref_slice %arg5[%dma_start3A_147] : memref<10112xi32, #tpu.memory_space<vmem>> -> memref<1248xi32, #tpu.memory_space<vmem>>
      %dma_start3A_149 = arith.constant 0 : i32
      %dma_start3A_150 = arith.constant 0 : i32
      %dma_start3A_151 = tpu.memref_slice %arg10[%dma_start3A_149, %dma_start3A_150] : memref<10240x16xf32, #tpu.memory_space<vmem_shared>> -> memref<10240x16xf32, #tpu.memory_space<vmem_shared>>
      tpu.enqueue_indirect_dma source(%dma_start3A_151 : memref<10240x16xf32, #tpu.memory_space<vmem_shared>>) target(%dma_start3A_146 : memref<1248x16xf32, #tpu.memory_space<vmem>>) offsets(%dma_start3A_148 : memref<1248xi32, #tpu.memory_space<vmem>>) semaphore(%arg12 : memref<!tpu.dma_semaphore, #tpu.memory_space<semaphore_mem>>)
      %dma_wait3A_152 = arith.constant 0 : i32
      %dma_wait3A_153 = arith.constant 0 : i32
      %dma_wait3A_154 = tpu.memref_slice %arg8[%dma_wait3A_152, %dma_wait3A_153] : memref<1264x16xf32, #tpu.memory_space<vmem>> -> memref<1248x16xf32, #tpu.memory_space<vmem>>
      %dma_wait3A_155 = arith.constant 6240 : i32
      %dma_wait3A_156 = tpu.memref_slice %arg5[%dma_wait3A_155] : memref<10112xi32, #tpu.memory_space<vmem>> -> memref<1248xi32, #tpu.memory_space<vmem>>
      %dma_wait3A_157 = arith.constant 0 : i32
      %dma_wait3A_158 = arith.constant 0 : i32
      %dma_wait3A_159 = tpu.memref_slice %arg10[%dma_wait3A_157, %dma_wait3A_158] : memref<10240x16xf32, #tpu.memory_space<vmem_shared>> -> memref<10240x16xf32, #tpu.memory_space<vmem_shared>>
      tpu.wait_indirect_dma semaphore(%arg13 : memref<!tpu.dma_semaphore, #tpu.memory_space<semaphore_mem>>) src(%dma_wait3A_159 : memref<10240x16xf32, #tpu.memory_space<vmem_shared>>) dst(%dma_wait3A_154 : memref<1248x16xf32, #tpu.memory_space<vmem>>)
      "tpu.region"() ({
        %run_scoped3A = tpu.sem_alloc : memref<!tpu.dma_semaphore, #tpu.memory_space<semaphore_mem>>
        %dma_start3A_184 = arith.constant 0 : i32
        %dma_start3A_185 = arith.constant 0 : i32
        %dma_start3A_186 = tpu.memref_slice %arg8[%dma_start3A_184, %dma_start3A_185] : memref<1264x16xf32, #tpu.memory_space<vmem>> -> memref<1248x16xf32, #tpu.memory_space<vmem>>
        %dma_start3A_187 = arith.constant 6240 : i32
        %dma_start3A_188 = tpu.memref_slice %arg6[%dma_start3A_187] : memref<10112xi32, #tpu.memory_space<vmem>> -> memref<1248xi32, #tpu.memory_space<vmem>>
        %dma_start3A_189 = arith.constant 0 : i32
        %dma_start3A_190 = arith.constant 0 : i32
        %dma_start3A_191 = tpu.memref_slice %arg11[%dma_start3A_189, %dma_start3A_190] : memref<10240x16xf32, #tpu.memory_space<vmem_shared>> -> memref<10240x16xf32, #tpu.memory_space<vmem_shared>>
        tpu.enqueue_indirect_dma source(%dma_start3A_186 : memref<1248x16xf32, #tpu.memory_space<vmem>>) target(%dma_start3A_191 : memref<10240x16xf32, #tpu.memory_space<vmem_shared>>) offsets(%dma_start3A_188 : memref<1248xi32, #tpu.memory_space<vmem>>) semaphore(%run_scoped3A : memref<!tpu.dma_semaphore, #tpu.memory_space<semaphore_mem>>) {add = true}
        %dma_wait3A_192 = arith.constant 0 : i32
        %dma_wait3A_193 = arith.constant 0 : i32
        %dma_wait3A_194 = tpu.memref_slice %arg8[%dma_wait3A_192, %dma_wait3A_193] : memref<1264x16xf32, #tpu.memory_space<vmem>> -> memref<1248x16xf32, #tpu.memory_space<vmem>>
        %dma_wait3A_195 = arith.constant 6240 : i32
        %dma_wait3A_196 = tpu.memref_slice %arg6[%dma_wait3A_195] : memref<10112xi32, #tpu.memory_space<vmem>> -> memref<1248xi32, #tpu.memory_space<vmem>>
        %dma_wait3A_197 = arith.constant 0 : i32
        %dma_wait3A_198 = arith.constant 0 : i32
        %dma_wait3A_199 = tpu.memref_slice %arg11[%dma_wait3A_197, %dma_wait3A_198] : memref<10240x16xf32, #tpu.memory_space<vmem_shared>> -> memref<10240x16xf32, #tpu.memory_space<vmem_shared>>
        tpu.wait_indirect_dma semaphore(%run_scoped3A : memref<!tpu.dma_semaphore, #tpu.memory_space<semaphore_mem>>) src(%dma_wait3A_194 : memref<1248x16xf32, #tpu.memory_space<vmem>>) dst(%dma_wait3A_199 : memref<10240x16xf32, #tpu.memory_space<vmem_shared>>)
        tpu.yield
      }) : () -> ()
      %dma_start3A_160 = arith.constant 0 : i32
      %dma_start3A_161 = arith.constant 0 : i32
      %dma_start3A_162 = tpu.memref_slice %arg8[%dma_start3A_160, %dma_start3A_161] : memref<1264x16xf32, #tpu.memory_space<vmem>> -> memref<1248x16xf32, #tpu.memory_space<vmem>>
      %dma_start3A_163 = arith.constant 8736 : i32
      %dma_start3A_164 = tpu.memref_slice %arg5[%dma_start3A_163] : memref<10112xi32, #tpu.memory_space<vmem>> -> memref<1248xi32, #tpu.memory_space<vmem>>
      %dma_start3A_165 = arith.constant 0 : i32
      %dma_start3A_166 = arith.constant 0 : i32
      %dma_start3A_167 = tpu.memref_slice %arg10[%dma_start3A_165, %dma_start3A_166] : memref<10240x16xf32, #tpu.memory_space<vmem_shared>> -> memref<10240x16xf32, #tpu.memory_space<vmem_shared>>
      tpu.enqueue_indirect_dma source(%dma_start3A_167 : memref<10240x16xf32, #tpu.memory_space<vmem_shared>>) target(%dma_start3A_162 : memref<1248x16xf32, #tpu.memory_space<vmem>>) offsets(%dma_start3A_164 : memref<1248xi32, #tpu.memory_space<vmem>>) semaphore(%arg13 : memref<!tpu.dma_semaphore, #tpu.memory_space<semaphore_mem>>)
      %dma_wait3A_168 = arith.constant 0 : i32
      %dma_wait3A_169 = arith.constant 0 : i32
      %dma_wait3A_170 = tpu.memref_slice %arg7[%dma_wait3A_168, %dma_wait3A_169] : memref<1264x16xf32, #tpu.memory_space<vmem>> -> memref<1248x16xf32, #tpu.memory_space<vmem>>
      %dma_wait3A_171 = arith.constant 7488 : i32
      %dma_wait3A_172 = tpu.memref_slice %arg5[%dma_wait3A_171] : memref<10112xi32, #tpu.memory_space<vmem>> -> memref<1248xi32, #tpu.memory_space<vmem>>
      %dma_wait3A_173 = arith.constant 0 : i32
      %dma_wait3A_174 = arith.constant 0 : i32
      %dma_wait3A_175 = tpu.memref_slice %arg10[%dma_wait3A_173, %dma_wait3A_174] : memref<10240x16xf32, #tpu.memory_space<vmem_shared>> -> memref<10240x16xf32, #tpu.memory_space<vmem_shared>>
      tpu.wait_indirect_dma semaphore(%arg12 : memref<!tpu.dma_semaphore, #tpu.memory_space<semaphore_mem>>) src(%dma_wait3A_175 : memref<10240x16xf32, #tpu.memory_space<vmem_shared>>) dst(%dma_wait3A_170 : memref<1248x16xf32, #tpu.memory_space<vmem>>)
      "tpu.region"() ({
        %run_scoped3A = tpu.sem_alloc : memref<!tpu.dma_semaphore, #tpu.memory_space<semaphore_mem>>
        %dma_start3A_184 = arith.constant 0 : i32
        %dma_start3A_185 = arith.constant 0 : i32
        %dma_start3A_186 = tpu.memref_slice %arg7[%dma_start3A_184, %dma_start3A_185] : memref<1264x16xf32, #tpu.memory_space<vmem>> -> memref<1248x16xf32, #tpu.memory_space<vmem>>
        %dma_start3A_187 = arith.constant 7488 : i32
        %dma_start3A_188 = tpu.memref_slice %arg6[%dma_start3A_187] : memref<10112xi32, #tpu.memory_space<vmem>> -> memref<1248xi32, #tpu.memory_space<vmem>>
        %dma_start3A_189 = arith.constant 0 : i32
        %dma_start3A_190 = arith.constant 0 : i32
        %dma_start3A_191 = tpu.memref_slice %arg11[%dma_start3A_189, %dma_start3A_190] : memref<10240x16xf32, #tpu.memory_space<vmem_shared>> -> memref<10240x16xf32, #tpu.memory_space<vmem_shared>>
        tpu.enqueue_indirect_dma source(%dma_start3A_186 : memref<1248x16xf32, #tpu.memory_space<vmem>>) target(%dma_start3A_191 : memref<10240x16xf32, #tpu.memory_space<vmem_shared>>) offsets(%dma_start3A_188 : memref<1248xi32, #tpu.memory_space<vmem>>) semaphore(%run_scoped3A : memref<!tpu.dma_semaphore, #tpu.memory_space<semaphore_mem>>) {add = true}
        %dma_wait3A_192 = arith.constant 0 : i32
        %dma_wait3A_193 = arith.constant 0 : i32
        %dma_wait3A_194 = tpu.memref_slice %arg7[%dma_wait3A_192, %dma_wait3A_193] : memref<1264x16xf32, #tpu.memory_space<vmem>> -> memref<1248x16xf32, #tpu.memory_space<vmem>>
        %dma_wait3A_195 = arith.constant 7488 : i32
        %dma_wait3A_196 = tpu.memref_slice %arg6[%dma_wait3A_195] : memref<10112xi32, #tpu.memory_space<vmem>> -> memref<1248xi32, #tpu.memory_space<vmem>>
        %dma_wait3A_197 = arith.constant 0 : i32
        %dma_wait3A_198 = arith.constant 0 : i32
        %dma_wait3A_199 = tpu.memref_slice %arg11[%dma_wait3A_197, %dma_wait3A_198] : memref<10240x16xf32, #tpu.memory_space<vmem_shared>> -> memref<10240x16xf32, #tpu.memory_space<vmem_shared>>
        tpu.wait_indirect_dma semaphore(%run_scoped3A : memref<!tpu.dma_semaphore, #tpu.memory_space<semaphore_mem>>) src(%dma_wait3A_194 : memref<1248x16xf32, #tpu.memory_space<vmem>>) dst(%dma_wait3A_199 : memref<10240x16xf32, #tpu.memory_space<vmem_shared>>)
        tpu.yield
      }) : () -> ()
      %dma_wait3A_176 = arith.constant 0 : i32
      %dma_wait3A_177 = arith.constant 0 : i32
      %dma_wait3A_178 = tpu.memref_slice %arg8[%dma_wait3A_176, %dma_wait3A_177] : memref<1264x16xf32, #tpu.memory_space<vmem>> -> memref<1248x16xf32, #tpu.memory_space<vmem>>
      %dma_wait3A_179 = arith.constant 8736 : i32
      %dma_wait3A_180 = tpu.memref_slice %arg5[%dma_wait3A_179] : memref<10112xi32, #tpu.memory_space<vmem>> -> memref<1248xi32, #tpu.memory_space<vmem>>
      %dma_wait3A_181 = arith.constant 0 : i32
      %dma_wait3A_182 = arith.constant 0 : i32
      %dma_wait3A_183 = tpu.memref_slice %arg10[%dma_wait3A_181, %dma_wait3A_182] : memref<10240x16xf32, #tpu.memory_space<vmem_shared>> -> memref<10240x16xf32, #tpu.memory_space<vmem_shared>>
      tpu.wait_indirect_dma semaphore(%arg13 : memref<!tpu.dma_semaphore, #tpu.memory_space<semaphore_mem>>) src(%dma_wait3A_183 : memref<10240x16xf32, #tpu.memory_space<vmem_shared>>) dst(%dma_wait3A_178 : memref<1248x16xf32, #tpu.memory_space<vmem>>)
      "tpu.region"() ({
        %run_scoped3A = tpu.sem_alloc : memref<!tpu.dma_semaphore, #tpu.memory_space<semaphore_mem>>
        %dma_start3A_184 = arith.constant 0 : i32
        %dma_start3A_185 = arith.constant 0 : i32
        %dma_start3A_186 = tpu.memref_slice %arg8[%dma_start3A_184, %dma_start3A_185] : memref<1264x16xf32, #tpu.memory_space<vmem>> -> memref<1248x16xf32, #tpu.memory_space<vmem>>
        %dma_start3A_187 = arith.constant 8736 : i32
        %dma_start3A_188 = tpu.memref_slice %arg6[%dma_start3A_187] : memref<10112xi32, #tpu.memory_space<vmem>> -> memref<1248xi32, #tpu.memory_space<vmem>>
        %dma_start3A_189 = arith.constant 0 : i32
        %dma_start3A_190 = arith.constant 0 : i32
        %dma_start3A_191 = tpu.memref_slice %arg11[%dma_start3A_189, %dma_start3A_190] : memref<10240x16xf32, #tpu.memory_space<vmem_shared>> -> memref<10240x16xf32, #tpu.memory_space<vmem_shared>>
        tpu.enqueue_indirect_dma source(%dma_start3A_186 : memref<1248x16xf32, #tpu.memory_space<vmem>>) target(%dma_start3A_191 : memref<10240x16xf32, #tpu.memory_space<vmem_shared>>) offsets(%dma_start3A_188 : memref<1248xi32, #tpu.memory_space<vmem>>) semaphore(%run_scoped3A : memref<!tpu.dma_semaphore, #tpu.memory_space<semaphore_mem>>) {add = true}
        %dma_wait3A_192 = arith.constant 0 : i32
        %dma_wait3A_193 = arith.constant 0 : i32
        %dma_wait3A_194 = tpu.memref_slice %arg8[%dma_wait3A_192, %dma_wait3A_193] : memref<1264x16xf32, #tpu.memory_space<vmem>> -> memref<1248x16xf32, #tpu.memory_space<vmem>>
        %dma_wait3A_195 = arith.constant 8736 : i32
        %dma_wait3A_196 = tpu.memref_slice %arg6[%dma_wait3A_195] : memref<10112xi32, #tpu.memory_space<vmem>> -> memref<1248xi32, #tpu.memory_space<vmem>>
        %dma_wait3A_197 = arith.constant 0 : i32
        %dma_wait3A_198 = arith.constant 0 : i32
        %dma_wait3A_199 = tpu.memref_slice %arg11[%dma_wait3A_197, %dma_wait3A_198] : memref<10240x16xf32, #tpu.memory_space<vmem_shared>> -> memref<10240x16xf32, #tpu.memory_space<vmem_shared>>
        tpu.wait_indirect_dma semaphore(%run_scoped3A : memref<!tpu.dma_semaphore, #tpu.memory_space<semaphore_mem>>) src(%dma_wait3A_194 : memref<1248x16xf32, #tpu.memory_space<vmem>>) dst(%dma_wait3A_199 : memref<10240x16xf32, #tpu.memory_space<vmem_shared>>)
        tpu.yield
      }) : () -> ()
    } else {
    }
    %barrier3A_53 = arith.constant 0 : index
    tpu.barrier barrier_id(%barrier3A_53)
    %mul3A_54 = arith.constant 640 : i32
    %mul3A_55 = arith.muli %arg1, %mul3A_54 : i32
    "tpu.region"() ({
      %run_scoped3A = tpu.sem_alloc : memref<!tpu.dma_semaphore, #tpu.memory_space<semaphore_mem>>
      %dma_start3A = arith.constant 0 : i32
      %dma_start3A_58 = tpu.memref_slice %arg11[%mul3A_55, %dma_start3A] : memref<10240x16xf32, #tpu.memory_space<vmem_shared>> -> memref<640x16xf32, #tpu.memory_space<vmem_shared>>
      %dma_start3A_59 = arith.constant 0 : i32
      %dma_start3A_60 = tpu.memref_slice %arg11[%mul3A_55, %dma_start3A_59] : memref<10240x16xf32, #tpu.memory_space<vmem_shared>> -> memref<640x16xf32, #tpu.memory_space<vmem_shared>>
      tpu.enqueue_dma source(%dma_start3A_60 : memref<640x16xf32, #tpu.memory_space<vmem_shared>>) target(%arg9 : memref<640x16xf32, #tpu.memory_space<vmem>>) target_semaphore(%run_scoped3A : memref<!tpu.dma_semaphore, #tpu.memory_space<semaphore_mem>>)
      %dma_wait3A = arith.constant 0 : i32
      %dma_wait3A_61 = tpu.memref_slice %arg11[%mul3A_55, %dma_wait3A] : memref<10240x16xf32, #tpu.memory_space<vmem_shared>> -> memref<640x16xf32, #tpu.memory_space<vmem_shared>>
      %dma_wait3A_62 = arith.constant 0 : i32
      %dma_wait3A_63 = tpu.memref_slice %arg11[%mul3A_55, %dma_wait3A_62] : memref<10240x16xf32, #tpu.memory_space<vmem_shared>> -> memref<640x16xf32, #tpu.memory_space<vmem_shared>>
      tpu.wait_dma2 semaphore(%run_scoped3A : memref<!tpu.dma_semaphore, #tpu.memory_space<semaphore_mem>>) src(%dma_wait3A_63 : memref<640x16xf32, #tpu.memory_space<vmem_shared>>) dst(%arg9 : memref<640x16xf32, #tpu.memory_space<vmem>>)
      tpu.yield
    }) : () -> ()
    %mul3A_56 = arith.constant 640 : i32
    %mul3A_57 = arith.muli %arg1, %mul3A_56 : i32
    "tpu.region"() ({
      %run_scoped3A = tpu.sem_alloc : memref<!tpu.dma_semaphore, #tpu.memory_space<semaphore_mem>>
      %dma_start3A = arith.constant 0 : i32
      %dma_start3A_58 = tpu.memref_slice %arg4[%arg0, %mul3A_57, %dma_start3A] : memref<2x10240x16xf32, #tpu.memory_space<hbm>> -> memref<1x640x16xf32, #tpu.memory_space<hbm>>
      %dma_start3A_59 = tpu.memref_squeeze %dma_start3A_58 : memref<1x640x16xf32, #tpu.memory_space<hbm>> -> memref<640x16xf32, #tpu.memory_space<hbm>>
      %dma_start3A_60 = arith.constant 0 : i32
      %dma_start3A_61 = tpu.memref_slice %arg4[%arg0, %mul3A_57, %dma_start3A_60] : memref<2x10240x16xf32, #tpu.memory_space<hbm>> -> memref<1x640x16xf32, #tpu.memory_space<hbm>>
      %dma_start3A_62 = tpu.memref_squeeze %dma_start3A_61 : memref<1x640x16xf32, #tpu.memory_space<hbm>> -> memref<640x16xf32, #tpu.memory_space<hbm>>
      tpu.enqueue_dma source(%arg9 : memref<640x16xf32, #tpu.memory_space<vmem>>) target(%dma_start3A_62 : memref<640x16xf32, #tpu.memory_space<hbm>>) target_semaphore(%run_scoped3A : memref<!tpu.dma_semaphore, #tpu.memory_space<semaphore_mem>>)
      %dma_wait3A = arith.constant 0 : i32
      %dma_wait3A_63 = tpu.memref_slice %arg4[%arg0, %mul3A_57, %dma_wait3A] : memref<2x10240x16xf32, #tpu.memory_space<hbm>> -> memref<1x640x16xf32, #tpu.memory_space<hbm>>
      %dma_wait3A_64 = tpu.memref_squeeze %dma_wait3A_63 : memref<1x640x16xf32, #tpu.memory_space<hbm>> -> memref<640x16xf32, #tpu.memory_space<hbm>>
      %dma_wait3A_65 = arith.constant 0 : i32
      %dma_wait3A_66 = tpu.memref_slice %arg4[%arg0, %mul3A_57, %dma_wait3A_65] : memref<2x10240x16xf32, #tpu.memory_space<hbm>> -> memref<1x640x16xf32, #tpu.memory_space<hbm>>
      %dma_wait3A_67 = tpu.memref_squeeze %dma_wait3A_66 : memref<1x640x16xf32, #tpu.memory_space<hbm>> -> memref<640x16xf32, #tpu.memory_space<hbm>>
      tpu.wait_dma2 semaphore(%run_scoped3A : memref<!tpu.dma_semaphore, #tpu.memory_space<semaphore_mem>>) src(%arg9 : memref<640x16xf32, #tpu.memory_space<vmem>>) dst(%dma_wait3A_67 : memref<640x16xf32, #tpu.memory_space<hbm>>)
      tpu.yield
    }) : () -> ()
    return
  }
}

#map = affine_map<(d0, d1) -> (0, 0)>
#map1 = affine_map<(d0, d1) -> (0)>
module attributes {stable_mosaic.version = 14 : i64} {
  func.func @_sc_agg_scalar(%arg0: i32, %arg1: i32, %arg2: memref<2x320000xi32, #tpu.memory_space<hbm>>, %arg3: memref<10240xf32, #tpu.memory_space<hbm>>, %arg4: memref<2x10240xf32, #tpu.memory_space<hbm>>, %arg5: memref<10240xf32, #tpu.memory_space<vmem>>, %arg6: memref<10112xi32, #tpu.memory_space<vmem>>, %arg7: memref<10112xi32, #tpu.memory_space<vmem>>, %arg8: memref<2528xf32, #tpu.memory_space<vmem>>, %arg9: memref<640xf32, #tpu.memory_space<vmem>>, %arg10: memref<10240xf32, #tpu.memory_space<vmem_shared>>) attributes {dimension_semantics = [#tpu.dimension_semantics<core_parallel>, #tpu.dimension_semantics<subcore_parallel>], iteration_bounds = array<i64: 2, 16>, scalar_prefetch = 0 : i64, scratch_operands = 6 : i64, tpu.core_type = #tpu.core_type<sc_vector_subcore>, window_params = [{transform_indices = #map}, {transform_indices = #map1}, {transform_indices = #map}]} {
    %mul3A = arith.constant 2 : i32
    %mul3A_0 = arith.muli %arg1, %mul3A : i32
    %add3A = arith.addi %mul3A_0, %arg0 : i32
    %lt3A = arith.constant 4 : i32
    %lt3A_1 = arith.cmpi slt, %add3A, %lt3A : i32
    %mul3A_2 = arith.constant 10112 : i32
    %mul3A_3 = arith.muli %add3A, %mul3A_2 : i32
    %sub3A = arith.constant 4 : i32
    %sub3A_4 = arith.subi %add3A, %sub3A : i32
    %mul3A_5 = arith.constant 9984 : i32
    %mul3A_6 = arith.muli %sub3A_4, %mul3A_5 : i32
    %add3A_7 = arith.constant 40448 : i32
    %add3A_8 = arith.addi %add3A_7, %mul3A_6 : i32
    %select_n3A = arith.select %lt3A_1, %mul3A_3, %add3A_8 : i32
    %lt3A_9 = arith.constant 4 : i32
    %lt3A_10 = arith.cmpi slt, %add3A, %lt3A_9 : i32
    %jit3A = arith.constant 79 : i32
    %jit3A_11 = arith.constant 78 : i32
    %select_n3A_12 = arith.select %lt3A_10, %jit3A, %jit3A_11 : i32
    %broadcast_in_dim3A = arith.constant 0.000000e+00 : f32
    %broadcast_in_dim3A_13 = vector.broadcast %broadcast_in_dim3A : f32 to vector<16xf32>
    %scan3A = arith.constant 0 : i32
    %scan3A_14 = arith.constant 0 : i32
    %scan3A_15 = arith.constant 40 : i32
    %scan3A_16 = arith.addi %scan3A_14, %scan3A_15 : i32
    %scan3A_17 = arith.constant 1 : i32
    %scan3A_18 = scf.for %scan3A_54 = %scan3A_14 to %scan3A_16 step %scan3A_17 iter_args(%scan3A_55 = %scan3A) -> (i32)  : i32 {
      %mul3A_56 = arith.constant 16 : i32
      %mul3A_57 = arith.muli %scan3A_54, %mul3A_56 : i32
      %swap3A = arith.index_cast %mul3A_57 : i32 to index
      %swap3A_58 = tpu.vector_load %arg9[%swap3A] {strides = array<i32>} : memref<640xf32, #tpu.memory_space<vmem>>, vector<16xf32>,
      tpu.vector_store %arg9[%swap3A], %broadcast_in_dim3A_13 {strides = array<i32>} : memref<640xf32, #tpu.memory_space<vmem>>, vector<16xf32>,
      %scan3A_59 = arith.constant 0 : i32
      scf.yield %scan3A_59 : i32
    }
    %scan3A_19 = arith.constant 40 : i32
    %mul3A_20 = arith.constant 640 : i32
    %mul3A_21 = arith.muli %arg1, %mul3A_20 : i32
    "tpu.region"() ({
      %run_scoped3A = tpu.sem_alloc : memref<!tpu.dma_semaphore, #tpu.memory_space<semaphore_mem>>
      %dma_start3A = tpu.memref_slice %arg10[%mul3A_21] : memref<10240xf32, #tpu.memory_space<vmem_shared>> -> memref<640xf32, #tpu.memory_space<vmem_shared>>
      %dma_start3A_54 = tpu.memref_slice %arg10[%mul3A_21] : memref<10240xf32, #tpu.memory_space<vmem_shared>> -> memref<640xf32, #tpu.memory_space<vmem_shared>>
      tpu.enqueue_dma source(%arg9 : memref<640xf32, #tpu.memory_space<vmem>>) target(%dma_start3A_54 : memref<640xf32, #tpu.memory_space<vmem_shared>>) target_semaphore(%run_scoped3A : memref<!tpu.dma_semaphore, #tpu.memory_space<semaphore_mem>>)
      %dma_wait3A = tpu.memref_slice %arg10[%mul3A_21] : memref<10240xf32, #tpu.memory_space<vmem_shared>> -> memref<640xf32, #tpu.memory_space<vmem_shared>>
      %dma_wait3A_55 = tpu.memref_slice %arg10[%mul3A_21] : memref<10240xf32, #tpu.memory_space<vmem_shared>> -> memref<640xf32, #tpu.memory_space<vmem_shared>>
      tpu.wait_dma2 semaphore(%run_scoped3A : memref<!tpu.dma_semaphore, #tpu.memory_space<semaphore_mem>>) src(%arg9 : memref<640xf32, #tpu.memory_space<vmem>>) dst(%dma_wait3A_55 : memref<640xf32, #tpu.memory_space<vmem_shared>>)
      tpu.yield
    }) : () -> ()
    "tpu.region"() ({
      %run_scoped3A = tpu.sem_alloc : memref<!tpu.dma_semaphore, #tpu.memory_space<semaphore_mem>>
      tpu.enqueue_dma source(%arg3 : memref<10240xf32, #tpu.memory_space<hbm>>) target(%arg5 : memref<10240xf32, #tpu.memory_space<vmem>>) target_semaphore(%run_scoped3A : memref<!tpu.dma_semaphore, #tpu.memory_space<semaphore_mem>>)
      tpu.wait_dma2 semaphore(%run_scoped3A : memref<!tpu.dma_semaphore, #tpu.memory_space<semaphore_mem>>) src(%arg3 : memref<10240xf32, #tpu.memory_space<hbm>>) dst(%arg5 : memref<10240xf32, #tpu.memory_space<vmem>>)
      tpu.yield
    }) : () -> ()
    %lt3A_22 = arith.constant 4 : i32
    %lt3A_23 = arith.cmpi slt, %add3A, %lt3A_22 : i32
    %convert_element_type3A = arith.extui %lt3A_23 : i1 to i32
    %cond3A = arith.constant 0 : i32
    %cond3A_24 = arith.cmpi ne, %convert_element_type3A, %cond3A : i32
    scf.if %cond3A_24 {
      %run_scoped3A = arith.constant 0 : i32
      "tpu.region"() ({
        %run_scoped3A_54 = tpu.sem_alloc : memref<!tpu.dma_semaphore, #tpu.memory_space<semaphore_mem>>
        %dma_start3A = tpu.memref_slice %arg2[%run_scoped3A, %select_n3A] : memref<2x320000xi32, #tpu.memory_space<hbm>> -> memref<1x10112xi32, #tpu.memory_space<hbm>>
        %dma_start3A_55 = tpu.memref_squeeze %dma_start3A : memref<1x10112xi32, #tpu.memory_space<hbm>> -> memref<10112xi32, #tpu.memory_space<hbm>>
        %dma_start3A_56 = tpu.memref_slice %arg2[%run_scoped3A, %select_n3A] : memref<2x320000xi32, #tpu.memory_space<hbm>> -> memref<1x10112xi32, #tpu.memory_space<hbm>>
        %dma_start3A_57 = tpu.memref_squeeze %dma_start3A_56 : memref<1x10112xi32, #tpu.memory_space<hbm>> -> memref<10112xi32, #tpu.memory_space<hbm>>
        tpu.enqueue_dma source(%dma_start3A_57 : memref<10112xi32, #tpu.memory_space<hbm>>) target(%arg6 : memref<10112xi32, #tpu.memory_space<vmem>>) target_semaphore(%run_scoped3A_54 : memref<!tpu.dma_semaphore, #tpu.memory_space<semaphore_mem>>)
        %dma_wait3A = tpu.memref_slice %arg2[%run_scoped3A, %select_n3A] : memref<2x320000xi32, #tpu.memory_space<hbm>> -> memref<1x10112xi32, #tpu.memory_space<hbm>>
        %dma_wait3A_58 = tpu.memref_squeeze %dma_wait3A : memref<1x10112xi32, #tpu.memory_space<hbm>> -> memref<10112xi32, #tpu.memory_space<hbm>>
        %dma_wait3A_59 = tpu.memref_slice %arg2[%run_scoped3A, %select_n3A] : memref<2x320000xi32, #tpu.memory_space<hbm>> -> memref<1x10112xi32, #tpu.memory_space<hbm>>
        %dma_wait3A_60 = tpu.memref_squeeze %dma_wait3A_59 : memref<1x10112xi32, #tpu.memory_space<hbm>> -> memref<10112xi32, #tpu.memory_space<hbm>>
        tpu.wait_dma2 semaphore(%run_scoped3A_54 : memref<!tpu.dma_semaphore, #tpu.memory_space<semaphore_mem>>) src(%dma_wait3A_60 : memref<10112xi32, #tpu.memory_space<hbm>>) dst(%arg6 : memref<10112xi32, #tpu.memory_space<vmem>>)
        tpu.yield
      }) : () -> ()
    } else {
    }
    %ge3A = arith.constant 4 : i32
    %ge3A_25 = arith.cmpi sge, %add3A, %ge3A : i32
    %convert_element_type3A_26 = arith.extui %ge3A_25 : i1 to i32
    %cond3A_27 = arith.constant 0 : i32
    %cond3A_28 = arith.cmpi ne, %convert_element_type3A_26, %cond3A_27 : i32
    scf.if %cond3A_28 {
      %run_scoped3A = arith.constant 0 : i32
      "tpu.region"() ({
        %run_scoped3A_54 = tpu.sem_alloc : memref<!tpu.dma_semaphore, #tpu.memory_space<semaphore_mem>>
        %dma_start3A = arith.constant 0 : i32
        %dma_start3A_55 = tpu.memref_slice %arg6[%dma_start3A] : memref<10112xi32, #tpu.memory_space<vmem>> -> memref<9984xi32, #tpu.memory_space<vmem>>
        %dma_start3A_56 = tpu.memref_slice %arg2[%run_scoped3A, %select_n3A] : memref<2x320000xi32, #tpu.memory_space<hbm>> -> memref<1x9984xi32, #tpu.memory_space<hbm>>
        %dma_start3A_57 = tpu.memref_squeeze %dma_start3A_56 : memref<1x9984xi32, #tpu.memory_space<hbm>> -> memref<9984xi32, #tpu.memory_space<hbm>>
        %dma_start3A_58 = arith.constant 0 : i32
        %dma_start3A_59 = tpu.memref_slice %arg6[%dma_start3A_58] : memref<10112xi32, #tpu.memory_space<vmem>> -> memref<9984xi32, #tpu.memory_space<vmem>>
        %dma_start3A_60 = tpu.memref_slice %arg2[%run_scoped3A, %select_n3A] : memref<2x320000xi32, #tpu.memory_space<hbm>> -> memref<1x9984xi32, #tpu.memory_space<hbm>>
        %dma_start3A_61 = tpu.memref_squeeze %dma_start3A_60 : memref<1x9984xi32, #tpu.memory_space<hbm>> -> memref<9984xi32, #tpu.memory_space<hbm>>
        tpu.enqueue_dma source(%dma_start3A_61 : memref<9984xi32, #tpu.memory_space<hbm>>) target(%dma_start3A_59 : memref<9984xi32, #tpu.memory_space<vmem>>) target_semaphore(%run_scoped3A_54 : memref<!tpu.dma_semaphore, #tpu.memory_space<semaphore_mem>>)
        %dma_wait3A = arith.constant 0 : i32
        %dma_wait3A_62 = tpu.memref_slice %arg6[%dma_wait3A] : memref<10112xi32, #tpu.memory_space<vmem>> -> memref<9984xi32, #tpu.memory_space<vmem>>
        %dma_wait3A_63 = tpu.memref_slice %arg2[%run_scoped3A, %select_n3A] : memref<2x320000xi32, #tpu.memory_space<hbm>> -> memref<1x9984xi32, #tpu.memory_space<hbm>>
        %dma_wait3A_64 = tpu.memref_squeeze %dma_wait3A_63 : memref<1x9984xi32, #tpu.memory_space<hbm>> -> memref<9984xi32, #tpu.memory_space<hbm>>
        %dma_wait3A_65 = arith.constant 0 : i32
        %dma_wait3A_66 = tpu.memref_slice %arg6[%dma_wait3A_65] : memref<10112xi32, #tpu.memory_space<vmem>> -> memref<9984xi32, #tpu.memory_space<vmem>>
        %dma_wait3A_67 = tpu.memref_slice %arg2[%run_scoped3A, %select_n3A] : memref<2x320000xi32, #tpu.memory_space<hbm>> -> memref<1x9984xi32, #tpu.memory_space<hbm>>
        %dma_wait3A_68 = tpu.memref_squeeze %dma_wait3A_67 : memref<1x9984xi32, #tpu.memory_space<hbm>> -> memref<9984xi32, #tpu.memory_space<hbm>>
        tpu.wait_dma2 semaphore(%run_scoped3A_54 : memref<!tpu.dma_semaphore, #tpu.memory_space<semaphore_mem>>) src(%dma_wait3A_68 : memref<9984xi32, #tpu.memory_space<hbm>>) dst(%dma_wait3A_66 : memref<9984xi32, #tpu.memory_space<vmem>>)
        tpu.yield
      }) : () -> ()
    } else {
    }
    %lt3A_29 = arith.constant 4 : i32
    %lt3A_30 = arith.cmpi slt, %add3A, %lt3A_29 : i32
    %convert_element_type3A_31 = arith.extui %lt3A_30 : i1 to i32
    %cond3A_32 = arith.constant 0 : i32
    %cond3A_33 = arith.cmpi ne, %convert_element_type3A_31, %cond3A_32 : i32
    scf.if %cond3A_33 {
      %run_scoped3A = arith.constant 1 : i32
      "tpu.region"() ({
        %run_scoped3A_54 = tpu.sem_alloc : memref<!tpu.dma_semaphore, #tpu.memory_space<semaphore_mem>>
        %dma_start3A = tpu.memref_slice %arg2[%run_scoped3A, %select_n3A] : memref<2x320000xi32, #tpu.memory_space<hbm>> -> memref<1x10112xi32, #tpu.memory_space<hbm>>
        %dma_start3A_55 = tpu.memref_squeeze %dma_start3A : memref<1x10112xi32, #tpu.memory_space<hbm>> -> memref<10112xi32, #tpu.memory_space<hbm>>
        %dma_start3A_56 = tpu.memref_slice %arg2[%run_scoped3A, %select_n3A] : memref<2x320000xi32, #tpu.memory_space<hbm>> -> memref<1x10112xi32, #tpu.memory_space<hbm>>
        %dma_start3A_57 = tpu.memref_squeeze %dma_start3A_56 : memref<1x10112xi32, #tpu.memory_space<hbm>> -> memref<10112xi32, #tpu.memory_space<hbm>>
        tpu.enqueue_dma source(%dma_start3A_57 : memref<10112xi32, #tpu.memory_space<hbm>>) target(%arg7 : memref<10112xi32, #tpu.memory_space<vmem>>) target_semaphore(%run_scoped3A_54 : memref<!tpu.dma_semaphore, #tpu.memory_space<semaphore_mem>>)
        %dma_wait3A = tpu.memref_slice %arg2[%run_scoped3A, %select_n3A] : memref<2x320000xi32, #tpu.memory_space<hbm>> -> memref<1x10112xi32, #tpu.memory_space<hbm>>
        %dma_wait3A_58 = tpu.memref_squeeze %dma_wait3A : memref<1x10112xi32, #tpu.memory_space<hbm>> -> memref<10112xi32, #tpu.memory_space<hbm>>
        %dma_wait3A_59 = tpu.memref_slice %arg2[%run_scoped3A, %select_n3A] : memref<2x320000xi32, #tpu.memory_space<hbm>> -> memref<1x10112xi32, #tpu.memory_space<hbm>>
        %dma_wait3A_60 = tpu.memref_squeeze %dma_wait3A_59 : memref<1x10112xi32, #tpu.memory_space<hbm>> -> memref<10112xi32, #tpu.memory_space<hbm>>
        tpu.wait_dma2 semaphore(%run_scoped3A_54 : memref<!tpu.dma_semaphore, #tpu.memory_space<semaphore_mem>>) src(%dma_wait3A_60 : memref<10112xi32, #tpu.memory_space<hbm>>) dst(%arg7 : memref<10112xi32, #tpu.memory_space<vmem>>)
        tpu.yield
      }) : () -> ()
    } else {
    }
    %ge3A_34 = arith.constant 4 : i32
    %ge3A_35 = arith.cmpi sge, %add3A, %ge3A_34 : i32
    %convert_element_type3A_36 = arith.extui %ge3A_35 : i1 to i32
    %cond3A_37 = arith.constant 0 : i32
    %cond3A_38 = arith.cmpi ne, %convert_element_type3A_36, %cond3A_37 : i32
    scf.if %cond3A_38 {
      %run_scoped3A = arith.constant 1 : i32
      "tpu.region"() ({
        %run_scoped3A_54 = tpu.sem_alloc : memref<!tpu.dma_semaphore, #tpu.memory_space<semaphore_mem>>
        %dma_start3A = arith.constant 0 : i32
        %dma_start3A_55 = tpu.memref_slice %arg7[%dma_start3A] : memref<10112xi32, #tpu.memory_space<vmem>> -> memref<9984xi32, #tpu.memory_space<vmem>>
        %dma_start3A_56 = tpu.memref_slice %arg2[%run_scoped3A, %select_n3A] : memref<2x320000xi32, #tpu.memory_space<hbm>> -> memref<1x9984xi32, #tpu.memory_space<hbm>>
        %dma_start3A_57 = tpu.memref_squeeze %dma_start3A_56 : memref<1x9984xi32, #tpu.memory_space<hbm>> -> memref<9984xi32, #tpu.memory_space<hbm>>
        %dma_start3A_58 = arith.constant 0 : i32
        %dma_start3A_59 = tpu.memref_slice %arg7[%dma_start3A_58] : memref<10112xi32, #tpu.memory_space<vmem>> -> memref<9984xi32, #tpu.memory_space<vmem>>
        %dma_start3A_60 = tpu.memref_slice %arg2[%run_scoped3A, %select_n3A] : memref<2x320000xi32, #tpu.memory_space<hbm>> -> memref<1x9984xi32, #tpu.memory_space<hbm>>
        %dma_start3A_61 = tpu.memref_squeeze %dma_start3A_60 : memref<1x9984xi32, #tpu.memory_space<hbm>> -> memref<9984xi32, #tpu.memory_space<hbm>>
        tpu.enqueue_dma source(%dma_start3A_61 : memref<9984xi32, #tpu.memory_space<hbm>>) target(%dma_start3A_59 : memref<9984xi32, #tpu.memory_space<vmem>>) target_semaphore(%run_scoped3A_54 : memref<!tpu.dma_semaphore, #tpu.memory_space<semaphore_mem>>)
        %dma_wait3A = arith.constant 0 : i32
        %dma_wait3A_62 = tpu.memref_slice %arg7[%dma_wait3A] : memref<10112xi32, #tpu.memory_space<vmem>> -> memref<9984xi32, #tpu.memory_space<vmem>>
        %dma_wait3A_63 = tpu.memref_slice %arg2[%run_scoped3A, %select_n3A] : memref<2x320000xi32, #tpu.memory_space<hbm>> -> memref<1x9984xi32, #tpu.memory_space<hbm>>
        %dma_wait3A_64 = tpu.memref_squeeze %dma_wait3A_63 : memref<1x9984xi32, #tpu.memory_space<hbm>> -> memref<9984xi32, #tpu.memory_space<hbm>>
        %dma_wait3A_65 = arith.constant 0 : i32
        %dma_wait3A_66 = tpu.memref_slice %arg7[%dma_wait3A_65] : memref<10112xi32, #tpu.memory_space<vmem>> -> memref<9984xi32, #tpu.memory_space<vmem>>
        %dma_wait3A_67 = tpu.memref_slice %arg2[%run_scoped3A, %select_n3A] : memref<2x320000xi32, #tpu.memory_space<hbm>> -> memref<1x9984xi32, #tpu.memory_space<hbm>>
        %dma_wait3A_68 = tpu.memref_squeeze %dma_wait3A_67 : memref<1x9984xi32, #tpu.memory_space<hbm>> -> memref<9984xi32, #tpu.memory_space<hbm>>
        tpu.wait_dma2 semaphore(%run_scoped3A_54 : memref<!tpu.dma_semaphore, #tpu.memory_space<semaphore_mem>>) src(%dma_wait3A_68 : memref<9984xi32, #tpu.memory_space<hbm>>) dst(%dma_wait3A_66 : memref<9984xi32, #tpu.memory_space<vmem>>)
        tpu.yield
      }) : () -> ()
    } else {
    }
    %barrier3A = arith.constant 0 : index
    tpu.barrier barrier_id(%barrier3A)
    %lt3A_39 = arith.constant 4 : i32
    %lt3A_40 = arith.cmpi slt, %add3A, %lt3A_39 : i32
    %convert_element_type3A_41 = arith.extui %lt3A_40 : i1 to i32
    %cond3A_42 = arith.constant 0 : i32
    %cond3A_43 = arith.cmpi ne, %convert_element_type3A_41, %cond3A_42 : i32
    scf.if %cond3A_43 {
      %scan3A_54 = arith.constant 0 : i32
      %scan3A_55 = arith.constant 0 : i32
      %scan3A_56 = arith.constant 158 : i32
      %scan3A_57 = arith.addi %scan3A_55, %scan3A_56 : i32
      %scan3A_58 = arith.constant 1 : i32
      %scan3A_59 = scf.for %scan3A_82 = %scan3A_55 to %scan3A_57 step %scan3A_58 iter_args(%scan3A_83 = %scan3A_54) -> (i32)  : i32 {
        %mul3A_84 = arith.constant 16 : i32
        %mul3A_85 = arith.muli %scan3A_82, %mul3A_84 : i32
        %add3A_86 = arith.constant 0 : i32
        %add3A_87 = arith.addi %add3A_86, %mul3A_85 : i32
        %get3A = arith.index_cast %add3A_87 : i32 to index
        %get3A_88 = tpu.vector_load %arg6[%get3A] {strides = array<i32>} : memref<10112xi32, #tpu.memory_space<vmem>>, vector<16xi32>,
        %gather3A = tpu.vector_load_idx %arg5[%get3A_88] : memref<10240xf32, #tpu.memory_space<vmem>>[vector<16xi32>], vector<16xf32>,
        %mul3A_89 = arith.constant 16 : i32
        %mul3A_90 = arith.muli %scan3A_82, %mul3A_89 : i32
        %swap3A = arith.index_cast %mul3A_90 : i32 to index
        %swap3A_91 = tpu.vector_load %arg8[%swap3A] {strides = array<i32>} : memref<2528xf32, #tpu.memory_space<vmem>>, vector<16xf32>,
        tpu.vector_store %arg8[%swap3A], %gather3A {strides = array<i32>} : memref<2528xf32, #tpu.memory_space<vmem>>, vector<16xf32>,
        %scan3A_92 = arith.constant 0 : i32
        scf.yield %scan3A_92 : i32
      }
      %scan3A_60 = arith.constant 158 : i32
      "tpu.region"() ({
        %run_scoped3A = tpu.sem_alloc : memref<!tpu.dma_semaphore, #tpu.memory_space<semaphore_mem>>
        %dma_start3A = arith.constant 0 : i32
        %dma_start3A_82 = tpu.memref_slice %arg8[%dma_start3A] : memref<2528xf32, #tpu.memory_space<vmem>> -> memref<2528xf32, #tpu.memory_space<vmem>>
        %dma_start3A_83 = arith.constant 0 : i32
        %dma_start3A_84 = tpu.memref_slice %arg7[%dma_start3A_83] : memref<10112xi32, #tpu.memory_space<vmem>> -> memref<2528xi32, #tpu.memory_space<vmem>>
        %dma_start3A_85 = arith.constant 0 : i32
        %dma_start3A_86 = tpu.memref_slice %arg10[%dma_start3A_85] : memref<10240xf32, #tpu.memory_space<vmem_shared>> -> memref<10240xf32, #tpu.memory_space<vmem_shared>>
        tpu.enqueue_indirect_dma source(%dma_start3A_82 : memref<2528xf32, #tpu.memory_space<vmem>>) target(%dma_start3A_86 : memref<10240xf32, #tpu.memory_space<vmem_shared>>) offsets(%dma_start3A_84 : memref<2528xi32, #tpu.memory_space<vmem>>) semaphore(%run_scoped3A : memref<!tpu.dma_semaphore, #tpu.memory_space<semaphore_mem>>) {add = true}
        %dma_wait3A = arith.constant 0 : i32
        %dma_wait3A_87 = tpu.memref_slice %arg8[%dma_wait3A] : memref<2528xf32, #tpu.memory_space<vmem>> -> memref<2528xf32, #tpu.memory_space<vmem>>
        %dma_wait3A_88 = arith.constant 0 : i32
        %dma_wait3A_89 = tpu.memref_slice %arg7[%dma_wait3A_88] : memref<10112xi32, #tpu.memory_space<vmem>> -> memref<2528xi32, #tpu.memory_space<vmem>>
        %dma_wait3A_90 = arith.constant 0 : i32
        %dma_wait3A_91 = tpu.memref_slice %arg10[%dma_wait3A_90] : memref<10240xf32, #tpu.memory_space<vmem_shared>> -> memref<10240xf32, #tpu.memory_space<vmem_shared>>
        tpu.wait_indirect_dma semaphore(%run_scoped3A : memref<!tpu.dma_semaphore, #tpu.memory_space<semaphore_mem>>) src(%dma_wait3A_87 : memref<2528xf32, #tpu.memory_space<vmem>>) dst(%dma_wait3A_91 : memref<10240xf32, #tpu.memory_space<vmem_shared>>)
        tpu.yield
      }) : () -> ()
      %scan3A_61 = arith.constant 0 : i32
      %scan3A_62 = arith.constant 0 : i32
      %scan3A_63 = arith.constant 158 : i32
      %scan3A_64 = arith.addi %scan3A_62, %scan3A_63 : i32
      %scan3A_65 = arith.constant 1 : i32
      %scan3A_66 = scf.for %scan3A_82 = %scan3A_62 to %scan3A_64 step %scan3A_65 iter_args(%scan3A_83 = %scan3A_61) -> (i32)  : i32 {
        %mul3A_84 = arith.constant 16 : i32
        %mul3A_85 = arith.muli %scan3A_82, %mul3A_84 : i32
        %add3A_86 = arith.constant 2528 : i32
        %add3A_87 = arith.addi %add3A_86, %mul3A_85 : i32
        %get3A = arith.index_cast %add3A_87 : i32 to index
        %get3A_88 = tpu.vector_load %arg6[%get3A] {strides = array<i32>} : memref<10112xi32, #tpu.memory_space<vmem>>, vector<16xi32>,
        %gather3A = tpu.vector_load_idx %arg5[%get3A_88] : memref<10240xf32, #tpu.memory_space<vmem>>[vector<16xi32>], vector<16xf32>,
        %mul3A_89 = arith.constant 16 : i32
        %mul3A_90 = arith.muli %scan3A_82, %mul3A_89 : i32
        %swap3A = arith.index_cast %mul3A_90 : i32 to index
        %swap3A_91 = tpu.vector_load %arg8[%swap3A] {strides = array<i32>} : memref<2528xf32, #tpu.memory_space<vmem>>, vector<16xf32>,
        tpu.vector_store %arg8[%swap3A], %gather3A {strides = array<i32>} : memref<2528xf32, #tpu.memory_space<vmem>>, vector<16xf32>,
        %scan3A_92 = arith.constant 0 : i32
        scf.yield %scan3A_92 : i32
      }
      %scan3A_67 = arith.constant 158 : i32
      "tpu.region"() ({
        %run_scoped3A = tpu.sem_alloc : memref<!tpu.dma_semaphore, #tpu.memory_space<semaphore_mem>>
        %dma_start3A = arith.constant 0 : i32
        %dma_start3A_82 = tpu.memref_slice %arg8[%dma_start3A] : memref<2528xf32, #tpu.memory_space<vmem>> -> memref<2528xf32, #tpu.memory_space<vmem>>
        %dma_start3A_83 = arith.constant 2528 : i32
        %dma_start3A_84 = tpu.memref_slice %arg7[%dma_start3A_83] : memref<10112xi32, #tpu.memory_space<vmem>> -> memref<2528xi32, #tpu.memory_space<vmem>>
        %dma_start3A_85 = arith.constant 0 : i32
        %dma_start3A_86 = tpu.memref_slice %arg10[%dma_start3A_85] : memref<10240xf32, #tpu.memory_space<vmem_shared>> -> memref<10240xf32, #tpu.memory_space<vmem_shared>>
        tpu.enqueue_indirect_dma source(%dma_start3A_82 : memref<2528xf32, #tpu.memory_space<vmem>>) target(%dma_start3A_86 : memref<10240xf32, #tpu.memory_space<vmem_shared>>) offsets(%dma_start3A_84 : memref<2528xi32, #tpu.memory_space<vmem>>) semaphore(%run_scoped3A : memref<!tpu.dma_semaphore, #tpu.memory_space<semaphore_mem>>) {add = true}
        %dma_wait3A = arith.constant 0 : i32
        %dma_wait3A_87 = tpu.memref_slice %arg8[%dma_wait3A] : memref<2528xf32, #tpu.memory_space<vmem>> -> memref<2528xf32, #tpu.memory_space<vmem>>
        %dma_wait3A_88 = arith.constant 2528 : i32
        %dma_wait3A_89 = tpu.memref_slice %arg7[%dma_wait3A_88] : memref<10112xi32, #tpu.memory_space<vmem>> -> memref<2528xi32, #tpu.memory_space<vmem>>
        %dma_wait3A_90 = arith.constant 0 : i32
        %dma_wait3A_91 = tpu.memref_slice %arg10[%dma_wait3A_90] : memref<10240xf32, #tpu.memory_space<vmem_shared>> -> memref<10240xf32, #tpu.memory_space<vmem_shared>>
        tpu.wait_indirect_dma semaphore(%run_scoped3A : memref<!tpu.dma_semaphore, #tpu.memory_space<semaphore_mem>>) src(%dma_wait3A_87 : memref<2528xf32, #tpu.memory_space<vmem>>) dst(%dma_wait3A_91 : memref<10240xf32, #tpu.memory_space<vmem_shared>>)
        tpu.yield
      }) : () -> ()
      %scan3A_68 = arith.constant 0 : i32
      %scan3A_69 = arith.constant 0 : i32
      %scan3A_70 = arith.constant 158 : i32
      %scan3A_71 = arith.addi %scan3A_69, %scan3A_70 : i32
      %scan3A_72 = arith.constant 1 : i32
      %scan3A_73 = scf.for %scan3A_82 = %scan3A_69 to %scan3A_71 step %scan3A_72 iter_args(%scan3A_83 = %scan3A_68) -> (i32)  : i32 {
        %mul3A_84 = arith.constant 16 : i32
        %mul3A_85 = arith.muli %scan3A_82, %mul3A_84 : i32
        %add3A_86 = arith.constant 5056 : i32
        %add3A_87 = arith.addi %add3A_86, %mul3A_85 : i32
        %get3A = arith.index_cast %add3A_87 : i32 to index
        %get3A_88 = tpu.vector_load %arg6[%get3A] {strides = array<i32>} : memref<10112xi32, #tpu.memory_space<vmem>>, vector<16xi32>,
        %gather3A = tpu.vector_load_idx %arg5[%get3A_88] : memref<10240xf32, #tpu.memory_space<vmem>>[vector<16xi32>], vector<16xf32>,
        %mul3A_89 = arith.constant 16 : i32
        %mul3A_90 = arith.muli %scan3A_82, %mul3A_89 : i32
        %swap3A = arith.index_cast %mul3A_90 : i32 to index
        %swap3A_91 = tpu.vector_load %arg8[%swap3A] {strides = array<i32>} : memref<2528xf32, #tpu.memory_space<vmem>>, vector<16xf32>,
        tpu.vector_store %arg8[%swap3A], %gather3A {strides = array<i32>} : memref<2528xf32, #tpu.memory_space<vmem>>, vector<16xf32>,
        %scan3A_92 = arith.constant 0 : i32
        scf.yield %scan3A_92 : i32
      }
      %scan3A_74 = arith.constant 158 : i32
      "tpu.region"() ({
        %run_scoped3A = tpu.sem_alloc : memref<!tpu.dma_semaphore, #tpu.memory_space<semaphore_mem>>
        %dma_start3A = arith.constant 0 : i32
        %dma_start3A_82 = tpu.memref_slice %arg8[%dma_start3A] : memref<2528xf32, #tpu.memory_space<vmem>> -> memref<2528xf32, #tpu.memory_space<vmem>>
        %dma_start3A_83 = arith.constant 5056 : i32
        %dma_start3A_84 = tpu.memref_slice %arg7[%dma_start3A_83] : memref<10112xi32, #tpu.memory_space<vmem>> -> memref<2528xi32, #tpu.memory_space<vmem>>
        %dma_start3A_85 = arith.constant 0 : i32
        %dma_start3A_86 = tpu.memref_slice %arg10[%dma_start3A_85] : memref<10240xf32, #tpu.memory_space<vmem_shared>> -> memref<10240xf32, #tpu.memory_space<vmem_shared>>
        tpu.enqueue_indirect_dma source(%dma_start3A_82 : memref<2528xf32, #tpu.memory_space<vmem>>) target(%dma_start3A_86 : memref<10240xf32, #tpu.memory_space<vmem_shared>>) offsets(%dma_start3A_84 : memref<2528xi32, #tpu.memory_space<vmem>>) semaphore(%run_scoped3A : memref<!tpu.dma_semaphore, #tpu.memory_space<semaphore_mem>>) {add = true}
        %dma_wait3A = arith.constant 0 : i32
        %dma_wait3A_87 = tpu.memref_slice %arg8[%dma_wait3A] : memref<2528xf32, #tpu.memory_space<vmem>> -> memref<2528xf32, #tpu.memory_space<vmem>>
        %dma_wait3A_88 = arith.constant 5056 : i32
        %dma_wait3A_89 = tpu.memref_slice %arg7[%dma_wait3A_88] : memref<10112xi32, #tpu.memory_space<vmem>> -> memref<2528xi32, #tpu.memory_space<vmem>>
        %dma_wait3A_90 = arith.constant 0 : i32
        %dma_wait3A_91 = tpu.memref_slice %arg10[%dma_wait3A_90] : memref<10240xf32, #tpu.memory_space<vmem_shared>> -> memref<10240xf32, #tpu.memory_space<vmem_shared>>
        tpu.wait_indirect_dma semaphore(%run_scoped3A : memref<!tpu.dma_semaphore, #tpu.memory_space<semaphore_mem>>) src(%dma_wait3A_87 : memref<2528xf32, #tpu.memory_space<vmem>>) dst(%dma_wait3A_91 : memref<10240xf32, #tpu.memory_space<vmem_shared>>)
        tpu.yield
      }) : () -> ()
      %scan3A_75 = arith.constant 0 : i32
      %scan3A_76 = arith.constant 0 : i32
      %scan3A_77 = arith.constant 158 : i32
      %scan3A_78 = arith.addi %scan3A_76, %scan3A_77 : i32
      %scan3A_79 = arith.constant 1 : i32
      %scan3A_80 = scf.for %scan3A_82 = %scan3A_76 to %scan3A_78 step %scan3A_79 iter_args(%scan3A_83 = %scan3A_75) -> (i32)  : i32 {
        %mul3A_84 = arith.constant 16 : i32
        %mul3A_85 = arith.muli %scan3A_82, %mul3A_84 : i32
        %add3A_86 = arith.constant 7584 : i32
        %add3A_87 = arith.addi %add3A_86, %mul3A_85 : i32
        %get3A = arith.index_cast %add3A_87 : i32 to index
        %get3A_88 = tpu.vector_load %arg6[%get3A] {strides = array<i32>} : memref<10112xi32, #tpu.memory_space<vmem>>, vector<16xi32>,
        %gather3A = tpu.vector_load_idx %arg5[%get3A_88] : memref<10240xf32, #tpu.memory_space<vmem>>[vector<16xi32>], vector<16xf32>,
        %mul3A_89 = arith.constant 16 : i32
        %mul3A_90 = arith.muli %scan3A_82, %mul3A_89 : i32
        %swap3A = arith.index_cast %mul3A_90 : i32 to index
        %swap3A_91 = tpu.vector_load %arg8[%swap3A] {strides = array<i32>} : memref<2528xf32, #tpu.memory_space<vmem>>, vector<16xf32>,
        tpu.vector_store %arg8[%swap3A], %gather3A {strides = array<i32>} : memref<2528xf32, #tpu.memory_space<vmem>>, vector<16xf32>,
        %scan3A_92 = arith.constant 0 : i32
        scf.yield %scan3A_92 : i32
      }
      %scan3A_81 = arith.constant 158 : i32
      "tpu.region"() ({
        %run_scoped3A = tpu.sem_alloc : memref<!tpu.dma_semaphore, #tpu.memory_space<semaphore_mem>>
        %dma_start3A = arith.constant 0 : i32
        %dma_start3A_82 = tpu.memref_slice %arg8[%dma_start3A] : memref<2528xf32, #tpu.memory_space<vmem>> -> memref<2528xf32, #tpu.memory_space<vmem>>
        %dma_start3A_83 = arith.constant 7584 : i32
        %dma_start3A_84 = tpu.memref_slice %arg7[%dma_start3A_83] : memref<10112xi32, #tpu.memory_space<vmem>> -> memref<2528xi32, #tpu.memory_space<vmem>>
        %dma_start3A_85 = arith.constant 0 : i32
        %dma_start3A_86 = tpu.memref_slice %arg10[%dma_start3A_85] : memref<10240xf32, #tpu.memory_space<vmem_shared>> -> memref<10240xf32, #tpu.memory_space<vmem_shared>>
        tpu.enqueue_indirect_dma source(%dma_start3A_82 : memref<2528xf32, #tpu.memory_space<vmem>>) target(%dma_start3A_86 : memref<10240xf32, #tpu.memory_space<vmem_shared>>) offsets(%dma_start3A_84 : memref<2528xi32, #tpu.memory_space<vmem>>) semaphore(%run_scoped3A : memref<!tpu.dma_semaphore, #tpu.memory_space<semaphore_mem>>) {add = true}
        %dma_wait3A = arith.constant 0 : i32
        %dma_wait3A_87 = tpu.memref_slice %arg8[%dma_wait3A] : memref<2528xf32, #tpu.memory_space<vmem>> -> memref<2528xf32, #tpu.memory_space<vmem>>
        %dma_wait3A_88 = arith.constant 7584 : i32
        %dma_wait3A_89 = tpu.memref_slice %arg7[%dma_wait3A_88] : memref<10112xi32, #tpu.memory_space<vmem>> -> memref<2528xi32, #tpu.memory_space<vmem>>
        %dma_wait3A_90 = arith.constant 0 : i32
        %dma_wait3A_91 = tpu.memref_slice %arg10[%dma_wait3A_90] : memref<10240xf32, #tpu.memory_space<vmem_shared>> -> memref<10240xf32, #tpu.memory_space<vmem_shared>>
        tpu.wait_indirect_dma semaphore(%run_scoped3A : memref<!tpu.dma_semaphore, #tpu.memory_space<semaphore_mem>>) src(%dma_wait3A_87 : memref<2528xf32, #tpu.memory_space<vmem>>) dst(%dma_wait3A_91 : memref<10240xf32, #tpu.memory_space<vmem_shared>>)
        tpu.yield
      }) : () -> ()
    } else {
    }
    %ge3A_44 = arith.constant 4 : i32
    %ge3A_45 = arith.cmpi sge, %add3A, %ge3A_44 : i32
    %convert_element_type3A_46 = arith.extui %ge3A_45 : i1 to i32
    %cond3A_47 = arith.constant 0 : i32
    %cond3A_48 = arith.cmpi ne, %convert_element_type3A_46, %cond3A_47 : i32
    scf.if %cond3A_48 {
      %scan3A_54 = arith.constant 0 : i32
      %scan3A_55 = arith.constant 0 : i32
      %scan3A_56 = arith.constant 156 : i32
      %scan3A_57 = arith.addi %scan3A_55, %scan3A_56 : i32
      %scan3A_58 = arith.constant 1 : i32
      %scan3A_59 = scf.for %scan3A_82 = %scan3A_55 to %scan3A_57 step %scan3A_58 iter_args(%scan3A_83 = %scan3A_54) -> (i32)  : i32 {
        %mul3A_84 = arith.constant 16 : i32
        %mul3A_85 = arith.muli %scan3A_82, %mul3A_84 : i32
        %add3A_86 = arith.constant 0 : i32
        %add3A_87 = arith.addi %add3A_86, %mul3A_85 : i32
        %get3A = arith.index_cast %add3A_87 : i32 to index
        %get3A_88 = tpu.vector_load %arg6[%get3A] {strides = array<i32>} : memref<10112xi32, #tpu.memory_space<vmem>>, vector<16xi32>,
        %gather3A = tpu.vector_load_idx %arg5[%get3A_88] : memref<10240xf32, #tpu.memory_space<vmem>>[vector<16xi32>], vector<16xf32>,
        %mul3A_89 = arith.constant 16 : i32
        %mul3A_90 = arith.muli %scan3A_82, %mul3A_89 : i32
        %swap3A = arith.index_cast %mul3A_90 : i32 to index
        %swap3A_91 = tpu.vector_load %arg8[%swap3A] {strides = array<i32>} : memref<2528xf32, #tpu.memory_space<vmem>>, vector<16xf32>,
        tpu.vector_store %arg8[%swap3A], %gather3A {strides = array<i32>} : memref<2528xf32, #tpu.memory_space<vmem>>, vector<16xf32>,
        %scan3A_92 = arith.constant 0 : i32
        scf.yield %scan3A_92 : i32
      }
      %scan3A_60 = arith.constant 156 : i32
      "tpu.region"() ({
        %run_scoped3A = tpu.sem_alloc : memref<!tpu.dma_semaphore, #tpu.memory_space<semaphore_mem>>
        %dma_start3A = arith.constant 0 : i32
        %dma_start3A_82 = tpu.memref_slice %arg8[%dma_start3A] : memref<2528xf32, #tpu.memory_space<vmem>> -> memref<2496xf32, #tpu.memory_space<vmem>>
        %dma_start3A_83 = arith.constant 0 : i32
        %dma_start3A_84 = tpu.memref_slice %arg7[%dma_start3A_83] : memref<10112xi32, #tpu.memory_space<vmem>> -> memref<2496xi32, #tpu.memory_space<vmem>>
        %dma_start3A_85 = arith.constant 0 : i32
        %dma_start3A_86 = tpu.memref_slice %arg10[%dma_start3A_85] : memref<10240xf32, #tpu.memory_space<vmem_shared>> -> memref<10240xf32, #tpu.memory_space<vmem_shared>>
        tpu.enqueue_indirect_dma source(%dma_start3A_82 : memref<2496xf32, #tpu.memory_space<vmem>>) target(%dma_start3A_86 : memref<10240xf32, #tpu.memory_space<vmem_shared>>) offsets(%dma_start3A_84 : memref<2496xi32, #tpu.memory_space<vmem>>) semaphore(%run_scoped3A : memref<!tpu.dma_semaphore, #tpu.memory_space<semaphore_mem>>) {add = true}
        %dma_wait3A = arith.constant 0 : i32
        %dma_wait3A_87 = tpu.memref_slice %arg8[%dma_wait3A] : memref<2528xf32, #tpu.memory_space<vmem>> -> memref<2496xf32, #tpu.memory_space<vmem>>
        %dma_wait3A_88 = arith.constant 0 : i32
        %dma_wait3A_89 = tpu.memref_slice %arg7[%dma_wait3A_88] : memref<10112xi32, #tpu.memory_space<vmem>> -> memref<2496xi32, #tpu.memory_space<vmem>>
        %dma_wait3A_90 = arith.constant 0 : i32
        %dma_wait3A_91 = tpu.memref_slice %arg10[%dma_wait3A_90] : memref<10240xf32, #tpu.memory_space<vmem_shared>> -> memref<10240xf32, #tpu.memory_space<vmem_shared>>
        tpu.wait_indirect_dma semaphore(%run_scoped3A : memref<!tpu.dma_semaphore, #tpu.memory_space<semaphore_mem>>) src(%dma_wait3A_87 : memref<2496xf32, #tpu.memory_space<vmem>>) dst(%dma_wait3A_91 : memref<10240xf32, #tpu.memory_space<vmem_shared>>)
        tpu.yield
      }) : () -> ()
      %scan3A_61 = arith.constant 0 : i32
      %scan3A_62 = arith.constant 0 : i32
      %scan3A_63 = arith.constant 156 : i32
      %scan3A_64 = arith.addi %scan3A_62, %scan3A_63 : i32
      %scan3A_65 = arith.constant 1 : i32
      %scan3A_66 = scf.for %scan3A_82 = %scan3A_62 to %scan3A_64 step %scan3A_65 iter_args(%scan3A_83 = %scan3A_61) -> (i32)  : i32 {
        %mul3A_84 = arith.constant 16 : i32
        %mul3A_85 = arith.muli %scan3A_82, %mul3A_84 : i32
        %add3A_86 = arith.constant 2496 : i32
        %add3A_87 = arith.addi %add3A_86, %mul3A_85 : i32
        %get3A = arith.index_cast %add3A_87 : i32 to index
        %get3A_88 = tpu.vector_load %arg6[%get3A] {strides = array<i32>} : memref<10112xi32, #tpu.memory_space<vmem>>, vector<16xi32>,
        %gather3A = tpu.vector_load_idx %arg5[%get3A_88] : memref<10240xf32, #tpu.memory_space<vmem>>[vector<16xi32>], vector<16xf32>,
        %mul3A_89 = arith.constant 16 : i32
        %mul3A_90 = arith.muli %scan3A_82, %mul3A_89 : i32
        %swap3A = arith.index_cast %mul3A_90 : i32 to index
        %swap3A_91 = tpu.vector_load %arg8[%swap3A] {strides = array<i32>} : memref<2528xf32, #tpu.memory_space<vmem>>, vector<16xf32>,
        tpu.vector_store %arg8[%swap3A], %gather3A {strides = array<i32>} : memref<2528xf32, #tpu.memory_space<vmem>>, vector<16xf32>,
        %scan3A_92 = arith.constant 0 : i32
        scf.yield %scan3A_92 : i32
      }
      %scan3A_67 = arith.constant 156 : i32
      "tpu.region"() ({
        %run_scoped3A = tpu.sem_alloc : memref<!tpu.dma_semaphore, #tpu.memory_space<semaphore_mem>>
        %dma_start3A = arith.constant 0 : i32
        %dma_start3A_82 = tpu.memref_slice %arg8[%dma_start3A] : memref<2528xf32, #tpu.memory_space<vmem>> -> memref<2496xf32, #tpu.memory_space<vmem>>
        %dma_start3A_83 = arith.constant 2496 : i32
        %dma_start3A_84 = tpu.memref_slice %arg7[%dma_start3A_83] : memref<10112xi32, #tpu.memory_space<vmem>> -> memref<2496xi32, #tpu.memory_space<vmem>>
        %dma_start3A_85 = arith.constant 0 : i32
        %dma_start3A_86 = tpu.memref_slice %arg10[%dma_start3A_85] : memref<10240xf32, #tpu.memory_space<vmem_shared>> -> memref<10240xf32, #tpu.memory_space<vmem_shared>>
        tpu.enqueue_indirect_dma source(%dma_start3A_82 : memref<2496xf32, #tpu.memory_space<vmem>>) target(%dma_start3A_86 : memref<10240xf32, #tpu.memory_space<vmem_shared>>) offsets(%dma_start3A_84 : memref<2496xi32, #tpu.memory_space<vmem>>) semaphore(%run_scoped3A : memref<!tpu.dma_semaphore, #tpu.memory_space<semaphore_mem>>) {add = true}
        %dma_wait3A = arith.constant 0 : i32
        %dma_wait3A_87 = tpu.memref_slice %arg8[%dma_wait3A] : memref<2528xf32, #tpu.memory_space<vmem>> -> memref<2496xf32, #tpu.memory_space<vmem>>
        %dma_wait3A_88 = arith.constant 2496 : i32
        %dma_wait3A_89 = tpu.memref_slice %arg7[%dma_wait3A_88] : memref<10112xi32, #tpu.memory_space<vmem>> -> memref<2496xi32, #tpu.memory_space<vmem>>
        %dma_wait3A_90 = arith.constant 0 : i32
        %dma_wait3A_91 = tpu.memref_slice %arg10[%dma_wait3A_90] : memref<10240xf32, #tpu.memory_space<vmem_shared>> -> memref<10240xf32, #tpu.memory_space<vmem_shared>>
        tpu.wait_indirect_dma semaphore(%run_scoped3A : memref<!tpu.dma_semaphore, #tpu.memory_space<semaphore_mem>>) src(%dma_wait3A_87 : memref<2496xf32, #tpu.memory_space<vmem>>) dst(%dma_wait3A_91 : memref<10240xf32, #tpu.memory_space<vmem_shared>>)
        tpu.yield
      }) : () -> ()
      %scan3A_68 = arith.constant 0 : i32
      %scan3A_69 = arith.constant 0 : i32
      %scan3A_70 = arith.constant 156 : i32
      %scan3A_71 = arith.addi %scan3A_69, %scan3A_70 : i32
      %scan3A_72 = arith.constant 1 : i32
      %scan3A_73 = scf.for %scan3A_82 = %scan3A_69 to %scan3A_71 step %scan3A_72 iter_args(%scan3A_83 = %scan3A_68) -> (i32)  : i32 {
        %mul3A_84 = arith.constant 16 : i32
        %mul3A_85 = arith.muli %scan3A_82, %mul3A_84 : i32
        %add3A_86 = arith.constant 4992 : i32
        %add3A_87 = arith.addi %add3A_86, %mul3A_85 : i32
        %get3A = arith.index_cast %add3A_87 : i32 to index
        %get3A_88 = tpu.vector_load %arg6[%get3A] {strides = array<i32>} : memref<10112xi32, #tpu.memory_space<vmem>>, vector<16xi32>,
        %gather3A = tpu.vector_load_idx %arg5[%get3A_88] : memref<10240xf32, #tpu.memory_space<vmem>>[vector<16xi32>], vector<16xf32>,
        %mul3A_89 = arith.constant 16 : i32
        %mul3A_90 = arith.muli %scan3A_82, %mul3A_89 : i32
        %swap3A = arith.index_cast %mul3A_90 : i32 to index
        %swap3A_91 = tpu.vector_load %arg8[%swap3A] {strides = array<i32>} : memref<2528xf32, #tpu.memory_space<vmem>>, vector<16xf32>,
        tpu.vector_store %arg8[%swap3A], %gather3A {strides = array<i32>} : memref<2528xf32, #tpu.memory_space<vmem>>, vector<16xf32>,
        %scan3A_92 = arith.constant 0 : i32
        scf.yield %scan3A_92 : i32
      }
      %scan3A_74 = arith.constant 156 : i32
      "tpu.region"() ({
        %run_scoped3A = tpu.sem_alloc : memref<!tpu.dma_semaphore, #tpu.memory_space<semaphore_mem>>
        %dma_start3A = arith.constant 0 : i32
        %dma_start3A_82 = tpu.memref_slice %arg8[%dma_start3A] : memref<2528xf32, #tpu.memory_space<vmem>> -> memref<2496xf32, #tpu.memory_space<vmem>>
        %dma_start3A_83 = arith.constant 4992 : i32
        %dma_start3A_84 = tpu.memref_slice %arg7[%dma_start3A_83] : memref<10112xi32, #tpu.memory_space<vmem>> -> memref<2496xi32, #tpu.memory_space<vmem>>
        %dma_start3A_85 = arith.constant 0 : i32
        %dma_start3A_86 = tpu.memref_slice %arg10[%dma_start3A_85] : memref<10240xf32, #tpu.memory_space<vmem_shared>> -> memref<10240xf32, #tpu.memory_space<vmem_shared>>
        tpu.enqueue_indirect_dma source(%dma_start3A_82 : memref<2496xf32, #tpu.memory_space<vmem>>) target(%dma_start3A_86 : memref<10240xf32, #tpu.memory_space<vmem_shared>>) offsets(%dma_start3A_84 : memref<2496xi32, #tpu.memory_space<vmem>>) semaphore(%run_scoped3A : memref<!tpu.dma_semaphore, #tpu.memory_space<semaphore_mem>>) {add = true}
        %dma_wait3A = arith.constant 0 : i32
        %dma_wait3A_87 = tpu.memref_slice %arg8[%dma_wait3A] : memref<2528xf32, #tpu.memory_space<vmem>> -> memref<2496xf32, #tpu.memory_space<vmem>>
        %dma_wait3A_88 = arith.constant 4992 : i32
        %dma_wait3A_89 = tpu.memref_slice %arg7[%dma_wait3A_88] : memref<10112xi32, #tpu.memory_space<vmem>> -> memref<2496xi32, #tpu.memory_space<vmem>>
        %dma_wait3A_90 = arith.constant 0 : i32
        %dma_wait3A_91 = tpu.memref_slice %arg10[%dma_wait3A_90] : memref<10240xf32, #tpu.memory_space<vmem_shared>> -> memref<10240xf32, #tpu.memory_space<vmem_shared>>
        tpu.wait_indirect_dma semaphore(%run_scoped3A : memref<!tpu.dma_semaphore, #tpu.memory_space<semaphore_mem>>) src(%dma_wait3A_87 : memref<2496xf32, #tpu.memory_space<vmem>>) dst(%dma_wait3A_91 : memref<10240xf32, #tpu.memory_space<vmem_shared>>)
        tpu.yield
      }) : () -> ()
      %scan3A_75 = arith.constant 0 : i32
      %scan3A_76 = arith.constant 0 : i32
      %scan3A_77 = arith.constant 156 : i32
      %scan3A_78 = arith.addi %scan3A_76, %scan3A_77 : i32
      %scan3A_79 = arith.constant 1 : i32
      %scan3A_80 = scf.for %scan3A_82 = %scan3A_76 to %scan3A_78 step %scan3A_79 iter_args(%scan3A_83 = %scan3A_75) -> (i32)  : i32 {
        %mul3A_84 = arith.constant 16 : i32
        %mul3A_85 = arith.muli %scan3A_82, %mul3A_84 : i32
        %add3A_86 = arith.constant 7488 : i32
        %add3A_87 = arith.addi %add3A_86, %mul3A_85 : i32
        %get3A = arith.index_cast %add3A_87 : i32 to index
        %get3A_88 = tpu.vector_load %arg6[%get3A] {strides = array<i32>} : memref<10112xi32, #tpu.memory_space<vmem>>, vector<16xi32>,
        %gather3A = tpu.vector_load_idx %arg5[%get3A_88] : memref<10240xf32, #tpu.memory_space<vmem>>[vector<16xi32>], vector<16xf32>,
        %mul3A_89 = arith.constant 16 : i32
        %mul3A_90 = arith.muli %scan3A_82, %mul3A_89 : i32
        %swap3A = arith.index_cast %mul3A_90 : i32 to index
        %swap3A_91 = tpu.vector_load %arg8[%swap3A] {strides = array<i32>} : memref<2528xf32, #tpu.memory_space<vmem>>, vector<16xf32>,
        tpu.vector_store %arg8[%swap3A], %gather3A {strides = array<i32>} : memref<2528xf32, #tpu.memory_space<vmem>>, vector<16xf32>,
        %scan3A_92 = arith.constant 0 : i32
        scf.yield %scan3A_92 : i32
      }
      %scan3A_81 = arith.constant 156 : i32
      "tpu.region"() ({
        %run_scoped3A = tpu.sem_alloc : memref<!tpu.dma_semaphore, #tpu.memory_space<semaphore_mem>>
        %dma_start3A = arith.constant 0 : i32
        %dma_start3A_82 = tpu.memref_slice %arg8[%dma_start3A] : memref<2528xf32, #tpu.memory_space<vmem>> -> memref<2496xf32, #tpu.memory_space<vmem>>
        %dma_start3A_83 = arith.constant 7488 : i32
        %dma_start3A_84 = tpu.memref_slice %arg7[%dma_start3A_83] : memref<10112xi32, #tpu.memory_space<vmem>> -> memref<2496xi32, #tpu.memory_space<vmem>>
        %dma_start3A_85 = arith.constant 0 : i32
        %dma_start3A_86 = tpu.memref_slice %arg10[%dma_start3A_85] : memref<10240xf32, #tpu.memory_space<vmem_shared>> -> memref<10240xf32, #tpu.memory_space<vmem_shared>>
        tpu.enqueue_indirect_dma source(%dma_start3A_82 : memref<2496xf32, #tpu.memory_space<vmem>>) target(%dma_start3A_86 : memref<10240xf32, #tpu.memory_space<vmem_shared>>) offsets(%dma_start3A_84 : memref<2496xi32, #tpu.memory_space<vmem>>) semaphore(%run_scoped3A : memref<!tpu.dma_semaphore, #tpu.memory_space<semaphore_mem>>) {add = true}
        %dma_wait3A = arith.constant 0 : i32
        %dma_wait3A_87 = tpu.memref_slice %arg8[%dma_wait3A] : memref<2528xf32, #tpu.memory_space<vmem>> -> memref<2496xf32, #tpu.memory_space<vmem>>
        %dma_wait3A_88 = arith.constant 7488 : i32
        %dma_wait3A_89 = tpu.memref_slice %arg7[%dma_wait3A_88] : memref<10112xi32, #tpu.memory_space<vmem>> -> memref<2496xi32, #tpu.memory_space<vmem>>
        %dma_wait3A_90 = arith.constant 0 : i32
        %dma_wait3A_91 = tpu.memref_slice %arg10[%dma_wait3A_90] : memref<10240xf32, #tpu.memory_space<vmem_shared>> -> memref<10240xf32, #tpu.memory_space<vmem_shared>>
        tpu.wait_indirect_dma semaphore(%run_scoped3A : memref<!tpu.dma_semaphore, #tpu.memory_space<semaphore_mem>>) src(%dma_wait3A_87 : memref<2496xf32, #tpu.memory_space<vmem>>) dst(%dma_wait3A_91 : memref<10240xf32, #tpu.memory_space<vmem_shared>>)
        tpu.yield
      }) : () -> ()
    } else {
    }
    %barrier3A_49 = arith.constant 0 : index
    tpu.barrier barrier_id(%barrier3A_49)
    %mul3A_50 = arith.constant 640 : i32
    %mul3A_51 = arith.muli %arg1, %mul3A_50 : i32
    "tpu.region"() ({
      %run_scoped3A = tpu.sem_alloc : memref<!tpu.dma_semaphore, #tpu.memory_space<semaphore_mem>>
      %dma_start3A = tpu.memref_slice %arg10[%mul3A_51] : memref<10240xf32, #tpu.memory_space<vmem_shared>> -> memref<640xf32, #tpu.memory_space<vmem_shared>>
      %dma_start3A_54 = tpu.memref_slice %arg10[%mul3A_51] : memref<10240xf32, #tpu.memory_space<vmem_shared>> -> memref<640xf32, #tpu.memory_space<vmem_shared>>
      tpu.enqueue_dma source(%dma_start3A_54 : memref<640xf32, #tpu.memory_space<vmem_shared>>) target(%arg9 : memref<640xf32, #tpu.memory_space<vmem>>) target_semaphore(%run_scoped3A : memref<!tpu.dma_semaphore, #tpu.memory_space<semaphore_mem>>)
      %dma_wait3A = tpu.memref_slice %arg10[%mul3A_51] : memref<10240xf32, #tpu.memory_space<vmem_shared>> -> memref<640xf32, #tpu.memory_space<vmem_shared>>
      %dma_wait3A_55 = tpu.memref_slice %arg10[%mul3A_51] : memref<10240xf32, #tpu.memory_space<vmem_shared>> -> memref<640xf32, #tpu.memory_space<vmem_shared>>
      tpu.wait_dma2 semaphore(%run_scoped3A : memref<!tpu.dma_semaphore, #tpu.memory_space<semaphore_mem>>) src(%dma_wait3A_55 : memref<640xf32, #tpu.memory_space<vmem_shared>>) dst(%arg9 : memref<640xf32, #tpu.memory_space<vmem>>)
      tpu.yield
    }) : () -> ()
    %mul3A_52 = arith.constant 640 : i32
    %mul3A_53 = arith.muli %arg1, %mul3A_52 : i32
    "tpu.region"() ({
      %run_scoped3A = tpu.sem_alloc : memref<!tpu.dma_semaphore, #tpu.memory_space<semaphore_mem>>
      %dma_start3A = tpu.memref_slice %arg4[%arg0, %mul3A_53] : memref<2x10240xf32, #tpu.memory_space<hbm>> -> memref<1x640xf32, #tpu.memory_space<hbm>>
      %dma_start3A_54 = tpu.memref_squeeze %dma_start3A : memref<1x640xf32, #tpu.memory_space<hbm>> -> memref<640xf32, #tpu.memory_space<hbm>>
      %dma_start3A_55 = tpu.memref_slice %arg4[%arg0, %mul3A_53] : memref<2x10240xf32, #tpu.memory_space<hbm>> -> memref<1x640xf32, #tpu.memory_space<hbm>>
      %dma_start3A_56 = tpu.memref_squeeze %dma_start3A_55 : memref<1x640xf32, #tpu.memory_space<hbm>> -> memref<640xf32, #tpu.memory_space<hbm>>
      tpu.enqueue_dma source(%arg9 : memref<640xf32, #tpu.memory_space<vmem>>) target(%dma_start3A_56 : memref<640xf32, #tpu.memory_space<hbm>>) target_semaphore(%run_scoped3A : memref<!tpu.dma_semaphore, #tpu.memory_space<semaphore_mem>>)
      %dma_wait3A = tpu.memref_slice %arg4[%arg0, %mul3A_53] : memref<2x10240xf32, #tpu.memory_space<hbm>> -> memref<1x640xf32, #tpu.memory_space<hbm>>
      %dma_wait3A_57 = tpu.memref_squeeze %dma_wait3A : memref<1x640xf32, #tpu.memory_space<hbm>> -> memref<640xf32, #tpu.memory_space<hbm>>
      %dma_wait3A_58 = tpu.memref_slice %arg4[%arg0, %mul3A_53] : memref<2x10240xf32, #tpu.memory_space<hbm>> -> memref<1x640xf32, #tpu.memory_space<hbm>>
      %dma_wait3A_59 = tpu.memref_squeeze %dma_wait3A_58 : memref<1x640xf32, #tpu.memory_space<hbm>> -> memref<640xf32, #tpu.memory_space<hbm>>
      tpu.wait_dma2 semaphore(%run_scoped3A : memref<!tpu.dma_semaphore, #tpu.memory_space<semaphore_mem>>) src(%arg9 : memref<640xf32, #tpu.memory_space<vmem>>) dst(%dma_wait3A_59 : memref<640xf32, #tpu.memory_space<hbm>>)
      tpu.yield
    }) : () -> ()
    return
  }
}

module attributes {stable_mosaic.version = 14 : i64} {
  func.func @body(%arg0: memref<10000x128xf32, #tpu.memory_space<vmem>>, %arg1: memref<2x10240xf32, #tpu.memory_space<vmem>>, %arg2: memref<128x16xf32, #tpu.memory_space<vmem>>, %arg3: memref<10240x16xf32, #tpu.memory_space<vmem>>) attributes {dimension_semantics = [], scalar_prefetch = 0 : i64, scratch_operands = 0 : i64, tpu.core_type = #tpu.core_type<tc>} {
    %get3A = arith.constant 0 : index
    %get3A_0 = arith.constant 0 : index
    %get3A_1 = vector.load %arg1[%get3A, %get3A_0] : memref<2x10240xf32, #tpu.memory_space<vmem>>, vector<1x10240xf32>
    %get3A_2 = vector.shape_cast %get3A_1 : vector<1x10240xf32> to vector<10240xf32>
    %get3A_3 = arith.constant 1 : index
    %get3A_4 = arith.constant 0 : index
    %get3A_5 = vector.load %arg1[%get3A_3, %get3A_4] : memref<2x10240xf32, #tpu.memory_space<vmem>>, vector<1x10240xf32>
    %get3A_6 = vector.shape_cast %get3A_5 : vector<1x10240xf32> to vector<10240xf32>
    %add3A = arith.addf %get3A_2, %get3A_6 : vector<10240xf32>
    %add3A_7 = arith.constant 1.000000e+00 : f32
    %add3A_8 = vector.broadcast %add3A_7 : f32 to vector<10240xf32>
    %add3A_9 = arith.addf %add3A, %add3A_8 : vector<10240xf32>
    %rsqrt3A = math.rsqrt %add3A_9 : vector<10240xf32>
    %slice3A = vector.extract_strided_slice %rsqrt3A {offsets = [0], sizes = [10000], strides = [1]} : vector<10240xf32> to vector<10000xf32>
    %broadcast_in_dim3A = vector.shape_cast %slice3A : vector<10000xf32> to vector<10000x1xf32>
    %broadcast_in_dim3A_10 = vector.broadcast %broadcast_in_dim3A : vector<10000x1xf32> to vector<10000x16xf32>
    %get3A_11 = arith.constant 0 : index
    %get3A_12 = arith.constant 0 : index
    %get3A_13 = vector.load %arg0[%get3A_11, %get3A_12] : memref<10000x128xf32, #tpu.memory_space<vmem>>, vector<10000x128xf32>
    %get3A_14 = arith.constant 0 : index
    %get3A_15 = arith.constant 0 : index
    %get3A_16 = vector.load %arg2[%get3A_14, %get3A_15] : memref<128x16xf32, #tpu.memory_space<vmem>>, vector<128x16xf32>
    %dot_general3A = arith.constant dense<0.000000e+00> : vector<10000x16xf32>
    %dot_general3A_17 = tpu.matmul %get3A_13, %get3A_16, %dot_general3A {dimension_numbers = #tpu.dot_dimension_numbers<[1], [0], [0], [1], [0, 0, 1, 1], [], []>, transpose_lhs_hint = false} : vector<10000x128xf32>, vector<128x16xf32>, vector<10000x16xf32> -> vector<10000x16xf32>
    %mul3A = arith.mulf %dot_general3A_17, %broadcast_in_dim3A_10 : vector<10000x16xf32>
    %swap3A = arith.constant 0 : index
    %swap3A_18 = arith.constant 0 : index
    %swap3A_19 = vector.load %arg3[%swap3A, %swap3A_18] : memref<10240x16xf32, #tpu.memory_space<vmem>>, vector<10000x16xf32>
    tpu.vector_store %arg3[%swap3A, %swap3A_18], %mul3A {strides = array<i32>} : memref<10240x16xf32, #tpu.memory_space<vmem>>, vector<10000x16xf32>,
    %broadcast_in_dim3A_20 = arith.constant 0.000000e+00 : f32
    %broadcast_in_dim3A_21 = vector.broadcast %broadcast_in_dim3A_20 : f32 to vector<240x16xf32>
    %swap3A_22 = arith.constant 10000 : index
    %swap3A_23 = arith.constant 0 : index
    %swap3A_24 = vector.load %arg3[%swap3A_22, %swap3A_23] : memref<10240x16xf32, #tpu.memory_space<vmem>>, vector<240x16xf32>
    tpu.vector_store %arg3[%swap3A_22, %swap3A_23], %broadcast_in_dim3A_21 {strides = array<i32>} : memref<10240x16xf32, #tpu.memory_space<vmem>>, vector<240x16xf32>,
    return
  }
}

module attributes {stable_mosaic.version = 14 : i64} {
  func.func @body(%arg0: memref<2x10240x16xf32, #tpu.memory_space<vmem>>, %arg1: memref<10240x16xf32, #tpu.memory_space<vmem>>, %arg2: memref<2x10240xf32, #tpu.memory_space<vmem>>, %arg3: memref<1x16xf32, #tpu.memory_space<vmem>>, %arg4: memref<1x16xf32, #tpu.memory_space<vmem>>, %arg5: memref<10240xf32, #tpu.memory_space<vmem>>) attributes {dimension_semantics = [], scalar_prefetch = 0 : i64, scratch_operands = 0 : i64, tpu.core_type = #tpu.core_type<tc>} {
    %get3A = arith.constant 0 : index
    %get3A_0 = arith.constant 0 : index
    %get3A_1 = vector.load %arg2[%get3A, %get3A_0] : memref<2x10240xf32, #tpu.memory_space<vmem>>, vector<1x10240xf32>
    %get3A_2 = vector.shape_cast %get3A_1 : vector<1x10240xf32> to vector<10240xf32>
    %get3A_3 = arith.constant 1 : index
    %get3A_4 = arith.constant 0 : index
    %get3A_5 = vector.load %arg2[%get3A_3, %get3A_4] : memref<2x10240xf32, #tpu.memory_space<vmem>>, vector<1x10240xf32>
    %get3A_6 = vector.shape_cast %get3A_5 : vector<1x10240xf32> to vector<10240xf32>
    %add3A = arith.addf %get3A_2, %get3A_6 : vector<10240xf32>
    %add3A_7 = arith.constant 1.000000e+00 : f32
    %add3A_8 = vector.broadcast %add3A_7 : f32 to vector<10240xf32>
    %add3A_9 = arith.addf %add3A, %add3A_8 : vector<10240xf32>
    %rsqrt3A = math.rsqrt %add3A_9 : vector<10240xf32>
    %broadcast_in_dim3A = vector.shape_cast %rsqrt3A : vector<10240xf32> to vector<10240x1xf32>
    %broadcast_in_dim3A_10 = vector.broadcast %broadcast_in_dim3A : vector<10240x1xf32> to vector<10240x16xf32>
    %get3A_11 = arith.constant 0 : index
    %get3A_12 = arith.constant 0 : index
    %get3A_13 = arith.constant 0 : index
    %get3A_14 = vector.load %arg0[%get3A_11, %get3A_12, %get3A_13] : memref<2x10240x16xf32, #tpu.memory_space<vmem>>, vector<1x10240x16xf32>
    %get3A_15 = vector.shape_cast %get3A_14 : vector<1x10240x16xf32> to vector<10240x16xf32>
    %get3A_16 = arith.constant 1 : index
    %get3A_17 = arith.constant 0 : index
    %get3A_18 = arith.constant 0 : index
    %get3A_19 = vector.load %arg0[%get3A_16, %get3A_17, %get3A_18] : memref<2x10240x16xf32, #tpu.memory_space<vmem>>, vector<1x10240x16xf32>
    %get3A_20 = vector.shape_cast %get3A_19 : vector<1x10240x16xf32> to vector<10240x16xf32>
    %add3A_21 = arith.addf %get3A_15, %get3A_20 : vector<10240x16xf32>
    %get3A_22 = arith.constant 0 : index
    %get3A_23 = arith.constant 0 : index
    %get3A_24 = vector.load %arg1[%get3A_22, %get3A_23] : memref<10240x16xf32, #tpu.memory_space<vmem>>, vector<10240x16xf32>
    %add3A_25 = arith.addf %add3A_21, %get3A_24 : vector<10240x16xf32>
    %mul3A = arith.mulf %broadcast_in_dim3A_10, %add3A_25 : vector<10240x16xf32>
    %get3A_26 = arith.constant 0 : index
    %get3A_27 = arith.constant 0 : index
    %get3A_28 = vector.load %arg3[%get3A_26, %get3A_27] : memref<1x16xf32, #tpu.memory_space<vmem>>, vector<1x16xf32>
    %add3A_29 = vector.broadcast %get3A_28 : vector<1x16xf32> to vector<10240x16xf32>
    %add3A_30 = arith.addf %mul3A, %add3A_29 : vector<10240x16xf32>
    %max3A = arith.constant 0.000000e+00 : f32
    %max3A_31 = vector.broadcast %max3A : f32 to vector<10240x16xf32>
    %max3A_32 = arith.maximumf %add3A_30, %max3A_31 : vector<10240x16xf32>
    %get3A_33 = arith.constant 0 : index
    %get3A_34 = arith.constant 0 : index
    %get3A_35 = vector.load %arg4[%get3A_33, %get3A_34] : memref<1x16xf32, #tpu.memory_space<vmem>>, vector<1x16xf32>
    %mul3A_36 = vector.broadcast %get3A_35 : vector<1x16xf32> to vector<10240x16xf32>
    %mul3A_37 = arith.mulf %max3A_32, %mul3A_36 : vector<10240x16xf32>
    %reduce_sum3A = arith.constant dense<0.000000e+00> : vector<10240xf32>
    %reduce_sum3A_38 = vector.multi_reduction <add>, %mul3A_37, %reduce_sum3A [1] : vector<10240x16xf32> to vector<10240xf32>
    %mul3A_39 = arith.mulf %rsqrt3A, %reduce_sum3A_38 : vector<10240xf32>
    %swap3A = arith.constant 0 : index
    %swap3A_40 = vector.load %arg5[%swap3A] : memref<10240xf32, #tpu.memory_space<vmem>>, vector<10240xf32>
    tpu.vector_store %arg5[%swap3A], %mul3A_39 {strides = array<i32>} : memref<10240xf32, #tpu.memory_space<vmem>>, vector<10240xf32>,
    return
  }
}

module attributes {stable_mosaic.version = 14 : i64} {
  func.func @body(%arg0: memref<2x10240xf32, #tpu.memory_space<vmem>>, %arg1: memref<10240xf32, #tpu.memory_space<vmem>>, %arg2: memref<2x10240xf32, #tpu.memory_space<vmem>>, %arg3: memref<1xf32, #tpu.memory_space<vmem>>, %arg4: memref<10240xf32, #tpu.memory_space<vmem>>) attributes {dimension_semantics = [], scalar_prefetch = 0 : i64, scratch_operands = 0 : i64, tpu.core_type = #tpu.core_type<tc>} {
    %get3A = arith.constant 0 : index
    %get3A_0 = arith.constant 0 : index
    %get3A_1 = vector.load %arg2[%get3A, %get3A_0] : memref<2x10240xf32, #tpu.memory_space<vmem>>, vector<1x10240xf32>
    %get3A_2 = vector.shape_cast %get3A_1 : vector<1x10240xf32> to vector<10240xf32>
    %get3A_3 = arith.constant 1 : index
    %get3A_4 = arith.constant 0 : index
    %get3A_5 = vector.load %arg2[%get3A_3, %get3A_4] : memref<2x10240xf32, #tpu.memory_space<vmem>>, vector<1x10240xf32>
    %get3A_6 = vector.shape_cast %get3A_5 : vector<1x10240xf32> to vector<10240xf32>
    %add3A = arith.addf %get3A_2, %get3A_6 : vector<10240xf32>
    %add3A_7 = arith.constant 1.000000e+00 : f32
    %add3A_8 = vector.broadcast %add3A_7 : f32 to vector<10240xf32>
    %add3A_9 = arith.addf %add3A, %add3A_8 : vector<10240xf32>
    %rsqrt3A = math.rsqrt %add3A_9 : vector<10240xf32>
    %get3A_10 = arith.constant 0 : index
    %get3A_11 = arith.constant 0 : index
    %get3A_12 = vector.load %arg0[%get3A_10, %get3A_11] : memref<2x10240xf32, #tpu.memory_space<vmem>>, vector<1x10240xf32>
    %get3A_13 = vector.shape_cast %get3A_12 : vector<1x10240xf32> to vector<10240xf32>
    %get3A_14 = arith.constant 1 : index
    %get3A_15 = arith.constant 0 : index
    %get3A_16 = vector.load %arg0[%get3A_14, %get3A_15] : memref<2x10240xf32, #tpu.memory_space<vmem>>, vector<1x10240xf32>
    %get3A_17 = vector.shape_cast %get3A_16 : vector<1x10240xf32> to vector<10240xf32>
    %add3A_18 = arith.addf %get3A_13, %get3A_17 : vector<10240xf32>
    %get3A_19 = arith.constant 0 : index
    %get3A_20 = vector.load %arg1[%get3A_19] : memref<10240xf32, #tpu.memory_space<vmem>>, vector<10240xf32>
    %add3A_21 = arith.addf %add3A_18, %get3A_20 : vector<10240xf32>
    %mul3A = arith.mulf %rsqrt3A, %add3A_21 : vector<10240xf32>
    %get3A_22 = arith.constant 0 : index
    %get3A_23 = vector.load %arg3[%get3A_22] : memref<1xf32, #tpu.memory_space<vmem>>, vector<1xf32>
    %add3A_24 = vector.broadcast %get3A_23 : vector<1xf32> to vector<10240xf32>
    %add3A_25 = arith.addf %mul3A, %add3A_24 : vector<10240xf32>
    %logistic3A = arith.negf %add3A_25 : vector<10240xf32>
    %logistic3A_26 = math.exp %logistic3A : vector<10240xf32>
    %logistic3A_27 = arith.constant 1.000000e+00 : f32
    %logistic3A_28 = vector.broadcast %logistic3A_27 : f32 to vector<10240xf32>
    %logistic3A_29 = arith.addf %logistic3A_28, %logistic3A_26 : vector<10240xf32>
    %logistic3A_30 = arith.divf %logistic3A_28, %logistic3A_29 : vector<10240xf32>
    %swap3A = arith.constant 0 : index
    %swap3A_31 = vector.load %arg4[%swap3A] : memref<10240xf32, #tpu.memory_space<vmem>>, vector<10240xf32>
    tpu.vector_store %arg4[%swap3A], %logistic3A_30 {strides = array<i32>} : memref<10240xf32, #tpu.memory_space<vmem>>, vector<10240xf32>,
    return
  }
}

</mosaic_0001>

<sc_bundles>
// kernel: kernel.11.cloned.1.call-start
scs
__scs_entry_jumppad:
0x0: {  	(pc) =	sbr.rel $0x88, $3  }
0x1: {  	(tag) =	ssettag $0x0;
	lr =	simm.s32 $0x1  }
0x2: {  	[smem:$0x3F9B] =	sst lr;
	_ =	strace $0xD0000000  }
0x3: {  	_ = 	snop  }
0x4: {  	_ = 	snop  }
0x5: {  	_ = 	snop  }
0x6: {  	_ = 	snop  }
0x7: {  	_ = 	snop  }
__scs_overlays_trampoline_lowered:
0x8: {  	[smem:$0x3FAA] =	sst s0  }
0x9: {  	[smem:$0x3FAB] =	sst s1  }
0xa: {  	[smem:$0x3FAC] =	sst s2  }
0xb: {  	[smem:$0x3FAD] =	sst s3  }
0xc: {  	[smem:$0x3FAE] =	sst s4  }
0xd: {  	[smem:$0x3FAF] =	sst s5  }
0xe: {  	[smem:$0x3FB0] =	sst s6  }
0xf: {  	[smem:$0x3FB1] =	sst s7  }
0x10: {  	[smem:$0x3FB2] =	sst s8  }
0x11: {  	[smem:$0x3FB3] =	sst s9;
	s0 =	simm.s32 @!p0 $0x0  }
0x12: {  	s1 =	sld [smem:$0x3F99];
	s0 =	simm.s32 @p0 $0x1  }
0x13: {  	[smem:$0x3FB4] =	sst s0;
	s0 =	simm.s32 @!p1 $0x0  }
0x14: {  	s2 =	sld [smem:$0x3F98];
	s0 =	simm.s32 @p1 $0x1  }
0x15: {  	[smem:$0x3FB5] =	sst s0;
	s0 =	simm.s32 @!p2 $0x0  }
0x16: {  	s3 =	sld [smem:$0x3FDB];
	s0 =	simm.s32 @p2 $0x1  }
0x17: {  	s4 =	simm.s32 $0x1BF5;
	[smem:$0x3FB7] =	sst s0  }
0x18: {  	s0 =	sld [smem:$0x3F9A];
	_ =	swait.ge [sflag:s4], $0x0  }
0x19: {  	s7 =	sld [smem:$0x3F9B]  }
0x1a: {  	s8 =	sadd.s32 $0xFFFFE003, lr  }
0x1b: {  	s9 =	sadd.s32 $0xFFFFFEF7, lr;
	s5 =	simm.s32 $0xFFFFFFFF;
	p2 =	slt.u32 s8, $0xFFFFF086  }
0x1c: {  	p1 =	slt.u32 s9, $0xF7A;
	s5 =	simm.s32 @!p2 $0x0  }
0x1d: {  	s5 =	simm.s32 @p1 $0x1;
	p0 =	seq.s32 s7, s2  }
0x1e: {  	s7 =	smul.u32 @!p0 $0xF7A, s2;
	p2 =	seq.s32 @!p0 s5, $0x0  }
0x1f: {  	s9 =	smul.u32 $0xF7A, s1;
	s8 =	simm.s32 @!p0 $0x1BF5;
	p2 =	por !p2, p0  }
0x20: {  	[sflag:s8] =	ssyncset.s32 @!p0 $0xFFFFF086;
	s6 =	sadd.s32 @!p0 s3, s7;
	s7 =	simm.s32 @!p0 $0x108  }
0x21: {  	s3 =	sadd.s32 s3, s9;
	s6 =	sadd.s32 @!p0 $0x88, s6;
	s7 =	simm.s32 @p2 $0x1082  }
0x22: {  	[simem:s7], [sflag:s8] =	dma.local @!p0 [hbm:s6], $0xF7A  }
0x23: {  	s9 =	sor.u32 $0xD0000000, s2;
	s6 =	simm.s32 $0x108;
	_ =	swait.ge @!p0 [sflag:s8], $0x0  }
0x24: {  	s3 =	sadd.s32 $0x88, s3;
	s6 =	simm.s32 @!p1 $0x1082;
	[sflag:s4] =	ssyncset.s32 $0xFFFFF086  }
0x25: {  	[simem:s6], [sflag:s4] =	dma.local [hbm:s3], $0xF7A  }
0x26: {  	[smem:$0x3F9B] =	sst s1;
	(tag) =	ssettag s2;
	_ =	strace s9  }
0x27: {  	s1 =	sld [smem:$0x3FAB]  }
0x28: {  	s2 =	sld [smem:$0x3FAC]  }
0x29: {  	s4 =	sld [smem:$0x3FAE]  }
0x2a: {  	p0 =	seq.s32 s5, $0x0;
	s5 =	sld [smem:$0x3FAF]  }
0x2b: {  	s6 =	sld [smem:$0x3FB0]  }
0x2c: {  	s7 =	sld [smem:$0x3FB1]  }
0x2d: {  	s3 =	simm.s32 $0x108;
	s8 =	sld [smem:$0x3FB2]  }
0x2e: {  	s3 =	simm.s32 @!p0 $0x1082;
	s9 =	sld [smem:$0x3FB3]  }
0x2f: {  	lr =	sadd.s32 s0, s3;
	s0 =	sld [smem:$0x3FAA]  }
0x30: {  	s3 =	sld [smem:$0x3FAD]  }
0x31: {  	[smem:$0x3FB6] =	sst s10  }
0x32: {  	s10 =	sld [smem:$0x3FB4];
	_ =	sdelay $0x3  }
0x33: {  	p0 =	seq.s32 s10, $0x1;
	s10 =	sld [smem:$0x3FB6];
	_ =	sdelay $0x3  }
0x34: {  	[smem:$0x3FB6] =	sst s10  }
0x35: {  	s10 =	sld [smem:$0x3FB5];
	_ =	sdelay $0x3  }
0x36: {  	p1 =	seq.s32 s10, $0x1;
	s10 =	sld [smem:$0x3FB6];
	_ =	sdelay $0x3  }
0x37: {  	[smem:$0x3FB6] =	sst s10  }
0x38: {  	s10 =	sld [smem:$0x3FB7]  }
0x39: {  	_ = 	snop;
	(pc) =	sbr.ind lr, $3  }
0x3a: {  	_ = 	snop  }
0x3b: {  	_ = 	snop  }
0x3c: {  	p2 =	seq.s32 s10, $0x1;
	s10 =	sld [smem:$0x3FB6]  }
0x3d: {  	_ =	shalt  }
0x3e: {  	_ =	shalt  }
0x3f: {  	_ =	shalt  }
0x40: {  	_ =	shalt  }
0x41: {  	_ =	shalt  }
0x42: {  	_ =	shalt  }
0x43: {  	_ =	shalt  }
0x44: {  	_ =	shalt  }
0x45: {  	_ =	shalt  }
0x46: {  	_ =	shalt  }
0x47: {  	_ =	shalt  }
0x48: {  	_ =	shalt  }
0x49: {  	_ =	shalt  }
0x4a: {  	_ =	shalt  }
0x4b: {  	_ =	shalt  }
0x4c: {  	_ =	shalt  }
0x4d: {  	_ =	shalt  }
0x4e: {  	_ =	shalt  }
0x4f: {  	_ =	shalt  }
0x50: {  	_ =	shalt  }
0x51: {  	_ =	shalt  }
0x52: {  	_ =	shalt  }
0x53: {  	_ =	shalt  }
0x54: {  	_ =	shalt  }
0x55: {  	_ =	shalt  }
0x56: {  	_ =	shalt  }
0x57: {  	_ =	shalt  }
0x58: {  	_ =	shalt  }
0x59: {  	_ =	shalt  }
0x5a: {  	_ =	shalt  }
0x5b: {  	_ =	shalt  }
0x5c: {  	_ =	shalt  }
0x5d: {  	_ =	shalt  }
0x5e: {  	_ =	shalt  }
0x5f: {  	_ =	shalt  }
0x60: {  	_ =	shalt  }
0x61: {  	_ =	shalt  }
0x62: {  	_ =	shalt  }
0x63: {  	_ =	shalt  }
0x64: {  	_ =	shalt  }
0x65: {  	_ =	shalt  }
0x66: {  	_ =	shalt  }
0x67: {  	_ =	shalt  }
0x68: {  	_ =	shalt  }
0x69: {  	_ =	shalt  }
0x6a: {  	_ =	shalt  }
0x6b: {  	_ =	shalt  }
0x6c: {  	_ =	shalt  }
0x6d: {  	_ =	shalt  }
0x6e: {  	_ =	shalt  }
0x6f: {  	_ =	shalt  }
0x70: {  	_ =	shalt  }
0x71: {  	_ =	shalt  }
0x72: {  	_ =	shalt  }
0x73: {  	_ =	shalt  }
0x74: {  	_ =	shalt  }
0x75: {  	_ =	shalt  }
0x76: {  	_ =	shalt  }
0x77: {  	_ =	shalt  }
0x78: {  	_ =	shalt  }
0x79: {  	_ =	shalt  }
0x7a: {  	_ =	shalt  }
0x7b: {  	_ =	shalt  }
0x7c: {  	_ =	shalt  }
0x7d: {  	_ =	shalt  }
0x7e: {  	_ =	shalt  }
0x7f: {  	_ =	shalt  }
0x80: {  	_ =	shalt  }
0x81: {  	_ =	shalt  }
0x82: {  	_ =	shalt  }
0x83: {  	_ =	shalt  }
0x84: {  	_ =	shalt  }
0x85: {  	_ =	shalt  }
0x86: {  	_ =	shalt  }
0x87: {  	_ =	shalt  }
.Lfunc_end0:
.L_simem_size_0:
called_computation.1_lowered:
.L_overlay_start_0:
0x88: {  	s2 =	sld [smem:$0x3FD9]  }
0x89: {  	s3 =	sld [smem:$0x3FFE];
	_ =	sdelay $0x1  }
0x8a: {  	s1 =	srdreg.scid  }
0x8b: {  	s0 =	sand.u32 $0x1, s1  }
0x8c: {  	s16 =	sshll.u32 s0, $0xA;
	s2 =	sadd.s32 s3, s2  }
0x8d: {  	s2 =	sadd.s32 s2, s16  }
0x8e: {  	[smem:$0x3FC2] =	sst s2  }
0x8f: {  	_ = 	snop  }
0x90: {  	(tm) =	ssettm $0x1  }
0x91: {  	s17 =	sld [smem:$0x3FFB];
	_ =	sdelay $0x3  }
0x92: {  	_ =	strace s17  }
0x93: {  	s2 =	sld [smem:$0x3FFC];
	_ =	sdelay $0x3  }
0x94: {  	_ =	strace s2  }
0x95: {  	s2 =	sld [smem:$0x3FFD];
	_ =	sdelay $0x3  }
0x96: {  	_ =	strace s2  }
0x97: {  	_ =	strace $0x8FFFFFFF  }
0x98: {  	s18 =	sld [smem:$0x3FDB];
	_ =	sdelay $0x1  }
0x99: {  	s19 =	simm.s32 $_scs_section_size  }
0x9a: {  	s4 =	simm.s32 $_size__tile_overlayer_lowered;
	s5 =	simm.s32 $_tile_overlayer_lowered  }
0x9b: {  	s22 =	simm.s32 $0x1BFF;
	s21 =	sshll.u32 s5, $0x1;
	s2 =	sadd.s32 s19, s18  }
0x9c: {  	s6 =	simm.s32 $0x0;
	s20 =	sshll.u32 s4, $0x1;
	s4 =	sadd.s32 s21, s2  }
0x9d: {  	[timem:s6], [sflag:s22] =	dma.local [hbm:s4], s20  }
0x9e: {  	_ =	swait.ge [sflag:s22], s20  }
0x9f: {  	s3 =	ssub.s32 $0x0, s20;
	[sflag:s22] =	ssyncset.done $0x0  }
0xa0: {  	[sflag:s22] =	ssyncadd.s32 s3;
	_ =	sdelay $0x1  }
0xa1: {  	s23 =	simm.s32 $0x1B8B  }
0xa2: {  	_ =	swait.ge [sflag:s23], $0x1  }
0xa3: {  	[sflag:s23] =	ssyncset.done $0x0  }
0xa4: {  	s25 =	simm.s32 $0x1B8E;
	s24 =	sld [smem:$0x3FFE];
	[sflag:s23] =	ssyncadd.s32 $0xFFFFFFFF  }
0xa5: {  	s26 =	simm.s32 $execute0_lowered;
	[smem:$0x3FD2] =	sst s25  }
0xa6: {  	s4 =	sshll.u32 s26, $0x1;
	_ =	strace $0x80000049;
	[dreg:$0x1] =	wrdreg $0xFFFFFFFF  }
0xa7: {  	s28 =	simm.s32 $_size_execute0_lowered;
	s2 =	sadd.s32 s2, s4;
	[dreg:$0x0] =	wrdreg $0x0  }
0xa8: {  	s4 =	sshll.u32 s28, $0x1;
	[dreg:$0x2] =	wrdreg s2  }
0xa9: {  	[dreg:$0x3] =	wrdreg s4  }
0xaa: {  	[dreg:$0x4] =	wrdreg $0xC0  }
0xab: {  	_ =	task [dreg:s6], $0x5FFFF  }
0xac: {  	[dreg:$0x1] =	wrdreg $0xFFFFFFFF  }
0xad: {  	[dreg:$0x0] =	wrdreg $0x60  }
0xae: {  	[dreg:$0x2] =	wrdreg s24  }
0xaf: {  	[dreg:$0x3] =	wrdreg $0x13D000  }
0xb0: {  	[dreg:$0x4] =	wrdreg $0x115000  }
0xb1: {  	[dreg:$0x5] =	wrdreg $0x9  }
0xb2: {  	_ =	task.clear_ibuf [dreg:s6], $0x6FFFF;
	_ =	strace $0x90000049  }
0xb3: {  	s29 =	simm.s32 $0x9;
	_ =	strace $0x8000004B  }
0xb4: {  	_ =	swait.ge [sflag:s29], $0x1  }
0xb5: {  	[sflag:s29] =	ssyncadd.s32 $0xFFFFFFFF  }
0xb6: {  	_ =	strace $0x9000004B  }
0xb7: {  	_ =	sfence  }
0xb8: {  	s30 =	sld [smem:$0x0];
	_ =	sdelay $0x2  }
0xb9: {  	s31 =	sshll.u32 s1, $0xD;
	s1 =	sshrl.u32 s1, $0x2  }
0xba: {  	s3 =	sand.u32 $0x4000, s31;
	s1 =	sadd.s32 s1, s30  }
0xbb: {  	s0 =	sor.u32 s3, s0;
	s1 =	sshll.u32 s1, $0x11  }
0xbc: {  	s0 =	sor.u32 s1, s0  }
0xbd: {  	s0 =	sadd.s32 $0x8F2B, s0  }
0xbe: {  	[sflag:s0] =	ssyncadd.remote.s32 $0x1  }
0xbf: {  	_ =	sfence.sel $0xFFFF  }
0xc0: {  	[dreg:$0x0] =	wrdreg $0xFFFFFFFF;
	(pc) =	sbr.abs _section_cstart, $3  }
0xc1: {  	[dreg:$0x1] =	wrdreg $0xFFFFFFFF  }
0xc2: {  	_ =	task.clear_ibuf [dreg:s6], $0x2FFFF;
	_ =	strace $0x9FFFFFFF  }
0xc3: {  	(tm) =	ssettm $0x7FFFFFFF  }
tec
execute0_lowered:
.L_overlay_start_1:
0x0: {  	(tag) =	ssettag $0x1  }
0x1: {  	s0 =	rddreg [dreg:$0x0]  }
0x2: {  	s1 =	rddreg [dreg:$0x1]  }
0x3: {  	s3 =	rddreg [dreg:$0x2];
	s4 =	simm.s32 $0x0  }
0x4: {  	s14 =	stileid.u32;
	s5 =	srdreg.scid;
	s15 =	simm.s32 $0x3  }
0x5: {  	s16 =	simm.s32 $0x2780;
	s17 =	simm.s32 $0x4F0;
	s18 =	simm.s32 $0x4F00  }
0x6: {  	s19 =	simm.s32 $0x9E00;
	s20 =	simm.s32 $0x1;
	s22 =	simm.s32 $0x2  }
0x7: {  	s24 =	simm.s32 $0x4E0;
	s21 =	simm.s32 $0x1D40;
	s23 =	simm.s32 $0x3FE0  }
0x8: {  	s25 =	simm.s32 $0x2220;
	s26 =	simm.s32 $0x44C0;
	s28 =	simm.s32 $0x49A0  }
0x9: {  	s29 =	simm.s32 $0x0;
	[smem:$0x7FF] =	sst s4;
	s2 =	smul.u32 $0x2800, s14  }
0xa: {  	s5 =	sand.u32 $0x1, s5;
	s8 =	sshll.u32 s14, $0x1;
	s9 =	sadd.s32 $0x1E00, s0  }
0xb: {  	p0 =	sgt.u32 s14, $0x1;
	s14 =	simm.s32 $0xED00;
	_ =	strace $0x8000004A  }
0xc: {  	s7 =	smul.u32 $0x28000, s5;
	s8 =	sor.u32 s5, s8;
	s5 =	ssub.s32 $0x2, s5  }
0xd: {  	s6 =	sshrl.u32 s2, $0x3;
	s10 =	smul.u32 $0x2780, s8;
	s11 =	sshrl.u32 s5, $0x1  }
0xe: {  	s8 =	smul.u32 $0x2700, s8;
	s6 =	sadd.s32 s6, s0;
	s7 =	sadd.s32 s2, s7  }
0xf: {  	s13 =	ssub.s32 s5, s11;
	s5 =	sadd.s32 s2, s1;
	s7 =	sshrl.u32 s7, $0x3  }
.Ltmp0:
0x10: {  	s6 =	sadd.s32 $0x15800, s6;
	s8 =	sshrl.u32 s8, $0x3;
	(pc) =	sbr.rel .LBB2_1-.Ltmp0, $4  }
0x11: {  	s10 =	sshrl.u32 s10, $0x3;
	s13 =	smax.u32 s13, $0x1;
	s0 =	sadd.s32 s7, s0  }
0x12: {  	s7 =	sadd.s32 s2, s3;
	s31 =	sadd.s32 s9, s8;
	s8 =	sadd.s32 s9, s10  }
0x13: {  	s2 =	simm.s32 $0x3B00;
	s9 =	sadd.s32 $0x40, s31;
	s10 =	sadd.s32 $0x9C80, s31  }
0x14: {  	v0 =	vimm.f32 $0.0e+00;
	s11 =	sadd.s32 $0x9C40, s8;
	s12 =	sadd.s32 $0x1A800, s0;
	s0 =	simm.s32 $0x1860  }
.LBB2_5:
0x15: {  	[tilespmem:s4], [sflag:$0x3] =	stream.linear.gather [hbm4b:s9+s4], $0x2700, $0x38;
	[tilespmem:$0x16500] =	vst v63  }
0x16: {  	_ =	swait.ge [sflag:s15], $0x2700  }
0x17: {  	[sflag:s15] =	ssyncset.done $0x0  }
0x18: {  	[sflag:s15] =	ssyncadd.s32 $0xFFFFD900  }
0x19: {  	[tilespmem:s16], [sflag:$0x3] =	stream.linear.gather [hbm4b:s10+s4], $0x2700, $0x38;
	[tilespmem:$0x16500] =	vst v63  }
0x1a: {  	_ =	swait.ge [sflag:s15], $0x2700  }
0x1b: {  	[sflag:s15] =	ssyncset.done $0x0  }
0x1c: {  	[sflag:s15] =	ssyncadd.s32 $0xFFFFD900  }
0x1d: {  	[bflag:$0x0] =	sbarrier.arrive $0xFFFF  }
0x1e: {  	[tilespmem:s18], [sflag:$0x1] =	stream.indirect.gather [spmem:s3], $0x10, s4, s24, $0xb8;
	[tilespmem:$0x16500] =	vst v63  }
0x1f: {  	_ = 	snop  }
0x20: {  	[tilespmem:s19], [sflag:$0x2] =	stream.indirect.gather [spmem:s3], $0x10, s24, s24, $0xb8;
	[tilespmem:$0x16500] =	vst v63  }
0x21: {  	_ =	swait.ge [sflag:s20], $0x4E00  }
0x22: {  	[sflag:s20] =	ssyncset.done $0x0  }
0x23: {  	[sflag:s20] =	ssyncadd.s32 $0xFFFFB200  }
0x24: {  	[spmem:s1] =	stream.indirect.scatter.add.f32 [tilespmem:s18], [sflag:$0x3], $0x10, s16, s24, $0xb8;
	[tilespmem:$0x16500] =	vst v63  }
0x25: {  	_ =	swait.ge [sflag:s15], $0x4E00  }
0x26: {  	[sflag:s15] =	ssyncset.done $0x0  }
0x27: {  	s30 =	simm.s32 $0x9C0;
	[sflag:s15] =	ssyncadd.s32 $0xFFFFB200  }
0x28: {  	[tilespmem:s18], [sflag:$0x1] =	stream.indirect.gather [spmem:s3], $0x10, s30, s24, $0xb8;
	[tilespmem:$0x16500] =	vst v63  }
0x29: {  	_ =	swait.ge [sflag:s22], $0x4E00  }
0x2a: {  	[sflag:s22] =	ssyncset.done $0x0  }
0x2b: {  	s31 =	simm.s32 $0x2C60;
	[sflag:s22] =	ssyncadd.s32 $0xFFFFB200  }
0x2c: {  	[spmem:s1] =	stream.indirect.scatter.add.f32 [tilespmem:s19], [sflag:$0x3], $0x10, s31, s24, $0xb8;
	[tilespmem:$0x16500] =	vst v63  }
0x2d: {  	_ =	swait.ge [sflag:s15], $0x4E00  }
0x2e: {  	[sflag:s15] =	ssyncset.done $0x0  }
0x2f: {  	s31 =	simm.s32 $0xEA0;
	[sflag:s15] =	ssyncadd.s32 $0xFFFFB200  }
0x30: {  	[tilespmem:s19], [sflag:$0x2] =	stream.indirect.gather [spmem:s3], $0x10, s31, s24, $0xb8;
	[tilespmem:$0x16500] =	vst v63  }
0x31: {  	_ =	swait.ge [sflag:s20], $0x4E00  }
0x32: {  	[sflag:s20] =	ssyncset.done $0x0  }
0x33: {  	s31 =	simm.s32 $0x3140;
	[sflag:s20] =	ssyncadd.s32 $0xFFFFB200  }
0x34: {  	[spmem:s1] =	stream.indirect.scatter.add.f32 [tilespmem:s18], [sflag:$0x3], $0x10, s31, s24, $0xb8;
	[tilespmem:$0x16500] =	vst v63  }
0x35: {  	_ =	swait.ge [sflag:s15], $0x4E00  }
0x36: {  	[sflag:s15] =	ssyncset.done $0x0  }
0x37: {  	s31 =	simm.s32 $0x1380;
	[sflag:s15] =	ssyncadd.s32 $0xFFFFB200  }
0x38: {  	[tilespmem:s18], [sflag:$0x1] =	stream.indirect.gather [spmem:s3], $0x10, s31, s24, $0xb8;
	[tilespmem:$0x16500] =	vst v63  }
0x39: {  	_ =	swait.ge [sflag:s22], $0x4E00  }
0x3a: {  	[sflag:s22] =	ssyncset.done $0x0  }
0x3b: {  	s31 =	simm.s32 $0x3620;
	[sflag:s22] =	ssyncadd.s32 $0xFFFFB200  }
0x3c: {  	[spmem:s1] =	stream.indirect.scatter.add.f32 [tilespmem:s19], [sflag:$0x3], $0x10, s31, s24, $0xb8;
	[tilespmem:$0x16500] =	vst v63  }
0x3d: {  	_ =	swait.ge [sflag:s15], $0x4E00  }
0x3e: {  	[sflag:s15] =	ssyncset.done $0x0  }
0x3f: {  	[sflag:s15] =	ssyncadd.s32 $0xFFFFB200  }
0x40: {  	[tilespmem:s19], [sflag:$0x2] =	stream.indirect.gather [spmem:s3], $0x10, s0, s24, $0xb8;
	[tilespmem:$0x16500] =	vst v63  }
0x41: {  	_ =	swait.ge [sflag:s20], $0x4E00  }
0x42: {  	[sflag:s20] =	ssyncset.done $0x0  }
0x43: {  	[sflag:s20] =	ssyncadd.s32 $0xFFFFB200  }
0x44: {  	[spmem:s1] =	stream.indirect.scatter.add.f32 [tilespmem:s18], [sflag:$0x3], $0x10, s2, s24, $0xb8;
	[tilespmem:$0x16500] =	vst v63  }
0x45: {  	_ =	swait.ge [sflag:s15], $0x4E00  }
0x46: {  	[sflag:s15] =	ssyncset.done $0x0  }
0x47: {  	[sflag:s15] =	ssyncadd.s32 $0xFFFFB200  }
0x48: {  	[tilespmem:s18], [sflag:$0x1] =	stream.indirect.gather [spmem:s3], $0x10, s21, s24, $0xb8;
	[tilespmem:$0x16500] =	vst v63  }
0x49: {  	_ =	swait.ge [sflag:s22], $0x4E00  }
0x4a: {  	[sflag:s22] =	ssyncset.done $0x0  }
0x4b: {  	[sflag:s22] =	ssyncadd.s32 $0xFFFFB200  }
0x4c: {  	[spmem:s1] =	stream.indirect.scatter.add.f32 [tilespmem:s19], [sflag:$0x3], $0x10, s23, s24, $0xb8;
	[tilespmem:$0x16500] =	vst v63  }
0x4d: {  	_ =	swait.ge [sflag:s15], $0x4E00  }
0x4e: {  	[sflag:s15] =	ssyncset.done $0x0  }
0x4f: {  	[sflag:s15] =	ssyncadd.s32 $0xFFFFB200  }
0x50: {  	[tilespmem:s19], [sflag:$0x2] =	stream.indirect.gather [spmem:s3], $0x10, s25, s24, $0xb8;
	[tilespmem:$0x16500] =	vst v63  }
0x51: {  	_ =	swait.ge [sflag:s20], $0x4E00  }
0x52: {  	[sflag:s20] =	ssyncset.done $0x0  }
0x53: {  	[sflag:s20] =	ssyncadd.s32 $0xFFFFB200  }
0x54: {  	[spmem:s1] =	stream.indirect.scatter.add.f32 [tilespmem:s18], [sflag:$0x3], $0x10, s26, s24, $0xb8;
	[tilespmem:$0x16500] =	vst v63  }
0x55: {  	_ =	swait.ge [sflag:s15], $0x4E00  }
0x56: {  	[sflag:s15] =	ssyncset.done $0x0  }
0x57: {  	[sflag:s15] =	ssyncadd.s32 $0xFFFFB200  }
0x58: {  	_ =	swait.ge [sflag:s22], $0x4E00  }
0x59: {  	[sflag:s22] =	ssyncset.done $0x0  }
0x5a: {  	[sflag:s22] =	ssyncadd.s32 $0xFFFFB200  }
0x5b: {  	[spmem:s1] =	stream.indirect.scatter.add.f32 [tilespmem:s19], [sflag:$0x3], $0x10, s28, s24, $0xb8;
	[tilespmem:$0x16500] =	vst v63  }
0x5c: {  	_ =	swait.ge [sflag:s15], $0x4E00  }
0x5d: {  	[sflag:s15] =	ssyncset.done $0x0  }
0x5e: {  	[sflag:s15] =	ssyncadd.s32 $0xFFFFB200  }
.LBB2_6:
0x5f: {  	[bflag:$0x0] =	sbarrier.arrive $0xFFFF  }
0x60: {  	[tilespmem:s14], [sflag:$0x3] =	stream.linear.gather [spmem:s5], $0x2800, $0x38;
	[tilespmem:$0x16500] =	vst v63  }
0x61: {  	s29 =	sadd.s32 $0x1, s29;
	_ =	swait.ge [sflag:s15], $0x2800  }
0x62: {  	p1 =	sne.s32 s29, s13;
	[sflag:s15] =	ssyncset.done $0x0  }
.Ltmp1:
0x63: {  	[sflag:s15] =	ssyncadd.s32 $0xFFFFD800;
	(pc) =	sbr.rel @!p1 .LBB2_7-.Ltmp1, $4  }
0x64: {  	[hbm4b:s12+s4] =	stream.linear.scatter [tilespmem:s14], [sflag:$0x3], $0x2800, $0x38;
	[tilespmem:$0x16500] =	vst v63  }
0x65: {  	_ =	swait.ge [sflag:s15], $0x2800  }
0x66: {  	[sflag:s15] =	ssyncset.done $0x0  }
0x67: {  	[sflag:s15] =	ssyncadd.s32 $0xFFFFD800  }
.LBB2_1:
0x68: {  	s30 =	simm.s32 $0x40;
	s31 =	simm.s32 $0x0  }
.LBB2_2:
0x69: {  	p1 =	sne.s32 s30, $0x9FC0;
	[tilespmem:s31+$0xED00] =	vst v0;
	s31 =	smov.u32 s30;
	s30 =	sadd.s32 $0x40, s30  }
.Ltmp2:
0x6a: {  	(pc) =	sbr.rel @p1 .LBB2_2-.Ltmp2, $2  }
0x6b: {  	_ =	sdelay $0x2  }
0x6c: {  	s31 =	sshra.s32 s31, $0x2  }
0x6d: {  	[tilespmem:s31+$0xED00] =	vst v0  }
0x6e: {  	[spmem:s5] =	stream.linear.scatter [tilespmem:s14], [sflag:$0x3], $0x2800, $0x38;
	[tilespmem:$0x16500] =	vst v63  }
0x6f: {  	_ =	swait.ge [sflag:s15], $0x2800  }
0x70: {  	[sflag:s15] =	ssyncset.done $0x0  }
0x71: {  	[sflag:s15] =	ssyncadd.s32 $0xFFFFD800  }
0x72: {  	[tilespmem:s14], [sflag:$0x3] =	stream.linear.gather [hbm4b:s6+s4], $0x2800, $0x38;
	[tilespmem:$0x16500] =	vst v63  }
0x73: {  	_ =	swait.ge [sflag:s15], $0x2800  }
0x74: {  	[sflag:s15] =	ssyncset.done $0x0  }
.Ltmp3:
0x75: {  	[sflag:s15] =	ssyncadd.s32 $0xFFFFD800;
	(pc) =	sbr.rel @p0 .LBB2_5-.Ltmp3, $4  }
0x76: {  	[spmem:s7] =	stream.linear.scatter [tilespmem:s14], [sflag:$0x3], $0x2800, $0x38;
	[tilespmem:$0x16500] =	vst v63  }
0x77: {  	_ =	swait.ge [sflag:s15], $0x2800  }
0x78: {  	[sflag:s15] =	ssyncset.done $0x0  }
0x79: {  	[sflag:s15] =	ssyncadd.s32 $0xFFFFD800  }
0x7a: {  	[tilespmem:s4], [sflag:$0x3] =	stream.linear.gather [hbm4b:s8+s4], $0x2780, $0x38;
	[tilespmem:$0x16500] =	vst v63  }
0x7b: {  	_ =	swait.ge [sflag:s15], $0x2780  }
0x7c: {  	[sflag:s15] =	ssyncset.done $0x0  }
0x7d: {  	[sflag:s15] =	ssyncadd.s32 $0xFFFFD880  }
0x7e: {  	[tilespmem:s16], [sflag:$0x3] =	stream.linear.gather [hbm4b:s11+s4], $0x2780, $0x38;
	[tilespmem:$0x16500] =	vst v63  }
0x7f: {  	_ =	swait.ge [sflag:s15], $0x2780  }
0x80: {  	[sflag:s15] =	ssyncset.done $0x0  }
0x81: {  	[sflag:s15] =	ssyncadd.s32 $0xFFFFD880  }
0x82: {  	[bflag:$0x0] =	sbarrier.arrive $0xFFFF  }
0x83: {  	[tilespmem:s18], [sflag:$0x1] =	stream.indirect.gather [spmem:s3], $0x10, s4, s17, $0xb8;
	[tilespmem:$0x16500] =	vst v63  }
0x84: {  	_ = 	snop  }
0x85: {  	[tilespmem:s19], [sflag:$0x2] =	stream.indirect.gather [spmem:s3], $0x10, s17, s17, $0xb8;
	[tilespmem:$0x16500] =	vst v63  }
0x86: {  	_ =	swait.ge [sflag:s20], $0x4F00  }
0x87: {  	[sflag:s20] =	ssyncset.done $0x0  }
0x88: {  	[sflag:s20] =	ssyncadd.s32 $0xFFFFB100  }
0x89: {  	[spmem:s1] =	stream.indirect.scatter.add.f32 [tilespmem:s18], [sflag:$0x3], $0x10, s16, s17, $0xb8;
	[tilespmem:$0x16500] =	vst v63  }
0x8a: {  	_ =	swait.ge [sflag:s15], $0x4F00  }
0x8b: {  	[sflag:s15] =	ssyncset.done $0x0  }
0x8c: {  	s30 =	simm.s32 $0x9E0;
	[sflag:s15] =	ssyncadd.s32 $0xFFFFB100  }
0x8d: {  	[tilespmem:s18], [sflag:$0x1] =	stream.indirect.gather [spmem:s3], $0x10, s30, s17, $0xb8;
	[tilespmem:$0x16500] =	vst v63  }
0x8e: {  	_ =	swait.ge [sflag:s22], $0x4F00  }
0x8f: {  	[sflag:s22] =	ssyncset.done $0x0  }
0x90: {  	s31 =	simm.s32 $0x2C70;
	[sflag:s22] =	ssyncadd.s32 $0xFFFFB100  }
0x91: {  	[spmem:s1] =	stream.indirect.scatter.add.f32 [tilespmem:s19], [sflag:$0x3], $0x10, s31, s17, $0xb8;
	[tilespmem:$0x16500] =	vst v63  }
0x92: {  	_ =	swait.ge [sflag:s15], $0x4F00  }
0x93: {  	[sflag:s15] =	ssyncset.done $0x0  }
0x94: {  	s31 =	simm.s32 $0xED0;
	[sflag:s15] =	ssyncadd.s32 $0xFFFFB100  }
0x95: {  	[tilespmem:s19], [sflag:$0x2] =	stream.indirect.gather [spmem:s3], $0x10, s31, s17, $0xb8;
	[tilespmem:$0x16500] =	vst v63  }
0x96: {  	_ =	swait.ge [sflag:s20], $0x4F00  }
0x97: {  	[sflag:s20] =	ssyncset.done $0x0  }
0x98: {  	s31 =	simm.s32 $0x3160;
	[sflag:s20] =	ssyncadd.s32 $0xFFFFB100  }
0x99: {  	[spmem:s1] =	stream.indirect.scatter.add.f32 [tilespmem:s18], [sflag:$0x3], $0x10, s31, s17, $0xb8;
	[tilespmem:$0x16500] =	vst v63  }
0x9a: {  	_ =	swait.ge [sflag:s15], $0x4F00  }
0x9b: {  	[sflag:s15] =	ssyncset.done $0x0  }
0x9c: {  	s31 =	simm.s32 $0x13C0;
	[sflag:s15] =	ssyncadd.s32 $0xFFFFB100  }
0x9d: {  	[tilespmem:s18], [sflag:$0x1] =	stream.indirect.gather [spmem:s3], $0x10, s31, s17, $0xb8;
	[tilespmem:$0x16500] =	vst v63  }
0x9e: {  	_ =	swait.ge [sflag:s22], $0x4F00  }
0x9f: {  	[sflag:s22] =	ssyncset.done $0x0  }
0xa0: {  	s31 =	simm.s32 $0x3650;
	[sflag:s22] =	ssyncadd.s32 $0xFFFFB100  }
0xa1: {  	[spmem:s1] =	stream.indirect.scatter.add.f32 [tilespmem:s19], [sflag:$0x3], $0x10, s31, s17, $0xb8;
	[tilespmem:$0x16500] =	vst v63  }
0xa2: {  	_ =	swait.ge [sflag:s15], $0x4F00  }
0xa3: {  	[sflag:s15] =	ssyncset.done $0x0  }
0xa4: {  	s31 =	simm.s32 $0x18B0;
	[sflag:s15] =	ssyncadd.s32 $0xFFFFB100  }
0xa5: {  	[tilespmem:s19], [sflag:$0x2] =	stream.indirect.gather [spmem:s3], $0x10, s31, s17, $0xb8;
	[tilespmem:$0x16500] =	vst v63  }
0xa6: {  	_ =	swait.ge [sflag:s20], $0x4F00  }
0xa7: {  	[sflag:s20] =	ssyncset.done $0x0  }
0xa8: {  	s31 =	simm.s32 $0x3B40;
	[sflag:s20] =	ssyncadd.s32 $0xFFFFB100  }
0xa9: {  	[spmem:s1] =	stream.indirect.scatter.add.f32 [tilespmem:s18], [sflag:$0x3], $0x10, s31, s17, $0xb8;
	[tilespmem:$0x16500] =	vst v63  }
0xaa: {  	_ =	swait.ge [sflag:s15], $0x4F00  }
0xab: {  	[sflag:s15] =	ssyncset.done $0x0  }
0xac: {  	s31 =	simm.s32 $0x1DA0;
	[sflag:s15] =	ssyncadd.s32 $0xFFFFB100  }
0xad: {  	[tilespmem:s18], [sflag:$0x1] =	stream.indirect.gather [spmem:s3], $0x10, s31, s17, $0xb8;
	[tilespmem:$0x16500] =	vst v63  }
0xae: {  	_ =	swait.ge [sflag:s22], $0x4F00  }
0xaf: {  	[sflag:s22] =	ssyncset.done $0x0  }
0xb0: {  	s31 =	simm.s32 $0x4030;
	[sflag:s22] =	ssyncadd.s32 $0xFFFFB100  }
0xb1: {  	[spmem:s1] =	stream.indirect.scatter.add.f32 [tilespmem:s19], [sflag:$0x3], $0x10, s31, s17, $0xb8;
	[tilespmem:$0x16500] =	vst v63  }
0xb2: {  	_ =	swait.ge [sflag:s15], $0x4F00  }
0xb3: {  	[sflag:s15] =	ssyncset.done $0x0  }
0xb4: {  	s31 =	simm.s32 $0x2290;
	[sflag:s15] =	ssyncadd.s32 $0xFFFFB100  }
0xb5: {  	[tilespmem:s19], [sflag:$0x2] =	stream.indirect.gather [spmem:s3], $0x10, s31, s17, $0xb8;
	[tilespmem:$0x16500] =	vst v63  }
0xb6: {  	_ =	swait.ge [sflag:s20], $0x4F00  }
0xb7: {  	[sflag:s20] =	ssyncset.done $0x0  }
0xb8: {  	s31 =	simm.s32 $0x4520;
	[sflag:s20] =	ssyncadd.s32 $0xFFFFB100  }
0xb9: {  	[spmem:s1] =	stream.indirect.scatter.add.f32 [tilespmem:s18], [sflag:$0x3], $0x10, s31, s17, $0xb8;
	[tilespmem:$0x16500] =	vst v63  }
0xba: {  	_ =	swait.ge [sflag:s15], $0x4F00  }
0xbb: {  	[sflag:s15] =	ssyncset.done $0x0  }
0xbc: {  	[sflag:s15] =	ssyncadd.s32 $0xFFFFB100  }
0xbd: {  	_ =	swait.ge [sflag:s22], $0x4F00  }
0xbe: {  	[sflag:s22] =	ssyncset.done $0x0  }
.Ltmp4:
0xbf: {  	s31 =	simm.s32 $0x4A10;
	[sflag:s22] =	ssyncadd.s32 $0xFFFFB100;
	(pc) =	sbr.rel .LBB2_6-.Ltmp4, $4  }
0xc0: {  	[spmem:s1] =	stream.indirect.scatter.add.f32 [tilespmem:s19], [sflag:$0x3], $0x10, s31, s17, $0xb8;
	[tilespmem:$0x16500] =	vst v63  }
0xc1: {  	_ =	swait.ge [sflag:s15], $0x4F00  }
0xc2: {  	[sflag:s15] =	ssyncset.done $0x0  }
0xc3: {  	[sflag:s15] =	ssyncadd.s32 $0xFFFFB100  }
.LBB2_7:
0xc4: {  	_ =	sfence.sel $0x180000  }
0xc5: {  	[bflag:$0x0] =	sbarrier.arrive $0xFFFF  }
0xc6: {  	_ =	strace $0x9000004A  }
0xc7: {  	s0 =	stileid.u32;
	[bflag:$0x2] =	sbarrier.arrive $0xFFFF  }
0xc8: {  	p0 =	sne.s32 s0, $0x0;
	s0 =	rddreg [dreg:$0x3]  }
0xc9: {  	s0 =	sadd.s32 @!p0 $0x100000, s0  }
0xca: {  	[sflag:s0] =	ssyncadd.tile.s32 @!p0 $0x1;
	_ =	shalt  }
.Lfunc_end2:
_tile_overlayer_lowered:
.L_overlay_start_2:
0xcb: {  	(tag) =	ssettag $0x2  }
0xcc: {  	s0 =	rddreg [dreg:$0x0];
	s2 =	stileid.u32  }
0xcd: {  	s1 =	rddreg [dreg:$0x1];
	p0 =	sne.s32 s2, $0x0  }
0xce: {  	s3 =	rddreg [dreg:$0x2];
	[bflag:$0x3] =	sbarrier.arrive $0xFFFF;
	s2 =	simm.s32 @!p0 $0x1C03  }
0xcf: {  	[timem:s3], [sflag:s2] =	dma.local @!p0 [hbm:s0], s1  }
0xd0: {  	s0 =	simm.s32 @!p0 $0x3  }
0xd1: {  	_ =	swait.ge @!p0 [sflag:s0], s1  }
0xd2: {  	s1 =	ssub.s32 @!p0 $0x0, s1;
	[sflag:s0] =	ssyncset.done @!p0 $0x0  }
0xd3: {  	[sflag:s0] =	ssyncadd.s32 @!p0 s1  }
0xd4: {  	[bflag:$0x3] =	sbarrier.arrive $0xFFFF  }
0xd5: {  	_ =	shalt  }

// kernel: kernel.14.cloned.1.call-start
scs
__scs_entry_jumppad:
0x0: {  	(pc) =	sbr.rel $0x88, $3  }
0x1: {  	(tag) =	ssettag $0x0;
	lr =	simm.s32 $0x1  }
0x2: {  	[smem:$0x3F9B] =	sst lr;
	_ =	strace $0xD0000000  }
0x3: {  	_ = 	snop  }
0x4: {  	_ = 	snop  }
0x5: {  	_ = 	snop  }
0x6: {  	_ = 	snop  }
0x7: {  	_ = 	snop  }
__scs_overlays_trampoline_lowered:
0x8: {  	[smem:$0x3FAA] =	sst s0  }
0x9: {  	[smem:$0x3FAB] =	sst s1  }
0xa: {  	[smem:$0x3FAC] =	sst s2  }
0xb: {  	[smem:$0x3FAD] =	sst s3  }
0xc: {  	[smem:$0x3FAE] =	sst s4  }
0xd: {  	[smem:$0x3FAF] =	sst s5  }
0xe: {  	[smem:$0x3FB0] =	sst s6  }
0xf: {  	[smem:$0x3FB1] =	sst s7  }
0x10: {  	[smem:$0x3FB2] =	sst s8  }
0x11: {  	[smem:$0x3FB3] =	sst s9;
	s0 =	simm.s32 @!p0 $0x0  }
0x12: {  	s1 =	sld [smem:$0x3F99];
	s0 =	simm.s32 @p0 $0x1  }
0x13: {  	[smem:$0x3FB4] =	sst s0;
	s0 =	simm.s32 @!p1 $0x0  }
0x14: {  	s2 =	sld [smem:$0x3F98];
	s0 =	simm.s32 @p1 $0x1  }
0x15: {  	[smem:$0x3FB5] =	sst s0;
	s0 =	simm.s32 @!p2 $0x0  }
0x16: {  	s3 =	sld [smem:$0x3FDB];
	s0 =	simm.s32 @p2 $0x1  }
0x17: {  	s4 =	simm.s32 $0x1BF5;
	[smem:$0x3FB7] =	sst s0  }
0x18: {  	s0 =	sld [smem:$0x3F9A];
	_ =	swait.ge [sflag:s4], $0x0  }
0x19: {  	s7 =	sld [smem:$0x3F9B]  }
0x1a: {  	s8 =	sadd.s32 $0xFFFFE003, lr  }
0x1b: {  	s9 =	sadd.s32 $0xFFFFFEF7, lr;
	s5 =	simm.s32 $0xFFFFFFFF;
	p2 =	slt.u32 s8, $0xFFFFF086  }
0x1c: {  	p1 =	slt.u32 s9, $0xF7A;
	s5 =	simm.s32 @!p2 $0x0  }
0x1d: {  	s5 =	simm.s32 @p1 $0x1;
	p0 =	seq.s32 s7, s2  }
0x1e: {  	s7 =	smul.u32 @!p0 $0xF7A, s2;
	p2 =	seq.s32 @!p0 s5, $0x0  }
0x1f: {  	s9 =	smul.u32 $0xF7A, s1;
	s8 =	simm.s32 @!p0 $0x1BF5;
	p2 =	por !p2, p0  }
0x20: {  	[sflag:s8] =	ssyncset.s32 @!p0 $0xFFFFF086;
	s6 =	sadd.s32 @!p0 s3, s7;
	s7 =	simm.s32 @!p0 $0x108  }
0x21: {  	s3 =	sadd.s32 s3, s9;
	s6 =	sadd.s32 @!p0 $0x88, s6;
	s7 =	simm.s32 @p2 $0x1082  }
0x22: {  	[simem:s7], [sflag:s8] =	dma.local @!p0 [hbm:s6], $0xF7A  }
0x23: {  	s9 =	sor.u32 $0xD0000000, s2;
	s6 =	simm.s32 $0x108;
	_ =	swait.ge @!p0 [sflag:s8], $0x0  }
0x24: {  	s3 =	sadd.s32 $0x88, s3;
	s6 =	simm.s32 @!p1 $0x1082;
	[sflag:s4] =	ssyncset.s32 $0xFFFFF086  }
0x25: {  	[simem:s6], [sflag:s4] =	dma.local [hbm:s3], $0xF7A  }
0x26: {  	[smem:$0x3F9B] =	sst s1;
	(tag) =	ssettag s2;
	_ =	strace s9  }
0x27: {  	s1 =	sld [smem:$0x3FAB]  }
0x28: {  	s2 =	sld [smem:$0x3FAC]  }
0x29: {  	s4 =	sld [smem:$0x3FAE]  }
0x2a: {  	p0 =	seq.s32 s5, $0x0;
	s5 =	sld [smem:$0x3FAF]  }
0x2b: {  	s6 =	sld [smem:$0x3FB0]  }
0x2c: {  	s7 =	sld [smem:$0x3FB1]  }
0x2d: {  	s3 =	simm.s32 $0x108;
	s8 =	sld [smem:$0x3FB2]  }
0x2e: {  	s3 =	simm.s32 @!p0 $0x1082;
	s9 =	sld [smem:$0x3FB3]  }
0x2f: {  	lr =	sadd.s32 s0, s3;
	s0 =	sld [smem:$0x3FAA]  }
0x30: {  	s3 =	sld [smem:$0x3FAD]  }
0x31: {  	[smem:$0x3FB6] =	sst s10  }
0x32: {  	s10 =	sld [smem:$0x3FB4];
	_ =	sdelay $0x3  }
0x33: {  	p0 =	seq.s32 s10, $0x1;
	s10 =	sld [smem:$0x3FB6];
	_ =	sdelay $0x3  }
0x34: {  	[smem:$0x3FB6] =	sst s10  }
0x35: {  	s10 =	sld [smem:$0x3FB5];
	_ =	sdelay $0x3  }
0x36: {  	p1 =	seq.s32 s10, $0x1;
	s10 =	sld [smem:$0x3FB6];
	_ =	sdelay $0x3  }
0x37: {  	[smem:$0x3FB6] =	sst s10  }
0x38: {  	s10 =	sld [smem:$0x3FB7]  }
0x39: {  	_ = 	snop;
	(pc) =	sbr.ind lr, $3  }
0x3a: {  	_ = 	snop  }
0x3b: {  	_ = 	snop  }
0x3c: {  	p2 =	seq.s32 s10, $0x1;
	s10 =	sld [smem:$0x3FB6]  }
0x3d: {  	_ =	shalt  }
0x3e: {  	_ =	shalt  }
0x3f: {  	_ =	shalt  }
0x40: {  	_ =	shalt  }
0x41: {  	_ =	shalt  }
0x42: {  	_ =	shalt  }
0x43: {  	_ =	shalt  }
0x44: {  	_ =	shalt  }
0x45: {  	_ =	shalt  }
0x46: {  	_ =	shalt  }
0x47: {  	_ =	shalt  }
0x48: {  	_ =	shalt  }
0x49: {  	_ =	shalt  }
0x4a: {  	_ =	shalt  }
0x4b: {  	_ =	shalt  }
0x4c: {  	_ =	shalt  }
0x4d: {  	_ =	shalt  }
0x4e: {  	_ =	shalt  }
0x4f: {  	_ =	shalt  }
0x50: {  	_ =	shalt  }
0x51: {  	_ =	shalt  }
0x52: {  	_ =	shalt  }
0x53: {  	_ =	shalt  }
0x54: {  	_ =	shalt  }
0x55: {  	_ =	shalt  }
0x56: {  	_ =	shalt  }
0x57: {  	_ =	shalt  }
0x58: {  	_ =	shalt  }
0x59: {  	_ =	shalt  }
0x5a: {  	_ =	shalt  }
0x5b: {  	_ =	shalt  }
0x5c: {  	_ =	shalt  }
0x5d: {  	_ =	shalt  }
0x5e: {  	_ =	shalt  }
0x5f: {  	_ =	shalt  }
0x60: {  	_ =	shalt  }
0x61: {  	_ =	shalt  }
0x62: {  	_ =	shalt  }
0x63: {  	_ =	shalt  }
0x64: {  	_ =	shalt  }
0x65: {  	_ =	shalt  }
0x66: {  	_ =	shalt  }
0x67: {  	_ =	shalt  }
0x68: {  	_ =	shalt  }
0x69: {  	_ =	shalt  }
0x6a: {  	_ =	shalt  }
0x6b: {  	_ =	shalt  }
0x6c: {  	_ =	shalt  }
0x6d: {  	_ =	shalt  }
0x6e: {  	_ =	shalt  }
0x6f: {  	_ =	shalt  }
0x70: {  	_ =	shalt  }
0x71: {  	_ =	shalt  }
0x72: {  	_ =	shalt  }
0x73: {  	_ =	shalt  }
0x74: {  	_ =	shalt  }
0x75: {  	_ =	shalt  }
0x76: {  	_ =	shalt  }
0x77: {  	_ =	shalt  }
0x78: {  	_ =	shalt  }
0x79: {  	_ =	shalt  }
0x7a: {  	_ =	shalt  }
0x7b: {  	_ =	shalt  }
0x7c: {  	_ =	shalt  }
0x7d: {  	_ =	shalt  }
0x7e: {  	_ =	shalt  }
0x7f: {  	_ =	shalt  }
0x80: {  	_ =	shalt  }
0x81: {  	_ =	shalt  }
0x82: {  	_ =	shalt  }
0x83: {  	_ =	shalt  }
0x84: {  	_ =	shalt  }
0x85: {  	_ =	shalt  }
0x86: {  	_ =	shalt  }
0x87: {  	_ =	shalt  }
.Lfunc_end0:
.L_simem_size_0:
called_computation.2_lowered:
.L_overlay_start_0:
0x88: {  	s2 =	sld [smem:$0x3FD9]  }
0x89: {  	s3 =	sld [smem:$0x3FFE];
	_ =	sdelay $0x1  }
0x8a: {  	s1 =	srdreg.scid  }
0x8b: {  	s0 =	sand.u32 $0x1, s1  }
0x8c: {  	s16 =	sshll.u32 s0, $0xA;
	s2 =	sadd.s32 s3, s2  }
0x8d: {  	s2 =	sadd.s32 s2, s16  }
0x8e: {  	[smem:$0x3FC2] =	sst s2  }
0x8f: {  	_ = 	snop  }
0x90: {  	(tm) =	ssettm $0x1  }
0x91: {  	s17 =	sld [smem:$0x3FFB];
	_ =	sdelay $0x3  }
0x92: {  	_ =	strace s17  }
0x93: {  	s2 =	sld [smem:$0x3FFC];
	_ =	sdelay $0x3  }
0x94: {  	_ =	strace s2  }
0x95: {  	s2 =	sld [smem:$0x3FFD];
	_ =	sdelay $0x3  }
0x96: {  	_ =	strace s2  }
0x97: {  	_ =	strace $0x8FFFFFFF  }
0x98: {  	s18 =	sld [smem:$0x3FDB];
	_ =	sdelay $0x1  }
0x99: {  	s19 =	simm.s32 $_scs_section_size  }
0x9a: {  	s4 =	simm.s32 $_size__tile_overlayer_lowered;
	s5 =	simm.s32 $_tile_overlayer_lowered  }
0x9b: {  	s22 =	simm.s32 $0x1BFF;
	s21 =	sshll.u32 s5, $0x1;
	s2 =	sadd.s32 s19, s18  }
0x9c: {  	s6 =	simm.s32 $0x0;
	s20 =	sshll.u32 s4, $0x1;
	s4 =	sadd.s32 s21, s2  }
0x9d: {  	[timem:s6], [sflag:s22] =	dma.local [hbm:s4], s20  }
0x9e: {  	_ =	swait.ge [sflag:s22], s20  }
0x9f: {  	s3 =	ssub.s32 $0x0, s20;
	[sflag:s22] =	ssyncset.done $0x0  }
0xa0: {  	[sflag:s22] =	ssyncadd.s32 s3;
	_ =	sdelay $0x1  }
0xa1: {  	s23 =	simm.s32 $0x1B8B  }
0xa2: {  	_ =	swait.ge [sflag:s23], $0x1  }
0xa3: {  	[sflag:s23] =	ssyncset.done $0x0  }
0xa4: {  	s25 =	simm.s32 $0x1B8E;
	s24 =	sld [smem:$0x3FFE];
	[sflag:s23] =	ssyncadd.s32 $0xFFFFFFFF  }
0xa5: {  	s26 =	simm.s32 $execute0_lowered;
	[smem:$0x3FD2] =	sst s25  }
0xa6: {  	s4 =	sshll.u32 s26, $0x1;
	_ =	strace $0x8000004C;
	[dreg:$0x1] =	wrdreg $0xFFFFFFFF  }
0xa7: {  	s28 =	simm.s32 $_size_execute0_lowered;
	s2 =	sadd.s32 s2, s4;
	[dreg:$0x0] =	wrdreg $0x0  }
0xa8: {  	s4 =	sshll.u32 s28, $0x1;
	[dreg:$0x2] =	wrdreg s2  }
0xa9: {  	[dreg:$0x3] =	wrdreg s4  }
0xaa: {  	[dreg:$0x4] =	wrdreg $0xC0  }
0xab: {  	_ =	task [dreg:s6], $0x5FFFF  }
0xac: {  	[dreg:$0x1] =	wrdreg $0xFFFFFFFF  }
0xad: {  	[dreg:$0x0] =	wrdreg $0x60  }
0xae: {  	[dreg:$0x2] =	wrdreg s24  }
0xaf: {  	[dreg:$0x3] =	wrdreg $0x83600  }
0xb0: {  	[dreg:$0x4] =	wrdreg $0x9  }
0xb1: {  	_ =	task.clear_ibuf [dreg:s6], $0x5FFFF;
	_ =	strace $0x9000004C  }
0xb2: {  	s29 =	simm.s32 $0x9;
	_ =	strace $0x8000004E  }
0xb3: {  	_ =	swait.ge [sflag:s29], $0x1  }
0xb4: {  	[sflag:s29] =	ssyncadd.s32 $0xFFFFFFFF  }
0xb5: {  	_ =	strace $0x9000004E  }
0xb6: {  	_ =	sfence  }
0xb7: {  	s30 =	sld [smem:$0x0];
	_ =	sdelay $0x2  }
0xb8: {  	s31 =	sshll.u32 s1, $0xD;
	s1 =	sshrl.u32 s1, $0x2  }
0xb9: {  	s3 =	sand.u32 $0x4000, s31;
	s1 =	sadd.s32 s1, s30  }
0xba: {  	s0 =	sor.u32 s3, s0;
	s1 =	sshll.u32 s1, $0x11  }
0xbb: {  	s0 =	sor.u32 s1, s0  }
0xbc: {  	s0 =	sadd.s32 $0x8F2B, s0  }
0xbd: {  	[sflag:s0] =	ssyncadd.remote.s32 $0x1  }
0xbe: {  	_ =	sfence.sel $0xFFFF  }
0xbf: {  	[dreg:$0x0] =	wrdreg $0xFFFFFFFF;
	(pc) =	sbr.abs _section_cstart, $3  }
0xc0: {  	[dreg:$0x1] =	wrdreg $0xFFFFFFFF  }
0xc1: {  	_ =	task.clear_ibuf [dreg:s6], $0x2FFFF;
	_ =	strace $0x9FFFFFFF  }
0xc2: {  	(tm) =	ssettm $0x7FFFFFFF  }
0xc3: {  	_ =	shalt  }
tec
execute0_lowered:
.L_overlay_start_1:
0x0: {  	(tag) =	ssettag $0x1  }
0x1: {  	s5 =	rddreg [dreg:$0x0]  }
0x2: {  	s2 =	rddreg [dreg:$0x1]  }
0x3: {  	s0 =	rddreg [dreg:$0x2];
	s3 =	simm.s32 $0x0  }
0x4: {  	s4 =	srdreg.scid;
	s1 =	stileid.u32;
	s14 =	simm.s32 $0x2800  }
0x5: {  	s15 =	simm.s32 $0x4F80;
	s16 =	simm.s32 $0x9E0;
	s17 =	simm.s32 $0x7700  }
0x6: {  	s18 =	simm.s32 $0x5960;
	s19 =	simm.s32 $0x6340;
	s20 =	simm.s32 $0x6D20  }
0x7: {  	s21 =	simm.s32 $0x9C0;
	s22 =	simm.s32 $0x5940;
	s23 =	simm.s32 $0x6300  }
0x8: {  	s24 =	simm.s32 $0x6CC0;
	s25 =	simm.s32 $0x0;
	[smem:$0x7FF] =	sst s3  }
0x9: {  	s6 =	sand.u32 $0x1, s4;
	s7 =	smul.u32 $0x280, s1;
	s9 =	sshll.u32 s1, $0x1  }
0xa: {  	s10 =	sadd.s32 $0x1E00, s5;
	s4 =	sadd.s32 $0x15800, s5;
	p0 =	sgt.u32 s1, $0x1  }
0xb: {  	s8 =	smul.u32 $0x2800, s6;
	s9 =	sor.u32 s6, s9;
	s6 =	ssub.s32 $0x2, s6  }
0xc: {  	_ =	strace $0x8000004D;
	s11 =	smul.u32 $0x2700, s9;
	s12 =	sshrl.u32 s6, $0x1  }
0xd: {  	s9 =	smul.u32 $0x2780, s9;
	s8 =	sadd.s32 s7, s8;
	s12 =	ssub.s32 s6, s12  }
.Ltmp0:
0xe: {  	s8 =	sshrl.u32 s8, $0x3;
	s29 =	sshrl.u32 s11, $0x3;
	(pc) =	sbr.rel .LBB2_1-.Ltmp0, $4  }
0xf: {  	s31 =	sshrl.u32 s9, $0x3;
	s11 =	smax.u32 s12, $0x1;
	s12 =	simm.s32 $0x80E0  }
0x10: {  	s13 =	sadd.s32 s8, s5;
	s5 =	sadd.s32 s7, s2;
	s30 =	sadd.s32 s10, s29  }
0x11: {  	s8 =	sadd.s32 s10, s31;
	s6 =	sadd.s32 $0x40, s30;
	s7 =	sadd.s32 $0x9C80, s30  }
0x12: {  	v0 =	vimm.f32 $0.0e+00;
	s9 =	sadd.s32 $0x9C40, s8;
	s10 =	sadd.s32 $0x15E00, s13;
	s13 =	simm.s32 $0x1  }
.LBB2_19:
0x13: {  	v2 =	vld [tilespmem:s28+$0x4540];
	_ =	sdelay $0x6  }
0x14: {  	[tilespmem:s26+$0x7700] =	vst v1  }
0x15: {  	v1 =	vld.idx.msk [tilespmem:v2+s3+$0x0], $0xffff;
	_ =	sdelay $0x4  }
0x16: {  	[tilespmem:s28+$0x7700] =	vst v1  }
0x17: {  	[spmem:s2] =	stream.indirect.scatter.add.f32 [tilespmem:s17], [sflag:$0x1], $0x1, s24, s21, $0xb8;
	[tilespmem:$0x85E0] =	vst v63  }
0x18: {  	_ =	swait.ge [sflag:s13], $0x9C0  }
0x19: {  	[sflag:s13] =	ssyncset.done $0x0  }
0x1a: {  	[sflag:s13] =	ssyncadd.s32 $0xFFFFF640  }
.LBB2_20:
0x1b: {  	[bflag:$0x0] =	sbarrier.arrive $0xFFFF  }
0x1c: {  	[tilespmem:s12], [sflag:$0x1] =	stream.linear.gather [spmem:s5], $0x280, $0x38;
	[tilespmem:$0x85E0] =	vst v63  }
0x1d: {  	s25 =	sadd.s32 $0x1, s25;
	_ =	swait.ge [sflag:s13], $0x280  }
0x1e: {  	p1 =	sne.s32 s25, s11;
	[sflag:s13] =	ssyncset.done $0x0  }
.Ltmp1:
0x1f: {  	[sflag:s13] =	ssyncadd.s32 $0xFFFFFD80;
	(pc) =	sbr.rel @!p1 .LBB2_21-.Ltmp1, $4  }
0x20: {  	[hbm4b:s10+s3] =	stream.linear.scatter [tilespmem:s12], [sflag:$0x1], $0x280, $0x38;
	[tilespmem:$0x85E0] =	vst v63  }
0x21: {  	_ =	swait.ge [sflag:s13], $0x280  }
0x22: {  	[sflag:s13] =	ssyncset.done $0x0  }
0x23: {  	[sflag:s13] =	ssyncadd.s32 $0xFFFFFD80  }
.LBB2_1:
0x24: {  	[tilespmem:$0x80E0] =	vst v0  }
0x25: {  	[tilespmem:$0x80F0] =	vst v0  }
0x26: {  	[tilespmem:$0x8100] =	vst v0  }
0x27: {  	[tilespmem:$0x8110] =	vst v0  }
0x28: {  	[tilespmem:$0x8120] =	vst v0  }
0x29: {  	[tilespmem:$0x8130] =	vst v0  }
0x2a: {  	[tilespmem:$0x8140] =	vst v0  }
0x2b: {  	[tilespmem:$0x8150] =	vst v0  }
0x2c: {  	[tilespmem:$0x8160] =	vst v0  }
0x2d: {  	[tilespmem:$0x8170] =	vst v0  }
0x2e: {  	[tilespmem:$0x8180] =	vst v0  }
0x2f: {  	[tilespmem:$0x8190] =	vst v0  }
0x30: {  	[tilespmem:$0x81A0] =	vst v0  }
0x31: {  	[tilespmem:$0x81B0] =	vst v0  }
0x32: {  	[tilespmem:$0x81C0] =	vst v0  }
0x33: {  	[tilespmem:$0x81D0] =	vst v0  }
0x34: {  	[tilespmem:$0x81E0] =	vst v0  }
0x35: {  	[tilespmem:$0x81F0] =	vst v0  }
0x36: {  	[tilespmem:$0x8200] =	vst v0  }
0x37: {  	[tilespmem:$0x8210] =	vst v0  }
0x38: {  	[tilespmem:$0x8220] =	vst v0  }
0x39: {  	[tilespmem:$0x8230] =	vst v0  }
0x3a: {  	[tilespmem:$0x8240] =	vst v0  }
0x3b: {  	[tilespmem:$0x8250] =	vst v0  }
0x3c: {  	[tilespmem:$0x8260] =	vst v0  }
0x3d: {  	[tilespmem:$0x8270] =	vst v0  }
0x3e: {  	[tilespmem:$0x8280] =	vst v0  }
0x3f: {  	[tilespmem:$0x8290] =	vst v0  }
0x40: {  	[tilespmem:$0x82A0] =	vst v0  }
0x41: {  	[tilespmem:$0x82B0] =	vst v0  }
0x42: {  	[tilespmem:$0x82C0] =	vst v0  }
0x43: {  	[tilespmem:$0x82D0] =	vst v0  }
0x44: {  	[tilespmem:$0x82E0] =	vst v0  }
0x45: {  	[tilespmem:$0x82F0] =	vst v0  }
0x46: {  	[tilespmem:$0x8300] =	vst v0  }
0x47: {  	[tilespmem:$0x8310] =	vst v0  }
0x48: {  	[tilespmem:$0x8320] =	vst v0  }
0x49: {  	[tilespmem:$0x8330] =	vst v0  }
0x4a: {  	[tilespmem:$0x8340] =	vst v0  }
0x4b: {  	[tilespmem:$0x8350] =	vst v0  }
0x4c: {  	[spmem:s5] =	stream.linear.scatter [tilespmem:s12], [sflag:$0x1], $0x280, $0x38;
	[tilespmem:$0x85E0] =	vst v63  }
0x4d: {  	_ =	swait.ge [sflag:s13], $0x280  }
0x4e: {  	[sflag:s13] =	ssyncset.done $0x0  }
.Ltmp2:
0x4f: {  	[sflag:s13] =	ssyncadd.s32 $0xFFFFFD80;
	(pc) =	sbr.rel @p0 .LBB2_11-.Ltmp2, $4  }
0x50: {  	[tilespmem:s3], [sflag:$0x1] =	stream.linear.gather [hbm4b:s4+s3], $0x2800, $0x38;
	[tilespmem:$0x85E0] =	vst v63  }
0x51: {  	_ =	swait.ge [sflag:s13], $0x2800  }
0x52: {  	[sflag:s13] =	ssyncset.done $0x0  }
0x53: {  	s26 =	simm.s32 $0x0;
	[sflag:s13] =	ssyncadd.s32 $0xFFFFD800  }
0x54: {  	[tilespmem:s14], [sflag:$0x1] =	stream.linear.gather [hbm4b:s8+s26], $0x2780, $0x38;
	[tilespmem:$0x85E0] =	vst v63  }
0x55: {  	_ =	swait.ge [sflag:s13], $0x2780  }
0x56: {  	[sflag:s13] =	ssyncset.done $0x0  }
0x57: {  	[sflag:s13] =	ssyncadd.s32 $0xFFFFD880  }
0x58: {  	[tilespmem:s15], [sflag:$0x1] =	stream.linear.gather [hbm4b:s9+s26], $0x2780, $0x38;
	[tilespmem:$0x85E0] =	vst v63  }
0x59: {  	_ =	swait.ge [sflag:s13], $0x2780  }
0x5a: {  	[sflag:s13] =	ssyncset.done $0x0  }
0x5b: {  	[sflag:s13] =	ssyncadd.s32 $0xFFFFD880  }
0x5c: {  	s26 =	simm.s32 $0x0;
	[bflag:$0x0] =	sbarrier.arrive $0xFFFF  }
0x5d: {  	v1 =	vld [tilespmem:s26+$0x2800];
	_ =	sdelay $0x7  }
0x5e: {  	s28 =	simm.s32 $0x10;
	s29 =	simm.s32 $0x80;
	v1 =	vld.idx.msk [tilespmem:v1+s3+$0x0], $0xffff  }
.LBB2_3:
0x5f: {  	p1 =	sne.s32 s29, $0x2740;
	v2 =	vld [tilespmem:s28+$0x2800];
	_ =	sdelay $0x3  }
.Ltmp3:
0x60: {  	(pc) =	sbr.rel @p1 .LBB2_3-.Ltmp3, $2  }
0x61: {  	[tilespmem:s26+$0x7700] =	vst v1;
	s26 =	smov.u32 s28;
	_ =	sdelay $0x2  }
0x62: {  	s28 =	sshra.s32 s29, $0x2;
	s29 =	sadd.s32 $0x40, s29;
	v1 =	vld.idx.msk [tilespmem:v2+s3+$0x0], $0xffff  }
0x63: {  	v2 =	vld [tilespmem:s28+$0x2800];
	_ =	sdelay $0x6  }
0x64: {  	[tilespmem:s26+$0x7700] =	vst v1  }
0x65: {  	v1 =	vld.idx.msk [tilespmem:v2+s3+$0x0], $0xffff;
	_ =	sdelay $0x4  }
0x66: {  	[tilespmem:s28+$0x7700] =	vst v1  }
0x67: {  	[spmem:s2] =	stream.indirect.scatter.add.f32 [tilespmem:s17], [sflag:$0x1], $0x1, s15, s16, $0xb8;
	[tilespmem:$0x85E0] =	vst v63  }
0x68: {  	_ =	swait.ge [sflag:s13], $0x9E0  }
0x69: {  	[sflag:s13] =	ssyncset.done $0x0  }
0x6a: {  	s26 =	simm.s32 $0x0;
	[sflag:s13] =	ssyncadd.s32 $0xFFFFF620  }
0x6b: {  	v1 =	vld [tilespmem:s26+$0x31E0];
	_ =	sdelay $0x7  }
0x6c: {  	s29 =	simm.s32 $0x80;
	s28 =	simm.s32 $0x10;
	v1 =	vld.idx.msk [tilespmem:v1+s3+$0x0], $0xffff  }
.LBB2_5:
0x6d: {  	p1 =	sne.s32 s29, $0x2740;
	v2 =	vld [tilespmem:s28+$0x31E0];
	_ =	sdelay $0x3  }
.Ltmp4:
0x6e: {  	(pc) =	sbr.rel @p1 .LBB2_5-.Ltmp4, $2  }
0x6f: {  	[tilespmem:s26+$0x7700] =	vst v1;
	s26 =	smov.u32 s28;
	_ =	sdelay $0x2  }
0x70: {  	s28 =	sshra.s32 s29, $0x2;
	s29 =	sadd.s32 $0x40, s29;
	v1 =	vld.idx.msk [tilespmem:v2+s3+$0x0], $0xffff  }
0x71: {  	v2 =	vld [tilespmem:s28+$0x31E0];
	_ =	sdelay $0x6  }
0x72: {  	[tilespmem:s26+$0x7700] =	vst v1  }
0x73: {  	v1 =	vld.idx.msk [tilespmem:v2+s3+$0x0], $0xffff;
	_ =	sdelay $0x4  }
0x74: {  	[tilespmem:s28+$0x7700] =	vst v1  }
0x75: {  	[spmem:s2] =	stream.indirect.scatter.add.f32 [tilespmem:s17], [sflag:$0x1], $0x1, s18, s16, $0xb8;
	[tilespmem:$0x85E0] =	vst v63  }
0x76: {  	_ =	swait.ge [sflag:s13], $0x9E0  }
0x77: {  	[sflag:s13] =	ssyncset.done $0x0  }
0x78: {  	s26 =	simm.s32 $0x0;
	[sflag:s13] =	ssyncadd.s32 $0xFFFFF620  }
0x79: {  	v1 =	vld [tilespmem:s26+$0x3BC0];
	_ =	sdelay $0x7  }
0x7a: {  	s29 =	simm.s32 $0x80;
	s28 =	simm.s32 $0x10;
	v1 =	vld.idx.msk [tilespmem:v1+s3+$0x0], $0xffff  }
.LBB2_7:
0x7b: {  	p1 =	sne.s32 s29, $0x2740;
	v2 =	vld [tilespmem:s28+$0x3BC0];
	_ =	sdelay $0x3  }
.Ltmp5:
0x7c: {  	(pc) =	sbr.rel @p1 .LBB2_7-.Ltmp5, $2  }
0x7d: {  	[tilespmem:s26+$0x7700] =	vst v1;
	s26 =	smov.u32 s28;
	_ =	sdelay $0x2  }
0x7e: {  	s28 =	sshra.s32 s29, $0x2;
	s29 =	sadd.s32 $0x40, s29;
	v1 =	vld.idx.msk [tilespmem:v2+s3+$0x0], $0xffff  }
0x7f: {  	v2 =	vld [tilespmem:s28+$0x3BC0];
	_ =	sdelay $0x6  }
0x80: {  	[tilespmem:s26+$0x7700] =	vst v1  }
0x81: {  	v1 =	vld.idx.msk [tilespmem:v2+s3+$0x0], $0xffff;
	_ =	sdelay $0x4  }
0x82: {  	[tilespmem:s28+$0x7700] =	vst v1  }
0x83: {  	[spmem:s2] =	stream.indirect.scatter.add.f32 [tilespmem:s17], [sflag:$0x1], $0x1, s19, s16, $0xb8;
	[tilespmem:$0x85E0] =	vst v63  }
0x84: {  	_ =	swait.ge [sflag:s13], $0x9E0  }
0x85: {  	[sflag:s13] =	ssyncset.done $0x0  }
0x86: {  	s26 =	simm.s32 $0x0;
	[sflag:s13] =	ssyncadd.s32 $0xFFFFF620  }
0x87: {  	v1 =	vld [tilespmem:s26+$0x45A0];
	_ =	sdelay $0x7  }
0x88: {  	s29 =	simm.s32 $0x80;
	s28 =	simm.s32 $0x10;
	v1 =	vld.idx.msk [tilespmem:v1+s3+$0x0], $0xffff  }
.LBB2_9:
0x89: {  	p1 =	sne.s32 s29, $0x2740;
	v2 =	vld [tilespmem:s28+$0x45A0];
	_ =	sdelay $0x3  }
.Ltmp6:
0x8a: {  	(pc) =	sbr.rel @p1 .LBB2_9-.Ltmp6, $2  }
0x8b: {  	[tilespmem:s26+$0x7700] =	vst v1;
	s26 =	smov.u32 s28;
	_ =	sdelay $0x2  }
0x8c: {  	s28 =	sshra.s32 s29, $0x2;
	s29 =	sadd.s32 $0x40, s29;
	v1 =	vld.idx.msk [tilespmem:v2+s3+$0x0], $0xffff  }
0x8d: {  	v2 =	vld [tilespmem:s28+$0x45A0];
	_ =	sdelay $0x6  }
0x8e: {  	[tilespmem:s26+$0x7700] =	vst v1  }
0x8f: {  	v1 =	vld.idx.msk [tilespmem:v2+s3+$0x0], $0xffff;
	_ =	sdelay $0x4  }
.Ltmp7:
0x90: {  	[tilespmem:s28+$0x7700] =	vst v1;
	(pc) =	sbr.rel .LBB2_20-.Ltmp7, $4  }
0x91: {  	[spmem:s2] =	stream.indirect.scatter.add.f32 [tilespmem:s17], [sflag:$0x1], $0x1, s20, s16, $0xb8;
	[tilespmem:$0x85E0] =	vst v63  }
0x92: {  	_ =	swait.ge [sflag:s13], $0x9E0  }
0x93: {  	[sflag:s13] =	ssyncset.done $0x0  }
0x94: {  	[sflag:s13] =	ssyncadd.s32 $0xFFFFF620  }
.LBB2_11:
0x95: {  	[tilespmem:s14], [sflag:$0x1] =	stream.linear.gather [hbm4b:s6+s26], $0x2700, $0x38;
	[tilespmem:$0x85E0] =	vst v63  }
0x96: {  	_ =	swait.ge [sflag:s13], $0x2700  }
0x97: {  	[sflag:s13] =	ssyncset.done $0x0  }
0x98: {  	[sflag:s13] =	ssyncadd.s32 $0xFFFFD900  }
0x99: {  	[tilespmem:s15], [sflag:$0x1] =	stream.linear.gather [hbm4b:s7+s26], $0x2700, $0x38;
	[tilespmem:$0x85E0] =	vst v63  }
0x9a: {  	_ =	swait.ge [sflag:s13], $0x2700  }
0x9b: {  	[sflag:s13] =	ssyncset.done $0x0  }
0x9c: {  	[sflag:s13] =	ssyncadd.s32 $0xFFFFD900  }
0x9d: {  	s26 =	simm.s32 $0x0;
	[bflag:$0x0] =	sbarrier.arrive $0xFFFF  }
0x9e: {  	v1 =	vld [tilespmem:s26+$0x2800];
	_ =	sdelay $0x7  }
0x9f: {  	s28 =	simm.s32 $0x10;
	s29 =	simm.s32 $0x80;
	v1 =	vld.idx.msk [tilespmem:v1+s3+$0x0], $0xffff  }
.LBB2_12:
0xa0: {  	p1 =	sne.s32 s29, $0x26C0;
	v2 =	vld [tilespmem:s28+$0x2800];
	_ =	sdelay $0x3  }
.Ltmp8:
0xa1: {  	(pc) =	sbr.rel @p1 .LBB2_12-.Ltmp8, $2  }
0xa2: {  	[tilespmem:s26+$0x7700] =	vst v1;
	s26 =	smov.u32 s28;
	_ =	sdelay $0x2  }
0xa3: {  	s28 =	sshra.s32 s29, $0x2;
	s29 =	sadd.s32 $0x40, s29;
	v1 =	vld.idx.msk [tilespmem:v2+s3+$0x0], $0xffff  }
0xa4: {  	v2 =	vld [tilespmem:s28+$0x2800];
	_ =	sdelay $0x6  }
0xa5: {  	[tilespmem:s26+$0x7700] =	vst v1  }
0xa6: {  	v1 =	vld.idx.msk [tilespmem:v2+s3+$0x0], $0xffff;
	_ =	sdelay $0x4  }
0xa7: {  	[tilespmem:s28+$0x7700] =	vst v1  }
0xa8: {  	[spmem:s2] =	stream.indirect.scatter.add.f32 [tilespmem:s17], [sflag:$0x1], $0x1, s15, s21, $0xb8;
	[tilespmem:$0x85E0] =	vst v63  }
0xa9: {  	_ =	swait.ge [sflag:s13], $0x9C0  }
0xaa: {  	[sflag:s13] =	ssyncset.done $0x0  }
0xab: {  	s26 =	simm.s32 $0x0;
	[sflag:s13] =	ssyncadd.s32 $0xFFFFF640  }
0xac: {  	v1 =	vld [tilespmem:s26+$0x31C0];
	_ =	sdelay $0x7  }
0xad: {  	s29 =	simm.s32 $0x80;
	s28 =	simm.s32 $0x10;
	v1 =	vld.idx.msk [tilespmem:v1+s3+$0x0], $0xffff  }
.LBB2_14:
0xae: {  	p1 =	sne.s32 s29, $0x26C0;
	v2 =	vld [tilespmem:s28+$0x31C0];
	_ =	sdelay $0x3  }
.Ltmp9:
0xaf: {  	(pc) =	sbr.rel @p1 .LBB2_14-.Ltmp9, $2  }
0xb0: {  	[tilespmem:s26+$0x7700] =	vst v1;
	s26 =	smov.u32 s28;
	_ =	sdelay $0x2  }
0xb1: {  	s28 =	sshra.s32 s29, $0x2;
	s29 =	sadd.s32 $0x40, s29;
	v1 =	vld.idx.msk [tilespmem:v2+s3+$0x0], $0xffff  }
0xb2: {  	v2 =	vld [tilespmem:s28+$0x31C0];
	_ =	sdelay $0x6  }
0xb3: {  	[tilespmem:s26+$0x7700] =	vst v1  }
0xb4: {  	v1 =	vld.idx.msk [tilespmem:v2+s3+$0x0], $0xffff;
	_ =	sdelay $0x4  }
0xb5: {  	[tilespmem:s28+$0x7700] =	vst v1  }
0xb6: {  	[spmem:s2] =	stream.indirect.scatter.add.f32 [tilespmem:s17], [sflag:$0x1], $0x1, s22, s21, $0xb8;
	[tilespmem:$0x85E0] =	vst v63  }
0xb7: {  	_ =	swait.ge [sflag:s13], $0x9C0  }
0xb8: {  	[sflag:s13] =	ssyncset.done $0x0  }
0xb9: {  	s26 =	simm.s32 $0x0;
	[sflag:s13] =	ssyncadd.s32 $0xFFFFF640  }
0xba: {  	v1 =	vld [tilespmem:s26+$0x3B80];
	_ =	sdelay $0x7  }
0xbb: {  	s29 =	simm.s32 $0x80;
	s28 =	simm.s32 $0x10;
	v1 =	vld.idx.msk [tilespmem:v1+s3+$0x0], $0xffff  }
.LBB2_16:
0xbc: {  	p1 =	sne.s32 s29, $0x26C0;
	v2 =	vld [tilespmem:s28+$0x3B80];
	_ =	sdelay $0x3  }
.Ltmp10:
0xbd: {  	(pc) =	sbr.rel @p1 .LBB2_16-.Ltmp10, $2  }
0xbe: {  	[tilespmem:s26+$0x7700] =	vst v1;
	s26 =	smov.u32 s28;
	_ =	sdelay $0x2  }
0xbf: {  	s28 =	sshra.s32 s29, $0x2;
	s29 =	sadd.s32 $0x40, s29;
	v1 =	vld.idx.msk [tilespmem:v2+s3+$0x0], $0xffff  }
0xc0: {  	v2 =	vld [tilespmem:s28+$0x3B80];
	_ =	sdelay $0x6  }
0xc1: {  	[tilespmem:s26+$0x7700] =	vst v1  }
0xc2: {  	v1 =	vld.idx.msk [tilespmem:v2+s3+$0x0], $0xffff;
	_ =	sdelay $0x4  }
0xc3: {  	[tilespmem:s28+$0x7700] =	vst v1  }
0xc4: {  	[spmem:s2] =	stream.indirect.scatter.add.f32 [tilespmem:s17], [sflag:$0x1], $0x1, s23, s21, $0xb8;
	[tilespmem:$0x85E0] =	vst v63  }
0xc5: {  	_ =	swait.ge [sflag:s13], $0x9C0  }
0xc6: {  	[sflag:s13] =	ssyncset.done $0x0  }
0xc7: {  	s26 =	simm.s32 $0x0;
	[sflag:s13] =	ssyncadd.s32 $0xFFFFF640  }
0xc8: {  	v1 =	vld [tilespmem:s26+$0x4540];
	_ =	sdelay $0x7  }
0xc9: {  	s29 =	simm.s32 $0x80;
	s28 =	simm.s32 $0x10;
	v1 =	vld.idx.msk [tilespmem:v1+s3+$0x0], $0xffff  }
.LBB2_18:
0xca: {  	p1 =	sne.s32 s29, $0x26C0;
	v2 =	vld [tilespmem:s28+$0x4540];
	_ =	sdelay $0x3  }
.Ltmp11:
0xcb: {  	(pc) =	sbr.rel @p1 .LBB2_18-.Ltmp11, $2  }
0xcc: {  	[tilespmem:s26+$0x7700] =	vst v1;
	s26 =	smov.u32 s28;
	_ =	sdelay $0x2  }
0xcd: {  	s28 =	sshra.s32 s29, $0x2;
	s29 =	sadd.s32 $0x40, s29;
	v1 =	vld.idx.msk [tilespmem:v2+s3+$0x0], $0xffff  }
.Ltmp12:
0xce: {  	_ = 	snop;
	(pc) =	sbr.rel .LBB2_19-.Ltmp12, $1  }
0xcf: {  	_ =	sdelay $0x3  }
.LBB2_21:
0xd0: {  	_ =	sfence.sel $0x180000  }
0xd1: {  	[bflag:$0x0] =	sbarrier.arrive $0xFFFF  }
0xd2: {  	p0 =	sne.s32 s1, $0x0;
	_ =	strace $0x9000004D  }
0xd3: {  	s0 =	sadd.s32 @!p0 $0x100000, s0;
	[bflag:$0x2] =	sbarrier.arrive $0xFFFF  }
0xd4: {  	[sflag:s0] =	ssyncadd.tile.s32 @!p0 $0x1;
	_ =	shalt  }
.Lfunc_end2:
_tile_overlayer_lowered:
.L_overlay_start_2:
0xd5: {  	(tag) =	ssettag $0x2  }
0xd6: {  	s0 =	rddreg [dreg:$0x0];
	s2 =	stileid.u32  }
0xd7: {  	s1 =	rddreg [dreg:$0x1];
	p0 =	sne.s32 s2, $0x0  }
0xd8: {  	s3 =	rddreg [dreg:$0x2];
	[bflag:$0x3] =	sbarrier.arrive $0xFFFF;
	s2 =	simm.s32 @!p0 $0x1C01  }
0xd9: {  	[timem:s3], [sflag:s2] =	dma.local @!p0 [hbm:s0], s1  }
0xda: {  	s0 =	simm.s32 @!p0 $0x1  }
0xdb: {  	_ =	swait.ge @!p0 [sflag:s0], s1  }
0xdc: {  	s1 =	ssub.s32 @!p0 $0x0, s1;
	[sflag:s0] =	ssyncset.done @!p0 $0x0  }
0xdd: {  	[sflag:s0] =	ssyncadd.s32 @!p0 s1  }
0xde: {  	[bflag:$0x3] =	sbarrier.arrive $0xFFFF  }
0xdf: {  	_ =	shalt  }

// kernel: kernel.8.cloned.1.call-start
scs
__scs_entry_jumppad:
0x0: {  	(pc) =	sbr.rel $0x88, $3  }
0x1: {  	(tag) =	ssettag $0x0;
	lr =	simm.s32 $0x1  }
0x2: {  	[smem:$0x3F9B] =	sst lr;
	_ =	strace $0xD0000000  }
0x3: {  	_ = 	snop  }
0x4: {  	_ = 	snop  }
0x5: {  	_ = 	snop  }
0x6: {  	_ = 	snop  }
0x7: {  	_ = 	snop  }
__scs_overlays_trampoline_lowered:
0x8: {  	[smem:$0x3FAA] =	sst s0  }
0x9: {  	[smem:$0x3FAB] =	sst s1  }
0xa: {  	[smem:$0x3FAC] =	sst s2  }
0xb: {  	[smem:$0x3FAD] =	sst s3  }
0xc: {  	[smem:$0x3FAE] =	sst s4  }
0xd: {  	[smem:$0x3FAF] =	sst s5  }
0xe: {  	[smem:$0x3FB0] =	sst s6  }
0xf: {  	[smem:$0x3FB1] =	sst s7  }
0x10: {  	[smem:$0x3FB2] =	sst s8  }
0x11: {  	[smem:$0x3FB3] =	sst s9;
	s0 =	simm.s32 @!p0 $0x0  }
0x12: {  	s1 =	sld [smem:$0x3F99];
	s0 =	simm.s32 @p0 $0x1  }
0x13: {  	[smem:$0x3FB4] =	sst s0;
	s0 =	simm.s32 @!p1 $0x0  }
0x14: {  	s2 =	sld [smem:$0x3F98];
	s0 =	simm.s32 @p1 $0x1  }
0x15: {  	[smem:$0x3FB5] =	sst s0;
	s0 =	simm.s32 @!p2 $0x0  }
0x16: {  	s3 =	sld [smem:$0x3FDB];
	s0 =	simm.s32 @p2 $0x1  }
0x17: {  	s4 =	simm.s32 $0x1BF5;
	[smem:$0x3FB7] =	sst s0  }
0x18: {  	s0 =	sld [smem:$0x3F9A];
	_ =	swait.ge [sflag:s4], $0x0  }
0x19: {  	s7 =	sld [smem:$0x3F9B]  }
0x1a: {  	s8 =	sadd.s32 $0xFFFFE003, lr  }
0x1b: {  	s9 =	sadd.s32 $0xFFFFFEF7, lr;
	s5 =	simm.s32 $0xFFFFFFFF;
	p2 =	slt.u32 s8, $0xFFFFF086  }
0x1c: {  	p1 =	slt.u32 s9, $0xF7A;
	s5 =	simm.s32 @!p2 $0x0  }
0x1d: {  	s5 =	simm.s32 @p1 $0x1;
	p0 =	seq.s32 s7, s2  }
0x1e: {  	s7 =	smul.u32 @!p0 $0xF7A, s2;
	p2 =	seq.s32 @!p0 s5, $0x0  }
0x1f: {  	s9 =	smul.u32 $0xF7A, s1;
	s8 =	simm.s32 @!p0 $0x1BF5;
	p2 =	por !p2, p0  }
0x20: {  	[sflag:s8] =	ssyncset.s32 @!p0 $0xFFFFF086;
	s6 =	sadd.s32 @!p0 s3, s7;
	s7 =	simm.s32 @!p0 $0x108  }
0x21: {  	s3 =	sadd.s32 s3, s9;
	s6 =	sadd.s32 @!p0 $0x88, s6;
	s7 =	simm.s32 @p2 $0x1082  }
0x22: {  	[simem:s7], [sflag:s8] =	dma.local @!p0 [hbm:s6], $0xF7A  }
0x23: {  	s9 =	sor.u32 $0xD0000000, s2;
	s6 =	simm.s32 $0x108;
	_ =	swait.ge @!p0 [sflag:s8], $0x0  }
0x24: {  	s3 =	sadd.s32 $0x88, s3;
	s6 =	simm.s32 @!p1 $0x1082;
	[sflag:s4] =	ssyncset.s32 $0xFFFFF086  }
0x25: {  	[simem:s6], [sflag:s4] =	dma.local [hbm:s3], $0xF7A  }
0x26: {  	[smem:$0x3F9B] =	sst s1;
	(tag) =	ssettag s2;
	_ =	strace s9  }
0x27: {  	s1 =	sld [smem:$0x3FAB]  }
0x28: {  	s2 =	sld [smem:$0x3FAC]  }
0x29: {  	s4 =	sld [smem:$0x3FAE]  }
0x2a: {  	p0 =	seq.s32 s5, $0x0;
	s5 =	sld [smem:$0x3FAF]  }
0x2b: {  	s6 =	sld [smem:$0x3FB0]  }
0x2c: {  	s7 =	sld [smem:$0x3FB1]  }
0x2d: {  	s3 =	simm.s32 $0x108;
	s8 =	sld [smem:$0x3FB2]  }
0x2e: {  	s3 =	simm.s32 @!p0 $0x1082;
	s9 =	sld [smem:$0x3FB3]  }
0x2f: {  	lr =	sadd.s32 s0, s3;
	s0 =	sld [smem:$0x3FAA]  }
0x30: {  	s3 =	sld [smem:$0x3FAD]  }
0x31: {  	[smem:$0x3FB6] =	sst s10  }
0x32: {  	s10 =	sld [smem:$0x3FB4];
	_ =	sdelay $0x3  }
0x33: {  	p0 =	seq.s32 s10, $0x1;
	s10 =	sld [smem:$0x3FB6];
	_ =	sdelay $0x3  }
0x34: {  	[smem:$0x3FB6] =	sst s10  }
0x35: {  	s10 =	sld [smem:$0x3FB5];
	_ =	sdelay $0x3  }
0x36: {  	p1 =	seq.s32 s10, $0x1;
	s10 =	sld [smem:$0x3FB6];
	_ =	sdelay $0x3  }
0x37: {  	[smem:$0x3FB6] =	sst s10  }
0x38: {  	s10 =	sld [smem:$0x3FB7]  }
0x39: {  	_ = 	snop;
	(pc) =	sbr.ind lr, $3  }
0x3a: {  	_ = 	snop  }
0x3b: {  	_ = 	snop  }
0x3c: {  	p2 =	seq.s32 s10, $0x1;
	s10 =	sld [smem:$0x3FB6]  }
0x3d: {  	_ =	shalt  }
0x3e: {  	_ =	shalt  }
0x3f: {  	_ =	shalt  }
0x40: {  	_ =	shalt  }
0x41: {  	_ =	shalt  }
0x42: {  	_ =	shalt  }
0x43: {  	_ =	shalt  }
0x44: {  	_ =	shalt  }
0x45: {  	_ =	shalt  }
0x46: {  	_ =	shalt  }
0x47: {  	_ =	shalt  }
0x48: {  	_ =	shalt  }
0x49: {  	_ =	shalt  }
0x4a: {  	_ =	shalt  }
0x4b: {  	_ =	shalt  }
0x4c: {  	_ =	shalt  }
0x4d: {  	_ =	shalt  }
0x4e: {  	_ =	shalt  }
0x4f: {  	_ =	shalt  }
0x50: {  	_ =	shalt  }
0x51: {  	_ =	shalt  }
0x52: {  	_ =	shalt  }
0x53: {  	_ =	shalt  }
0x54: {  	_ =	shalt  }
0x55: {  	_ =	shalt  }
0x56: {  	_ =	shalt  }
0x57: {  	_ =	shalt  }
0x58: {  	_ =	shalt  }
0x59: {  	_ =	shalt  }
0x5a: {  	_ =	shalt  }
0x5b: {  	_ =	shalt  }
0x5c: {  	_ =	shalt  }
0x5d: {  	_ =	shalt  }
0x5e: {  	_ =	shalt  }
0x5f: {  	_ =	shalt  }
0x60: {  	_ =	shalt  }
0x61: {  	_ =	shalt  }
0x62: {  	_ =	shalt  }
0x63: {  	_ =	shalt  }
0x64: {  	_ =	shalt  }
0x65: {  	_ =	shalt  }
0x66: {  	_ =	shalt  }
0x67: {  	_ =	shalt  }
0x68: {  	_ =	shalt  }
0x69: {  	_ =	shalt  }
0x6a: {  	_ =	shalt  }
0x6b: {  	_ =	shalt  }
0x6c: {  	_ =	shalt  }
0x6d: {  	_ =	shalt  }
0x6e: {  	_ =	shalt  }
0x6f: {  	_ =	shalt  }
0x70: {  	_ =	shalt  }
0x71: {  	_ =	shalt  }
0x72: {  	_ =	shalt  }
0x73: {  	_ =	shalt  }
0x74: {  	_ =	shalt  }
0x75: {  	_ =	shalt  }
0x76: {  	_ =	shalt  }
0x77: {  	_ =	shalt  }
0x78: {  	_ =	shalt  }
0x79: {  	_ =	shalt  }
0x7a: {  	_ =	shalt  }
0x7b: {  	_ =	shalt  }
0x7c: {  	_ =	shalt  }
0x7d: {  	_ =	shalt  }
0x7e: {  	_ =	shalt  }
0x7f: {  	_ =	shalt  }
0x80: {  	_ =	shalt  }
0x81: {  	_ =	shalt  }
0x82: {  	_ =	shalt  }
0x83: {  	_ =	shalt  }
0x84: {  	_ =	shalt  }
0x85: {  	_ =	shalt  }
0x86: {  	_ =	shalt  }
0x87: {  	_ =	shalt  }
.Lfunc_end0:
.L_simem_size_0:
called_computation_lowered:
.L_overlay_start_0:
0x88: {  	s2 =	sld [smem:$0x3FD9]  }
0x89: {  	s3 =	sld [smem:$0x3FFE];
	_ =	sdelay $0x1  }
0x8a: {  	s1 =	srdreg.scid  }
0x8b: {  	s0 =	sand.u32 $0x1, s1  }
0x8c: {  	s16 =	sshll.u32 s0, $0xA;
	s2 =	sadd.s32 s3, s2  }
0x8d: {  	s2 =	sadd.s32 s2, s16  }
0x8e: {  	[smem:$0x3FC2] =	sst s2  }
0x8f: {  	_ = 	snop  }
0x90: {  	(tm) =	ssettm $0x1  }
0x91: {  	s17 =	sld [smem:$0x3FFB];
	_ =	sdelay $0x3  }
0x92: {  	_ =	strace s17  }
0x93: {  	s2 =	sld [smem:$0x3FFC];
	_ =	sdelay $0x3  }
0x94: {  	_ =	strace s2  }
0x95: {  	s2 =	sld [smem:$0x3FFD];
	_ =	sdelay $0x3  }
0x96: {  	_ =	strace s2  }
0x97: {  	_ =	strace $0x8FFFFFFF  }
0x98: {  	s18 =	sld [smem:$0x3FDB];
	_ =	sdelay $0x1  }
0x99: {  	s19 =	simm.s32 $_scs_section_size  }
0x9a: {  	s4 =	simm.s32 $_size__tile_overlayer_lowered;
	s5 =	simm.s32 $_tile_overlayer_lowered  }
0x9b: {  	s22 =	simm.s32 $0x1BFF;
	s21 =	sshll.u32 s5, $0x1;
	s2 =	sadd.s32 s19, s18  }
0x9c: {  	s6 =	simm.s32 $0x0;
	s20 =	sshll.u32 s4, $0x1;
	s4 =	sadd.s32 s21, s2  }
0x9d: {  	[timem:s6], [sflag:s22] =	dma.local [hbm:s4], s20  }
0x9e: {  	_ =	swait.ge [sflag:s22], s20  }
0x9f: {  	s3 =	ssub.s32 $0x0, s20;
	[sflag:s22] =	ssyncset.done $0x0  }
0xa0: {  	[sflag:s22] =	ssyncadd.s32 s3;
	_ =	sdelay $0x1  }
0xa1: {  	s23 =	simm.s32 $0x1B8B  }
0xa2: {  	_ =	swait.ge [sflag:s23], $0x1  }
0xa3: {  	[sflag:s23] =	ssyncset.done $0x0  }
0xa4: {  	s25 =	simm.s32 $0x1B8E;
	s24 =	sld [smem:$0x3FFE];
	[sflag:s23] =	ssyncadd.s32 $0xFFFFFFFF  }
0xa5: {  	s26 =	simm.s32 $execute0_lowered;
	[smem:$0x3FD2] =	sst s25  }
0xa6: {  	s4 =	sshll.u32 s26, $0x1;
	_ =	strace $0x80000046;
	[dreg:$0x1] =	wrdreg $0xFFFFFFFF  }
0xa7: {  	s28 =	simm.s32 $_size_execute0_lowered;
	s2 =	sadd.s32 s2, s4;
	[dreg:$0x0] =	wrdreg $0x0  }
0xa8: {  	s4 =	sshll.u32 s28, $0x1;
	[dreg:$0x2] =	wrdreg s2  }
0xa9: {  	[dreg:$0x3] =	wrdreg s4  }
0xaa: {  	[dreg:$0x4] =	wrdreg $0xC0  }
0xab: {  	_ =	task [dreg:s6], $0x5FFFF  }
0xac: {  	[dreg:$0x1] =	wrdreg $0xFFFFFFFF  }
0xad: {  	[dreg:$0x0] =	wrdreg $0x60  }
0xae: {  	[dreg:$0x2] =	wrdreg s24  }
0xaf: {  	[dreg:$0x3] =	wrdreg $0x33E00  }
0xb0: {  	[dreg:$0x4] =	wrdreg $0x9  }
0xb1: {  	_ =	task.clear_ibuf [dreg:s6], $0x5FFFF;
	_ =	strace $0x90000046  }
0xb2: {  	s29 =	simm.s32 $0x9;
	_ =	strace $0x80000048  }
0xb3: {  	_ =	swait.ge [sflag:s29], $0x1  }
0xb4: {  	[sflag:s29] =	ssyncadd.s32 $0xFFFFFFFF  }
0xb5: {  	_ =	strace $0x90000048  }
0xb6: {  	_ =	sfence  }
0xb7: {  	s30 =	sld [smem:$0x0];
	_ =	sdelay $0x2  }
0xb8: {  	s31 =	sshll.u32 s1, $0xD;
	s1 =	sshrl.u32 s1, $0x2  }
0xb9: {  	s3 =	sand.u32 $0x4000, s31;
	s1 =	sadd.s32 s1, s30  }
0xba: {  	s0 =	sor.u32 s3, s0;
	s1 =	sshll.u32 s1, $0x11  }
0xbb: {  	s0 =	sor.u32 s1, s0  }
0xbc: {  	s0 =	sadd.s32 $0x8F2B, s0  }
0xbd: {  	[sflag:s0] =	ssyncadd.remote.s32 $0x1  }
0xbe: {  	_ =	sfence.sel $0xFFFF  }
0xbf: {  	[dreg:$0x0] =	wrdreg $0xFFFFFFFF;
	(pc) =	sbr.abs _section_cstart, $3  }
0xc0: {  	[dreg:$0x1] =	wrdreg $0xFFFFFFFF  }
0xc1: {  	_ =	task.clear_ibuf [dreg:s6], $0x2FFFF;
	_ =	strace $0x9FFFFFFF  }
0xc2: {  	(tm) =	ssettm $0x7FFFFFFF  }
0xc3: {  	_ =	shalt  }
tec
execute0_lowered:
.L_overlay_start_1:
0x0: {  	(tag) =	ssettag $0x1  }
0x1: {  	s1 =	srdreg.scid;
	s4 =	rddreg [dreg:$0x0]  }
0x2: {  	s0 =	stileid.u32;
	s2 =	rddreg [dreg:$0x1];
	s3 =	simm.s32 $0x0  }
0x3: {  	s5 =	sand.u32 $0x1, s1;
	s6 =	smul.u32 $0x280, s0;
	s8 =	sshll.u32 s0, $0x1  }
0x4: {  	s1 =	rddreg [dreg:$0x2];
	s7 =	smul.u32 $0x2800, s5;
	s8 =	sor.u32 s5, s8  }
0x5: {  	[smem:$0x7FF] =	sst s3;
	s10 =	sadd.s32 $0x1E00, s4;
	s9 =	smul.u32 $0x2780, s8  }
0x6: {  	p0 =	sgt.u32 s0, $0x1;
	s29 =	ssub.s32 $0x2, s5;
	s8 =	smul.u32 $0x2700, s8  }
0x7: {  	_ =	strace $0x80000047;
	s5 =	sshrl.u32 s29, $0x1;
	s7 =	sadd.s32 s6, s7  }
0x8: {  	s11 =	ssub.s32 s29, s5;
	s7 =	sshrl.u32 s7, $0x3;
	s8 =	sshrl.u32 s8, $0x3  }
0x9: {  	s9 =	sshrl.u32 s9, $0x3;
	s7 =	sadd.s32 s7, s4;
	s30 =	sadd.s32 s10, s8  }
0xa: {  	s31 =	sadd.s32 s10, s9;
	s4 =	sadd.s32 s6, s2;
	s8 =	smax.u32 s11, $0x1  }
0xb: {  	s9 =	simm.s32 $0x3160;
	s10 =	simm.s32 $0x2;
	s11 =	simm.s32 $0x0  }
0xc: {  	v0 =	vimm.f32 $0.0e+00;
	v1 =	vimm.f32 $1.000000000e+00;
	s5 =	sadd.s32 $0x9C80, s30;
	s6 =	sadd.s32 $0x9C40, s31;
	s7 =	sadd.s32 $0x15800, s7  }
.LBB2_1:
0xd: {  	[tilespmem:$0x3160] =	vst v0  }
0xe: {  	[tilespmem:$0x3170] =	vst v0  }
0xf: {  	[tilespmem:$0x3180] =	vst v0  }
0x10: {  	[tilespmem:$0x3190] =	vst v0  }
0x11: {  	[tilespmem:$0x31A0] =	vst v0  }
0x12: {  	[tilespmem:$0x31B0] =	vst v0  }
0x13: {  	[tilespmem:$0x31C0] =	vst v0  }
0x14: {  	[tilespmem:$0x31D0] =	vst v0  }
0x15: {  	[tilespmem:$0x31E0] =	vst v0  }
0x16: {  	[tilespmem:$0x31F0] =	vst v0  }
0x17: {  	[tilespmem:$0x3200] =	vst v0  }
0x18: {  	[tilespmem:$0x3210] =	vst v0  }
0x19: {  	[tilespmem:$0x3220] =	vst v0  }
0x1a: {  	[tilespmem:$0x3230] =	vst v0  }
0x1b: {  	[tilespmem:$0x3240] =	vst v0  }
0x1c: {  	[tilespmem:$0x3250] =	vst v0  }
0x1d: {  	[tilespmem:$0x3260] =	vst v0  }
0x1e: {  	[tilespmem:$0x3270] =	vst v0  }
0x1f: {  	[tilespmem:$0x3280] =	vst v0  }
0x20: {  	[tilespmem:$0x3290] =	vst v0  }
0x21: {  	[tilespmem:$0x32A0] =	vst v0  }
0x22: {  	[tilespmem:$0x32B0] =	vst v0  }
0x23: {  	[tilespmem:$0x32C0] =	vst v0  }
0x24: {  	[tilespmem:$0x32D0] =	vst v0  }
0x25: {  	[tilespmem:$0x32E0] =	vst v0  }
0x26: {  	[tilespmem:$0x32F0] =	vst v0  }
0x27: {  	[tilespmem:$0x3300] =	vst v0  }
0x28: {  	[tilespmem:$0x3310] =	vst v0  }
0x29: {  	[tilespmem:$0x3320] =	vst v0  }
0x2a: {  	[tilespmem:$0x3330] =	vst v0  }
0x2b: {  	[tilespmem:$0x3340] =	vst v0  }
0x2c: {  	[tilespmem:$0x3350] =	vst v0  }
0x2d: {  	[tilespmem:$0x3360] =	vst v0  }
0x2e: {  	[tilespmem:$0x3370] =	vst v0  }
0x2f: {  	[tilespmem:$0x3380] =	vst v0  }
0x30: {  	[tilespmem:$0x3390] =	vst v0  }
0x31: {  	[tilespmem:$0x33A0] =	vst v0  }
0x32: {  	[tilespmem:$0x33B0] =	vst v0  }
0x33: {  	[tilespmem:$0x33C0] =	vst v0  }
0x34: {  	[tilespmem:$0x33D0] =	vst v0;
	s12 =	simm.s32 $0x40;
	s13 =	simm.s32 $0x0  }
.LBB2_2:
0x35: {  	p1 =	sne.s32 s12, $0x2740;
	[tilespmem:s13+$0x2780] =	vst v1;
	s13 =	smov.u32 s12;
	s12 =	sadd.s32 $0x40, s12  }
.Ltmp0:
0x36: {  	(pc) =	sbr.rel @p1 .LBB2_2-.Ltmp0, $2  }
0x37: {  	_ =	sdelay $0x2  }
0x38: {  	s13 =	sshra.s32 s13, $0x2  }
0x39: {  	[tilespmem:s13+$0x2780] =	vst v1  }
0x3a: {  	[spmem:s4] =	stream.linear.scatter [tilespmem:s9], [sflag:$0x2], $0x280, $0x38;
	[tilespmem:$0x3660] =	vst v63  }
0x3b: {  	_ =	swait.ge [sflag:s10], $0x280  }
0x3c: {  	[sflag:s10] =	ssyncset.done $0x0  }
0x3d: {  	s12 =	simm.s32 @p0 $0x0;
	s13 =	simm.s32 @p0 $0x2;
	[sflag:s10] =	ssyncadd.s32 $0xFFFFFD80  }
0x3e: {  	[tilespmem:s12], [sflag:$0x2] =	stream.linear.gather @p0 [hbm4b:s5+s12], $0x2700, $0x38;
	[tilespmem:$0x3660] =	vst v63  }
0x3f: {  	_ =	swait.ge @p0 [sflag:s13], $0x2700  }
0x40: {  	[sflag:s13] =	ssyncset.done @p0 $0x0  }
0x41: {  	[sflag:s13] =	ssyncadd.s32 @p0 $0xFFFFD900  }
0x42: {  	s14 =	simm.s32 @p0 $0x2780;
	s13 =	simm.s32 @p0 $0x9C0;
	[bflag:$0x0] =	sbarrier.arrive @p0 $0xFFFF  }
0x43: {  	[spmem:s2] =	stream.indirect.scatter.add.f32 @p0 [tilespmem:s14], [sflag:$0x1], $0x1, s12, s13, $0xb8;
	[tilespmem:$0x3660] =	vst v63  }
0x44: {  	_ = 	snop  }
0x45: {  	[spmem:s2] =	stream.indirect.scatter.add.f32 @p0 [tilespmem:s14], [sflag:$0x1], $0x1, s13, s13, $0xb8;
	[tilespmem:$0x3660] =	vst v63  }
0x46: {  	s12 =	simm.s32 @p0 $0x1380  }
0x47: {  	[spmem:s2] =	stream.indirect.scatter.add.f32 @p0 [tilespmem:s14], [sflag:$0x1], $0x1, s12, s13, $0xb8;
	[tilespmem:$0x3660] =	vst v63  }
0x48: {  	s12 =	simm.s32 @p0 $0x1D40  }
0x49: {  	[spmem:s2] =	stream.indirect.scatter.add.f32 @p0 [tilespmem:s14], [sflag:$0x1], $0x1, s12, s13, $0xb8;
	[tilespmem:$0x3660] =	vst v63  }
0x4a: {  	s12 =	simm.s32 @p0 $0x1  }
0x4b: {  	_ =	swait.ge @p0 [sflag:s12], $0x9C0  }
0x4c: {  	[sflag:s12] =	ssyncset.done @p0 $0x0  }
0x4d: {  	[sflag:s12] =	ssyncadd.s32 @p0 $0xFFFFF640  }
0x4e: {  	_ =	swait.ge @p0 [sflag:s12], $0x9C0  }
0x4f: {  	[sflag:s12] =	ssyncset.done @p0 $0x0  }
0x50: {  	[sflag:s12] =	ssyncadd.s32 @p0 $0xFFFFF640  }
0x51: {  	_ =	swait.ge @p0 [sflag:s12], $0x9C0  }
0x52: {  	[sflag:s12] =	ssyncset.done @p0 $0x0  }
0x53: {  	[sflag:s12] =	ssyncadd.s32 @p0 $0xFFFFF640  }
0x54: {  	_ =	swait.ge @p0 [sflag:s12], $0x9C0  }
0x55: {  	[sflag:s12] =	ssyncset.done @p0 $0x0  }
0x56: {  	s13 =	simm.s32 @!p0 $0x2;
	[sflag:s12] =	ssyncadd.s32 @p0 $0xFFFFF640;
	s12 =	simm.s32 @!p0 $0x0  }
0x57: {  	[tilespmem:s12], [sflag:$0x2] =	stream.linear.gather @!p0 [hbm4b:s6+s12], $0x2780, $0x38;
	[tilespmem:$0x3660] =	vst v63  }
0x58: {  	_ =	swait.ge @!p0 [sflag:s13], $0x2780  }
0x59: {  	[sflag:s13] =	ssyncset.done @!p0 $0x0  }
0x5a: {  	[sflag:s13] =	ssyncadd.s32 @!p0 $0xFFFFD880  }
0x5b: {  	s14 =	simm.s32 @!p0 $0x2780;
	s13 =	simm.s32 @!p0 $0x9E0;
	[bflag:$0x0] =	sbarrier.arrive @!p0 $0xFFFF  }
0x5c: {  	[spmem:s2] =	stream.indirect.scatter.add.f32 @!p0 [tilespmem:s14], [sflag:$0x1], $0x1, s12, s13, $0xb8;
	[tilespmem:$0x3660] =	vst v63  }
0x5d: {  	_ = 	snop  }
0x5e: {  	[spmem:s2] =	stream.indirect.scatter.add.f32 @!p0 [tilespmem:s14], [sflag:$0x1], $0x1, s13, s13, $0xb8;
	[tilespmem:$0x3660] =	vst v63  }
0x5f: {  	s12 =	simm.s32 @!p0 $0x13C0  }
0x60: {  	[spmem:s2] =	stream.indirect.scatter.add.f32 @!p0 [tilespmem:s14], [sflag:$0x1], $0x1, s12, s13, $0xb8;
	[tilespmem:$0x3660] =	vst v63  }
0x61: {  	s12 =	simm.s32 @!p0 $0x1DA0  }
0x62: {  	[spmem:s2] =	stream.indirect.scatter.add.f32 @!p0 [tilespmem:s14], [sflag:$0x1], $0x1, s12, s13, $0xb8;
	[tilespmem:$0x3660] =	vst v63  }
0x63: {  	s12 =	simm.s32 @!p0 $0x1  }
0x64: {  	_ =	swait.ge @!p0 [sflag:s12], $0x9E0  }
0x65: {  	[sflag:s12] =	ssyncset.done @!p0 $0x0  }
0x66: {  	[sflag:s12] =	ssyncadd.s32 @!p0 $0xFFFFF620  }
0x67: {  	_ =	swait.ge @!p0 [sflag:s12], $0x9E0  }
0x68: {  	[sflag:s12] =	ssyncset.done @!p0 $0x0  }
0x69: {  	[sflag:s12] =	ssyncadd.s32 @!p0 $0xFFFFF620  }
0x6a: {  	_ =	swait.ge @!p0 [sflag:s12], $0x9E0  }
0x6b: {  	[sflag:s12] =	ssyncset.done @!p0 $0x0  }
0x6c: {  	[sflag:s12] =	ssyncadd.s32 @!p0 $0xFFFFF620  }
0x6d: {  	_ =	swait.ge @!p0 [sflag:s12], $0x9E0  }
0x6e: {  	[sflag:s12] =	ssyncset.done @!p0 $0x0  }
0x6f: {  	[sflag:s12] =	ssyncadd.s32 @!p0 $0xFFFFF620  }
0x70: {  	[bflag:$0x0] =	sbarrier.arrive $0xFFFF  }
0x71: {  	[tilespmem:s9], [sflag:$0x2] =	stream.linear.gather [spmem:s4], $0x280, $0x38;
	[tilespmem:$0x3660] =	vst v63  }
0x72: {  	s11 =	sadd.s32 $0x1, s11;
	_ =	swait.ge [sflag:s10], $0x280  }
0x73: {  	p1 =	sne.s32 s11, s8;
	[sflag:s10] =	ssyncset.done $0x0  }
.Ltmp1:
0x74: {  	[sflag:s10] =	ssyncadd.s32 $0xFFFFFD80;
	(pc) =	sbr.rel @p1 .LBB2_1-.Ltmp1, $4  }
0x75: {  	[hbm4b:s7+s3] =	stream.linear.scatter [tilespmem:s9], [sflag:$0x2], $0x280, $0x38;
	[tilespmem:$0x3660] =	vst v63  }
0x76: {  	_ =	swait.ge [sflag:s10], $0x280  }
0x77: {  	[sflag:s10] =	ssyncset.done $0x0  }
0x78: {  	[sflag:s10] =	ssyncadd.s32 $0xFFFFFD80  }
0x79: {  	_ =	sfence.sel $0x180000  }
0x7a: {  	[bflag:$0x0] =	sbarrier.arrive $0xFFFF  }
0x7b: {  	p0 =	sne.s32 s0, $0x0;
	_ =	strace $0x90000047  }
0x7c: {  	s0 =	sadd.s32 @!p0 $0x100000, s1;
	[bflag:$0x2] =	sbarrier.arrive $0xFFFF  }
0x7d: {  	[sflag:s0] =	ssyncadd.tile.s32 @!p0 $0x1;
	_ =	shalt  }
.Lfunc_end2:
_tile_overlayer_lowered:
.L_overlay_start_2:
0x7e: {  	(tag) =	ssettag $0x2  }
0x7f: {  	s0 =	rddreg [dreg:$0x0];
	s2 =	stileid.u32  }
0x80: {  	s1 =	rddreg [dreg:$0x1];
	p0 =	sne.s32 s2, $0x0  }
0x81: {  	s3 =	rddreg [dreg:$0x2];
	[bflag:$0x3] =	sbarrier.arrive $0xFFFF;
	s2 =	simm.s32 @!p0 $0x1C02  }
0x82: {  	[timem:s3], [sflag:s2] =	dma.local @!p0 [hbm:s0], s1  }
0x83: {  	s0 =	simm.s32 @!p0 $0x2  }
0x84: {  	_ =	swait.ge @!p0 [sflag:s0], s1  }
0x85: {  	s1 =	ssub.s32 @!p0 $0x0, s1;
	[sflag:s0] =	ssyncset.done @!p0 $0x0  }
0x86: {  	[sflag:s0] =	ssyncadd.s32 @!p0 s1  }
0x87: {  	[bflag:$0x3] =	sbarrier.arrive $0xFFFF  }
0x88: {  	_ =	shalt  }

</sc_bundles>
